<compile_context>
chip_gen: v7x
topology: tpu7x:2x2x1
jax: 0.10.2.dev20260603
libtpu: 0.0.44.dev20260713+nightly
codegen_flags: <defaults>
</compile_context>

<pallas_src>
import functools

import jax
import jax.numpy as jnp
from jax import lax
from jax.experimental import pallas as pl
from jax.experimental.pallas import tpu as pltpu
from jax.experimental.pallas import tpu_sc as plsc

_MARK_AX = 0
_OP_SHL = 1
_OP_SHR = 2
_ALU_LO = 4
_ALU_HI = 20
_AX_CARRY_LO = 36
_OUTPUT_LO = 52
_OUTPUT_HI = 68

_CHUNK = 256

_DNUMS = lax.GatherDimensionNumbers(
    offset_dims=(), collapsed_slice_dims=(0,), start_index_map=(0,))


def _shuf(v, perm):
    return lax.gather(v, perm[:, None], _DNUMS, slice_sizes=(1,),
                      mode=lax.GatherScatterMode.PROMISE_IN_BOUNDS)


def kernel(x_bd, powers):
    del powers
    b, s, d = x_bd.shape
    n = b * s
    x = x_bd.reshape(n, d)

    info = plsc.get_sparse_core_info()
    nc, ns = info.num_cores, info.num_subcores
    nw = nc * ns
    tpw = n // nw
    c = min(_CHUNK, tpw)
    mesh = plsc.VectorSubcoreMesh(core_axis_name="c", subcore_axis_name="s")

    nchunks = tpw // c

    @functools.partial(
        pl.kernel,
        out_type=jax.ShapeDtypeStruct((n, d), jnp.float32),
        mesh=mesh,
        scratch_types=[
            pltpu.VMEM((c, d), jnp.float32),
            pltpu.VMEM((c, d), jnp.float32),
            pltpu.SemaphoreType.DMA,
            pltpu.SemaphoreType.DMA,
            pltpu.SemaphoreType.DMA,
            pltpu.SemaphoreType.DMA,
        ],
    )
    def sc_kernel(x_hbm, out_hbm, buf0, buf1, si0, si1, so0, so1):
        wid = lax.axis_index("s") * nc + lax.axis_index("c")
        base0 = wid * tpw
        bufs = (buf0, buf1)
        sin = (si0, si1)
        sout = (so0, so1)

        def start_load(g):
            return pltpu.async_copy(
                x_hbm.at[pl.ds(base0 + g * c, c)], bufs[g % 2], sin[g % 2])

        def start_store(g):
            return pltpu.async_copy(
                bufs[g % 2], out_hbm.at[pl.ds(base0 + g * c, c)], sout[g % 2])

        def compute(buf):

            @pl.loop(0, c // 2, unroll=2)
            def _pair_loop(kk):
                t_a = kk * 2
                t_b = t_a + 1
                iota = lax.iota(jnp.int32, 16)
                half_f = (iota & 7).astype(jnp.float32)
                mask_lo = iota < 8

                def argmax16_pair(offs):
                    a = buf[t_a, pl.ds(offs, 16)]
                    b2 = buf[t_b, pl.ds(offs, 16)]
                    p = jnp.where(mask_lo, a, _shuf(b2, iota ^ 8))
                    q = jnp.where(mask_lo, _shuf(a, iota ^ 8), b2)
                    r = jnp.maximum(p, q)
                    for sft in (1, 2, 4):
                        r = jnp.maximum(r, _shuf(r, iota ^ sft))
                    cand = jnp.minimum(
                        jnp.where(p == r, half_f, 16.0),
                        jnp.where(q == r, half_f + 8.0, 16.0))
                    for sft in (1, 2, 4):
                        cand = jnp.minimum(cand, _shuf(cand, iota ^ sft))
                    return cand

                val_lo = argmax16_pair(_ALU_LO)
                val_hi = argmax16_pair(_ALU_HI)
                sh_i = argmax16_pair(_AX_CARRY_LO).astype(jnp.int32)

                head_a = buf[t_a, pl.ds(0, 16)]
                head_b = buf[t_b, pl.ds(0, 16)]

                def flags(h):
                    mark_f = jnp.where(h[_MARK_AX] >= 0.5, 1.0, 0.0)
                    shl_f = jnp.where(h[_OP_SHL] > 0.5, 1.0, 0.0)
                    shr_f = jnp.where(h[_OP_SHR] > 0.5, 1.0, 0.0) * (
                        1.0 - shl_f)
                    return 2.0 * mark_f * (shl_f + shr_f), shl_f

                act2_a, shl_a = flags(head_a)
                act2_b, shl_b = flags(head_b)
                shl_half = jnp.where(mask_lo, shl_a, shl_b)

                value = val_lo + val_hi * 16.0
                power = lax.bitcast_convert_type((sh_i + 127) << 23,
                                                 jnp.float32)
                inv_power = lax.bitcast_convert_type((127 - sh_i) << 23,
                                                     jnp.float32)
                res_shl = jnp.bitwise_and((value * power).astype(jnp.int32),
                                          255)
                res_shr = (value * inv_power).astype(jnp.int32)
                result = jnp.where(shl_half > 0.5, res_shl, res_shr)

                res_a = _shuf(result, iota & 7)
                res_b = _shuf(result, (iota & 7) | 8)

                add_lo_a = jnp.where(iota == (res_a & 15), act2_a, 0.0)
                add_hi_a = jnp.where(iota == ((res_a >> 4) & 15), act2_a, 0.0)
                add_lo_b = jnp.where(iota == (res_b & 15), act2_b, 0.0)
                add_hi_b = jnp.where(iota == ((res_b >> 4) & 15), act2_b, 0.0)
                plsc.addupdate(buf.at[t_a, pl.ds(_OUTPUT_LO, 16)], add_lo_a)
                plsc.addupdate(buf.at[t_a, pl.ds(_OUTPUT_HI, 16)], add_hi_a)
                plsc.addupdate(buf.at[t_b, pl.ds(_OUTPUT_LO, 16)], add_lo_b)
                plsc.addupdate(buf.at[t_b, pl.ds(_OUTPUT_HI, 16)], add_hi_b)

        loads = {0: start_load(0)}
        stores = {}
        for g in range(nchunks):
            if g + 1 < nchunks:
                if g - 1 >= 0:
                    stores[g - 1].wait()
                loads[g + 1] = start_load(g + 1)
            loads[g].wait()
            compute(bufs[g % 2])
            stores[g] = start_store(g)
        for g in range(max(0, nchunks - 2), nchunks):
            stores[g].wait()

    return sc_kernel(x).reshape(b, s, d)

# --- scband reference (transcript-rebuilt; emitter-appended) ---
"""Pipeline reference for scband-byte-shift-power-of2-7945689497934 (READ-ONLY COPY).

The authoritative reference and input builder live on the scoring server;
editing this copy changes nothing except your own understanding.
"""

import jax, jax.numpy as jnp
import numpy as np

MARK_AX = 0
OP_SHL = 1
OP_SHR = 2
ALU_LO = 4
ALU_HI = 20
AX_CARRY_LO = 36
OUTPUT_LO = 52
OUTPUT_HI = 68


def setup_inputs(seed: int = 0) -> dict:
    key = jax.random.key(seed)
    x_bd = jax.random.uniform(key, (8, 2048, 128), dtype=jnp.float32)
    powers = jnp.array([2.0 ** i for i in range(32)], dtype=jnp.float32)
    return {"x_bd": x_bd, "powers": powers}


def reference(x_bd, powers):
    # Decode operands (gathers/argmax per token)
    mark = x_bd[..., MARK_AX] >= 0.5
    val_lo = jnp.argmax(x_bd[..., ALU_LO:ALU_LO + 16], axis=-1)
    val_hi = jnp.argmax(x_bd[..., ALU_HI:ALU_HI + 16], axis=-1)
    value = val_lo + (val_hi << 4)
    shift_amt = jnp.minimum(jnp.argmax(x_bd[..., AX_CARRY_LO:AX_CARRY_LO + 16], axis=-1), 31)
    power = jnp.take(powers, shift_amt)

    shl = x_bd[..., OP_SHL] > 0.5
    shr = jnp.logical_and(jnp.logical_not(shl), x_bd[..., OP_SHR] > 0.5)
    active = jnp.logical_and(mark, jnp.logical_or(shl, shr))

    # SHL: int(value * 2^s) & 255 ; SHR: int(value / 2^s) (value >= 0 so trunc == floor)
    res_shl = jnp.bitwise_and((value.astype(jnp.float32) * power).astype(jnp.int32), 255)
    res_shr = (value.astype(jnp.float32) / power).astype(jnp.int32)
    result = jnp.where(shl, res_shl, res_shr)

    r_lo = jnp.bitwise_and(result, 15)
    r_hi = jnp.bitwise_and(result >> 4, 15)

    lanes = jnp.arange(16)
    oh_lo = (lanes[None, None, :] == r_lo[..., None]).astype(jnp.float32)
    oh_hi = (lanes[None, None, :] == r_hi[..., None]).astype(jnp.float32)
    a = active[..., None].astype(jnp.float32)

    # Scatter-add +2.0 into the selected OUTPUT nibble lanes (overwrite-free scatter-add)
    x_out = x_bd
    x_out = x_out.at[..., OUTPUT_LO:OUTPUT_LO + 16].add(2.0 * a * oh_lo)
    x_out = x_out.at[..., OUTPUT_HI:OUTPUT_HI + 16].add(2.0 * a * oh_hi)
    return x_out

if __name__ == "__main__":
    import jax
    _d = setup_inputs()
    print(jax.jit(kernel)(*tuple(_d.values())))

</pallas_src>

<mosaic_0001>
#map = affine_map<(d0, d1) -> (0, 0)>
module attributes {stable_mosaic.version = 14 : i64} {
  func.func @sc_kernel(%arg0: i32, %arg1: i32, %arg2: memref<16384x128xf32, #tpu.memory_space<hbm>>, %arg3: memref<16384x128xf32, #tpu.memory_space<hbm>>, %arg4: memref<256x128xf32, #tpu.memory_space<vmem>>, %arg5: memref<256x128xf32, #tpu.memory_space<vmem>>, %arg6: memref<!tpu.dma_semaphore, #tpu.memory_space<semaphore_mem>>, %arg7: memref<!tpu.dma_semaphore, #tpu.memory_space<semaphore_mem>>, %arg8: memref<!tpu.dma_semaphore, #tpu.memory_space<semaphore_mem>>, %arg9: memref<!tpu.dma_semaphore, #tpu.memory_space<semaphore_mem>>) attributes {dimension_semantics = [#tpu.dimension_semantics<core_parallel>, #tpu.dimension_semantics<subcore_parallel>], iteration_bounds = array<i64: 2, 16>, scalar_prefetch = 0 : i64, scratch_operands = 6 : i64, tpu.core_type = #tpu.core_type<sc_vector_subcore>, window_params = [{transform_indices = #map}, {transform_indices = #map}]} {
    %mul3A = arith.constant 2 : i32
    %mul3A_0 = arith.muli %arg1, %mul3A : i32
    %add3A = arith.addi %mul3A_0, %arg0 : i32
    %mul3A_1 = arith.constant 512 : i32
    %mul3A_2 = arith.muli %add3A, %mul3A_1 : i32
    %add3A_3 = arith.constant 0 : i32
    %add3A_4 = arith.addi %mul3A_2, %add3A_3 : i32
    %dma_start3A = arith.constant 0 : i32
    %dma_start3A_5 = tpu.memref_slice %arg2[%add3A_4, %dma_start3A] : memref<16384x128xf32, #tpu.memory_space<hbm>> -> memref<256x128xf32, #tpu.memory_space<hbm>>
    %dma_start3A_6 = arith.constant 0 : i32
    %dma_start3A_7 = tpu.memref_slice %arg2[%add3A_4, %dma_start3A_6] : memref<16384x128xf32, #tpu.memory_space<hbm>> -> memref<256x128xf32, #tpu.memory_space<hbm>>
    tpu.enqueue_dma source(%dma_start3A_7 : memref<256x128xf32, #tpu.memory_space<hbm>>) target(%arg4 : memref<256x128xf32, #tpu.memory_space<vmem>>) target_semaphore(%arg6 : memref<!tpu.dma_semaphore, #tpu.memory_space<semaphore_mem>>)
    %add3A_8 = arith.constant 256 : i32
    %add3A_9 = arith.addi %mul3A_2, %add3A_8 : i32
    %dma_start3A_10 = arith.constant 0 : i32
    %dma_start3A_11 = tpu.memref_slice %arg2[%add3A_9, %dma_start3A_10] : memref<16384x128xf32, #tpu.memory_space<hbm>> -> memref<256x128xf32, #tpu.memory_space<hbm>>
    %dma_start3A_12 = arith.constant 0 : i32
    %dma_start3A_13 = tpu.memref_slice %arg2[%add3A_9, %dma_start3A_12] : memref<16384x128xf32, #tpu.memory_space<hbm>> -> memref<256x128xf32, #tpu.memory_space<hbm>>
    tpu.enqueue_dma source(%dma_start3A_13 : memref<256x128xf32, #tpu.memory_space<hbm>>) target(%arg5 : memref<256x128xf32, #tpu.memory_space<vmem>>) target_semaphore(%arg7 : memref<!tpu.dma_semaphore, #tpu.memory_space<semaphore_mem>>)
    %dma_wait3A = arith.constant 0 : i32
    %dma_wait3A_14 = tpu.memref_slice %arg2[%add3A_4, %dma_wait3A] : memref<16384x128xf32, #tpu.memory_space<hbm>> -> memref<256x128xf32, #tpu.memory_space<hbm>>
    %dma_wait3A_15 = arith.constant 0 : i32
    %dma_wait3A_16 = tpu.memref_slice %arg2[%add3A_4, %dma_wait3A_15] : memref<16384x128xf32, #tpu.memory_space<hbm>> -> memref<256x128xf32, #tpu.memory_space<hbm>>
    tpu.wait_dma2 semaphore(%arg6 : memref<!tpu.dma_semaphore, #tpu.memory_space<semaphore_mem>>) src(%dma_wait3A_16 : memref<256x128xf32, #tpu.memory_space<hbm>>) dst(%arg4 : memref<256x128xf32, #tpu.memory_space<vmem>>)
    %scan3A = arith.constant 0 : i32
    %scan3A_17 = arith.constant 128 : i32
    %scan3A_18 = arith.addi %scan3A, %scan3A_17 : i32
    %scan3A_19 = arith.constant 2 : i32
    scf.for %scan3A_50 = %scan3A to %scan3A_18 step %scan3A_19  : i32 {
      %mul3A_51 = arith.constant 1 : i32
      %mul3A_52 = arith.muli %scan3A_50, %mul3A_51 : i32
      %add3A_53 = arith.constant 0 : i32
      %add3A_54 = arith.addi %add3A_53, %mul3A_52 : i32
      %mul3A_55 = arith.constant 2 : i32
      %mul3A_56 = arith.muli %add3A_54, %mul3A_55 : i32
      %add3A_57 = arith.constant 1 : i32
      %add3A_58 = arith.addi %mul3A_56, %add3A_57 : i32
      %iota3A = tpu.iota {dimensions = array<i32: 0>} : vector<16xi32>
      %and3A = arith.constant 7 : i32
      %and3A_59 = vector.broadcast %and3A : i32 to vector<16xi32>
      %and3A_60 = arith.andi %iota3A, %and3A_59 : vector<16xi32>
      %convert_element_type3A = arith.sitofp %and3A_60 : vector<16xi32> to vector<16xf32>
      %lt3A = arith.constant 8 : i32
      %lt3A_61 = vector.broadcast %lt3A : i32 to vector<16xi32>
      %lt3A_62 = arith.cmpi slt, %iota3A, %lt3A_61 : vector<16xi32>
      %get3A = arith.index_cast %mul3A_56 : i32 to index
      %get3A_63 = arith.constant 4 : index
      %get3A_64 = tpu.vector_load %arg4[%get3A, %get3A_63] {strides = array<i32>} : memref<256x128xf32, #tpu.memory_space<vmem>>, vector<1x16xf32>,
      %get3A_65 = vector.shape_cast %get3A_64 : vector<1x16xf32> to vector<16xf32>
      %get3A_66 = arith.index_cast %add3A_58 : i32 to index
      %get3A_67 = arith.constant 4 : index
      %get3A_68 = tpu.vector_load %arg4[%get3A_66, %get3A_67] {strides = array<i32>} : memref<256x128xf32, #tpu.memory_space<vmem>>, vector<1x16xf32>,
      %get3A_69 = vector.shape_cast %get3A_68 : vector<1x16xf32> to vector<16xf32>
      %xor3A = arith.constant 8 : i32
      %xor3A_70 = vector.broadcast %xor3A : i32 to vector<16xi32>
      %xor3A_71 = arith.xori %iota3A, %xor3A_70 : vector<16xi32>
      %broadcast_in_dim3A = vector.shape_cast %xor3A_71 : vector<16xi32> to vector<16x1xi32>
      %gather3A = vector.shape_cast %broadcast_in_dim3A : vector<16x1xi32> to vector<16xi32>
      %gather3A_72 = tpu.dynamic_gather %get3A_69[%gather3A] in [0] : vector<16xf32>, vector<16xi32> -> vector<16xf32>
      %select_n3A = arith.select %lt3A_62, %get3A_65, %gather3A_72 : vector<16xi1>, vector<16xf32>
      %xor3A_73 = arith.constant 8 : i32
      %xor3A_74 = vector.broadcast %xor3A_73 : i32 to vector<16xi32>
      %xor3A_75 = arith.xori %iota3A, %xor3A_74 : vector<16xi32>
      %broadcast_in_dim3A_76 = vector.shape_cast %xor3A_75 : vector<16xi32> to vector<16x1xi32>
      %gather3A_77 = vector.shape_cast %broadcast_in_dim3A_76 : vector<16x1xi32> to vector<16xi32>
      %gather3A_78 = tpu.dynamic_gather %get3A_65[%gather3A_77] in [0] : vector<16xf32>, vector<16xi32> -> vector<16xf32>
      %select_n3A_79 = arith.select %lt3A_62, %gather3A_78, %get3A_69 : vector<16xi1>, vector<16xf32>
      %max3A = arith.maximumf %select_n3A, %select_n3A_79 : vector<16xf32>
      %xor3A_80 = arith.constant 1 : i32
      %xor3A_81 = vector.broadcast %xor3A_80 : i32 to vector<16xi32>
      %xor3A_82 = arith.xori %iota3A, %xor3A_81 : vector<16xi32>
      %broadcast_in_dim3A_83 = vector.shape_cast %xor3A_82 : vector<16xi32> to vector<16x1xi32>
      %gather3A_84 = vector.shape_cast %broadcast_in_dim3A_83 : vector<16x1xi32> to vector<16xi32>
      %gather3A_85 = tpu.dynamic_gather %max3A[%gather3A_84] in [0] : vector<16xf32>, vector<16xi32> -> vector<16xf32>
      %max3A_86 = arith.maximumf %max3A, %gather3A_85 : vector<16xf32>
      %xor3A_87 = arith.constant 2 : i32
      %xor3A_88 = vector.broadcast %xor3A_87 : i32 to vector<16xi32>
      %xor3A_89 = arith.xori %iota3A, %xor3A_88 : vector<16xi32>
      %broadcast_in_dim3A_90 = vector.shape_cast %xor3A_89 : vector<16xi32> to vector<16x1xi32>
      %gather3A_91 = vector.shape_cast %broadcast_in_dim3A_90 : vector<16x1xi32> to vector<16xi32>
      %gather3A_92 = tpu.dynamic_gather %max3A_86[%gather3A_91] in [0] : vector<16xf32>, vector<16xi32> -> vector<16xf32>
      %max3A_93 = arith.maximumf %max3A_86, %gather3A_92 : vector<16xf32>
      %xor3A_94 = arith.constant 4 : i32
      %xor3A_95 = vector.broadcast %xor3A_94 : i32 to vector<16xi32>
      %xor3A_96 = arith.xori %iota3A, %xor3A_95 : vector<16xi32>
      %broadcast_in_dim3A_97 = vector.shape_cast %xor3A_96 : vector<16xi32> to vector<16x1xi32>
      %gather3A_98 = vector.shape_cast %broadcast_in_dim3A_97 : vector<16x1xi32> to vector<16xi32>
      %gather3A_99 = tpu.dynamic_gather %max3A_93[%gather3A_98] in [0] : vector<16xf32>, vector<16xi32> -> vector<16xf32>
      %max3A_100 = arith.maximumf %max3A_93, %gather3A_99 : vector<16xf32>
      %eq3A = arith.cmpf oeq, %select_n3A, %max3A_100 : vector<16xf32>
      %jit3A = arith.constant 1.600000e+01 : f32
      %broadcast_in_dim3A_101 = vector.broadcast %jit3A : f32 to vector<16xf32>
      %select_n3A_102 = arith.select %eq3A, %convert_element_type3A, %broadcast_in_dim3A_101 : vector<16xi1>, vector<16xf32>
      %eq3A_103 = arith.cmpf oeq, %select_n3A_79, %max3A_100 : vector<16xf32>
      %add3A_104 = arith.constant 8.000000e+00 : f32
      %add3A_105 = vector.broadcast %add3A_104 : f32 to vector<16xf32>
      %add3A_106 = arith.addf %convert_element_type3A, %add3A_105 : vector<16xf32>
      %jit3A_107 = arith.constant 1.600000e+01 : f32
      %broadcast_in_dim3A_108 = vector.broadcast %jit3A_107 : f32 to vector<16xf32>
      %select_n3A_109 = arith.select %eq3A_103, %add3A_106, %broadcast_in_dim3A_108 : vector<16xi1>, vector<16xf32>
      %min3A = arith.minimumf %select_n3A_102, %select_n3A_109 : vector<16xf32>
      %xor3A_110 = arith.constant 1 : i32
      %xor3A_111 = vector.broadcast %xor3A_110 : i32 to vector<16xi32>
      %xor3A_112 = arith.xori %iota3A, %xor3A_111 : vector<16xi32>
      %broadcast_in_dim3A_113 = vector.shape_cast %xor3A_112 : vector<16xi32> to vector<16x1xi32>
      %gather3A_114 = vector.shape_cast %broadcast_in_dim3A_113 : vector<16x1xi32> to vector<16xi32>
      %gather3A_115 = tpu.dynamic_gather %min3A[%gather3A_114] in [0] : vector<16xf32>, vector<16xi32> -> vector<16xf32>
      %min3A_116 = arith.minimumf %min3A, %gather3A_115 : vector<16xf32>
      %xor3A_117 = arith.constant 2 : i32
      %xor3A_118 = vector.broadcast %xor3A_117 : i32 to vector<16xi32>
      %xor3A_119 = arith.xori %iota3A, %xor3A_118 : vector<16xi32>
      %broadcast_in_dim3A_120 = vector.shape_cast %xor3A_119 : vector<16xi32> to vector<16x1xi32>
      %gather3A_121 = vector.shape_cast %broadcast_in_dim3A_120 : vector<16x1xi32> to vector<16xi32>
      %gather3A_122 = tpu.dynamic_gather %min3A_116[%gather3A_121] in [0] : vector<16xf32>, vector<16xi32> -> vector<16xf32>
      %min3A_123 = arith.minimumf %min3A_116, %gather3A_122 : vector<16xf32>
      %xor3A_124 = arith.constant 4 : i32
      %xor3A_125 = vector.broadcast %xor3A_124 : i32 to vector<16xi32>
      %xor3A_126 = arith.xori %iota3A, %xor3A_125 : vector<16xi32>
      %broadcast_in_dim3A_127 = vector.shape_cast %xor3A_126 : vector<16xi32> to vector<16x1xi32>
      %gather3A_128 = vector.shape_cast %broadcast_in_dim3A_127 : vector<16x1xi32> to vector<16xi32>
      %gather3A_129 = tpu.dynamic_gather %min3A_123[%gather3A_128] in [0] : vector<16xf32>, vector<16xi32> -> vector<16xf32>
      %min3A_130 = arith.minimumf %min3A_123, %gather3A_129 : vector<16xf32>
      %get3A_131 = arith.index_cast %mul3A_56 : i32 to index
      %get3A_132 = arith.constant 20 : index
      %get3A_133 = tpu.vector_load %arg4[%get3A_131, %get3A_132] {strides = array<i32>} : memref<256x128xf32, #tpu.memory_space<vmem>>, vector<1x16xf32>,
      %get3A_134 = vector.shape_cast %get3A_133 : vector<1x16xf32> to vector<16xf32>
      %get3A_135 = arith.index_cast %add3A_58 : i32 to index
      %get3A_136 = arith.constant 20 : index
      %get3A_137 = tpu.vector_load %arg4[%get3A_135, %get3A_136] {strides = array<i32>} : memref<256x128xf32, #tpu.memory_space<vmem>>, vector<1x16xf32>,
      %get3A_138 = vector.shape_cast %get3A_137 : vector<1x16xf32> to vector<16xf32>
      %xor3A_139 = arith.constant 8 : i32
      %xor3A_140 = vector.broadcast %xor3A_139 : i32 to vector<16xi32>
      %xor3A_141 = arith.xori %iota3A, %xor3A_140 : vector<16xi32>
      %broadcast_in_dim3A_142 = vector.shape_cast %xor3A_141 : vector<16xi32> to vector<16x1xi32>
      %gather3A_143 = vector.shape_cast %broadcast_in_dim3A_142 : vector<16x1xi32> to vector<16xi32>
      %gather3A_144 = tpu.dynamic_gather %get3A_138[%gather3A_143] in [0] : vector<16xf32>, vector<16xi32> -> vector<16xf32>
      %select_n3A_145 = arith.select %lt3A_62, %get3A_134, %gather3A_144 : vector<16xi1>, vector<16xf32>
      %xor3A_146 = arith.constant 8 : i32
      %xor3A_147 = vector.broadcast %xor3A_146 : i32 to vector<16xi32>
      %xor3A_148 = arith.xori %iota3A, %xor3A_147 : vector<16xi32>
      %broadcast_in_dim3A_149 = vector.shape_cast %xor3A_148 : vector<16xi32> to vector<16x1xi32>
      %gather3A_150 = vector.shape_cast %broadcast_in_dim3A_149 : vector<16x1xi32> to vector<16xi32>
      %gather3A_151 = tpu.dynamic_gather %get3A_134[%gather3A_150] in [0] : vector<16xf32>, vector<16xi32> -> vector<16xf32>
      %select_n3A_152 = arith.select %lt3A_62, %gather3A_151, %get3A_138 : vector<16xi1>, vector<16xf32>
      %max3A_153 = arith.maximumf %select_n3A_145, %select_n3A_152 : vector<16xf32>
      %xor3A_154 = arith.constant 1 : i32
      %xor3A_155 = vector.broadcast %xor3A_154 : i32 to vector<16xi32>
      %xor3A_156 = arith.xori %iota3A, %xor3A_155 : vector<16xi32>
      %broadcast_in_dim3A_157 = vector.shape_cast %xor3A_156 : vector<16xi32> to vector<16x1xi32>
      %gather3A_158 = vector.shape_cast %broadcast_in_dim3A_157 : vector<16x1xi32> to vector<16xi32>
      %gather3A_159 = tpu.dynamic_gather %max3A_153[%gather3A_158] in [0] : vector<16xf32>, vector<16xi32> -> vector<16xf32>
      %max3A_160 = arith.maximumf %max3A_153, %gather3A_159 : vector<16xf32>
      %xor3A_161 = arith.constant 2 : i32
      %xor3A_162 = vector.broadcast %xor3A_161 : i32 to vector<16xi32>
      %xor3A_163 = arith.xori %iota3A, %xor3A_162 : vector<16xi32>
      %broadcast_in_dim3A_164 = vector.shape_cast %xor3A_163 : vector<16xi32> to vector<16x1xi32>
      %gather3A_165 = vector.shape_cast %broadcast_in_dim3A_164 : vector<16x1xi32> to vector<16xi32>
      %gather3A_166 = tpu.dynamic_gather %max3A_160[%gather3A_165] in [0] : vector<16xf32>, vector<16xi32> -> vector<16xf32>
      %max3A_167 = arith.maximumf %max3A_160, %gather3A_166 : vector<16xf32>
      %xor3A_168 = arith.constant 4 : i32
      %xor3A_169 = vector.broadcast %xor3A_168 : i32 to vector<16xi32>
      %xor3A_170 = arith.xori %iota3A, %xor3A_169 : vector<16xi32>
      %broadcast_in_dim3A_171 = vector.shape_cast %xor3A_170 : vector<16xi32> to vector<16x1xi32>
      %gather3A_172 = vector.shape_cast %broadcast_in_dim3A_171 : vector<16x1xi32> to vector<16xi32>
      %gather3A_173 = tpu.dynamic_gather %max3A_167[%gather3A_172] in [0] : vector<16xf32>, vector<16xi32> -> vector<16xf32>
      %max3A_174 = arith.maximumf %max3A_167, %gather3A_173 : vector<16xf32>
      %eq3A_175 = arith.cmpf oeq, %select_n3A_145, %max3A_174 : vector<16xf32>
      %jit3A_176 = arith.constant 1.600000e+01 : f32
      %broadcast_in_dim3A_177 = vector.broadcast %jit3A_176 : f32 to vector<16xf32>
      %select_n3A_178 = arith.select %eq3A_175, %convert_element_type3A, %broadcast_in_dim3A_177 : vector<16xi1>, vector<16xf32>
      %eq3A_179 = arith.cmpf oeq, %select_n3A_152, %max3A_174 : vector<16xf32>
      %add3A_180 = arith.constant 8.000000e+00 : f32
      %add3A_181 = vector.broadcast %add3A_180 : f32 to vector<16xf32>
      %add3A_182 = arith.addf %convert_element_type3A, %add3A_181 : vector<16xf32>
      %jit3A_183 = arith.constant 1.600000e+01 : f32
      %broadcast_in_dim3A_184 = vector.broadcast %jit3A_183 : f32 to vector<16xf32>
      %select_n3A_185 = arith.select %eq3A_179, %add3A_182, %broadcast_in_dim3A_184 : vector<16xi1>, vector<16xf32>
      %min3A_186 = arith.minimumf %select_n3A_178, %select_n3A_185 : vector<16xf32>
      %xor3A_187 = arith.constant 1 : i32
      %xor3A_188 = vector.broadcast %xor3A_187 : i32 to vector<16xi32>
      %xor3A_189 = arith.xori %iota3A, %xor3A_188 : vector<16xi32>
      %broadcast_in_dim3A_190 = vector.shape_cast %xor3A_189 : vector<16xi32> to vector<16x1xi32>
      %gather3A_191 = vector.shape_cast %broadcast_in_dim3A_190 : vector<16x1xi32> to vector<16xi32>
      %gather3A_192 = tpu.dynamic_gather %min3A_186[%gather3A_191] in [0] : vector<16xf32>, vector<16xi32> -> vector<16xf32>
      %min3A_193 = arith.minimumf %min3A_186, %gather3A_192 : vector<16xf32>
      %xor3A_194 = arith.constant 2 : i32
      %xor3A_195 = vector.broadcast %xor3A_194 : i32 to vector<16xi32>
      %xor3A_196 = arith.xori %iota3A, %xor3A_195 : vector<16xi32>
      %broadcast_in_dim3A_197 = vector.shape_cast %xor3A_196 : vector<16xi32> to vector<16x1xi32>
      %gather3A_198 = vector.shape_cast %broadcast_in_dim3A_197 : vector<16x1xi32> to vector<16xi32>
      %gather3A_199 = tpu.dynamic_gather %min3A_193[%gather3A_198] in [0] : vector<16xf32>, vector<16xi32> -> vector<16xf32>
      %min3A_200 = arith.minimumf %min3A_193, %gather3A_199 : vector<16xf32>
      %xor3A_201 = arith.constant 4 : i32
      %xor3A_202 = vector.broadcast %xor3A_201 : i32 to vector<16xi32>
      %xor3A_203 = arith.xori %iota3A, %xor3A_202 : vector<16xi32>
      %broadcast_in_dim3A_204 = vector.shape_cast %xor3A_203 : vector<16xi32> to vector<16x1xi32>
      %gather3A_205 = vector.shape_cast %broadcast_in_dim3A_204 : vector<16x1xi32> to vector<16xi32>
      %gather3A_206 = tpu.dynamic_gather %min3A_200[%gather3A_205] in [0] : vector<16xf32>, vector<16xi32> -> vector<16xf32>
      %min3A_207 = arith.minimumf %min3A_200, %gather3A_206 : vector<16xf32>
      %get3A_208 = arith.index_cast %mul3A_56 : i32 to index
      %get3A_209 = arith.constant 36 : index
      %get3A_210 = tpu.vector_load %arg4[%get3A_208, %get3A_209] {strides = array<i32>} : memref<256x128xf32, #tpu.memory_space<vmem>>, vector<1x16xf32>,
      %get3A_211 = vector.shape_cast %get3A_210 : vector<1x16xf32> to vector<16xf32>
      %get3A_212 = arith.index_cast %add3A_58 : i32 to index
      %get3A_213 = arith.constant 36 : index
      %get3A_214 = tpu.vector_load %arg4[%get3A_212, %get3A_213] {strides = array<i32>} : memref<256x128xf32, #tpu.memory_space<vmem>>, vector<1x16xf32>,
      %get3A_215 = vector.shape_cast %get3A_214 : vector<1x16xf32> to vector<16xf32>
      %xor3A_216 = arith.constant 8 : i32
      %xor3A_217 = vector.broadcast %xor3A_216 : i32 to vector<16xi32>
      %xor3A_218 = arith.xori %iota3A, %xor3A_217 : vector<16xi32>
      %broadcast_in_dim3A_219 = vector.shape_cast %xor3A_218 : vector<16xi32> to vector<16x1xi32>
      %gather3A_220 = vector.shape_cast %broadcast_in_dim3A_219 : vector<16x1xi32> to vector<16xi32>
      %gather3A_221 = tpu.dynamic_gather %get3A_215[%gather3A_220] in [0] : vector<16xf32>, vector<16xi32> -> vector<16xf32>
      %select_n3A_222 = arith.select %lt3A_62, %get3A_211, %gather3A_221 : vector<16xi1>, vector<16xf32>
      %xor3A_223 = arith.constant 8 : i32
      %xor3A_224 = vector.broadcast %xor3A_223 : i32 to vector<16xi32>
      %xor3A_225 = arith.xori %iota3A, %xor3A_224 : vector<16xi32>
      %broadcast_in_dim3A_226 = vector.shape_cast %xor3A_225 : vector<16xi32> to vector<16x1xi32>
      %gather3A_227 = vector.shape_cast %broadcast_in_dim3A_226 : vector<16x1xi32> to vector<16xi32>
      %gather3A_228 = tpu.dynamic_gather %get3A_211[%gather3A_227] in [0] : vector<16xf32>, vector<16xi32> -> vector<16xf32>
      %select_n3A_229 = arith.select %lt3A_62, %gather3A_228, %get3A_215 : vector<16xi1>, vector<16xf32>
      %max3A_230 = arith.maximumf %select_n3A_222, %select_n3A_229 : vector<16xf32>
      %xor3A_231 = arith.constant 1 : i32
      %xor3A_232 = vector.broadcast %xor3A_231 : i32 to vector<16xi32>
      %xor3A_233 = arith.xori %iota3A, %xor3A_232 : vector<16xi32>
      %broadcast_in_dim3A_234 = vector.shape_cast %xor3A_233 : vector<16xi32> to vector<16x1xi32>
      %gather3A_235 = vector.shape_cast %broadcast_in_dim3A_234 : vector<16x1xi32> to vector<16xi32>
      %gather3A_236 = tpu.dynamic_gather %max3A_230[%gather3A_235] in [0] : vector<16xf32>, vector<16xi32> -> vector<16xf32>
      %max3A_237 = arith.maximumf %max3A_230, %gather3A_236 : vector<16xf32>
      %xor3A_238 = arith.constant 2 : i32
      %xor3A_239 = vector.broadcast %xor3A_238 : i32 to vector<16xi32>
      %xor3A_240 = arith.xori %iota3A, %xor3A_239 : vector<16xi32>
      %broadcast_in_dim3A_241 = vector.shape_cast %xor3A_240 : vector<16xi32> to vector<16x1xi32>
      %gather3A_242 = vector.shape_cast %broadcast_in_dim3A_241 : vector<16x1xi32> to vector<16xi32>
      %gather3A_243 = tpu.dynamic_gather %max3A_237[%gather3A_242] in [0] : vector<16xf32>, vector<16xi32> -> vector<16xf32>
      %max3A_244 = arith.maximumf %max3A_237, %gather3A_243 : vector<16xf32>
      %xor3A_245 = arith.constant 4 : i32
      %xor3A_246 = vector.broadcast %xor3A_245 : i32 to vector<16xi32>
      %xor3A_247 = arith.xori %iota3A, %xor3A_246 : vector<16xi32>
      %broadcast_in_dim3A_248 = vector.shape_cast %xor3A_247 : vector<16xi32> to vector<16x1xi32>
      %gather3A_249 = vector.shape_cast %broadcast_in_dim3A_248 : vector<16x1xi32> to vector<16xi32>
      %gather3A_250 = tpu.dynamic_gather %max3A_244[%gather3A_249] in [0] : vector<16xf32>, vector<16xi32> -> vector<16xf32>
      %max3A_251 = arith.maximumf %max3A_244, %gather3A_250 : vector<16xf32>
      %eq3A_252 = arith.cmpf oeq, %select_n3A_222, %max3A_251 : vector<16xf32>
      %jit3A_253 = arith.constant 1.600000e+01 : f32
      %broadcast_in_dim3A_254 = vector.broadcast %jit3A_253 : f32 to vector<16xf32>
      %select_n3A_255 = arith.select %eq3A_252, %convert_element_type3A, %broadcast_in_dim3A_254 : vector<16xi1>, vector<16xf32>
      %eq3A_256 = arith.cmpf oeq, %select_n3A_229, %max3A_251 : vector<16xf32>
      %add3A_257 = arith.constant 8.000000e+00 : f32
      %add3A_258 = vector.broadcast %add3A_257 : f32 to vector<16xf32>
      %add3A_259 = arith.addf %convert_element_type3A, %add3A_258 : vector<16xf32>
      %jit3A_260 = arith.constant 1.600000e+01 : f32
      %broadcast_in_dim3A_261 = vector.broadcast %jit3A_260 : f32 to vector<16xf32>
      %select_n3A_262 = arith.select %eq3A_256, %add3A_259, %broadcast_in_dim3A_261 : vector<16xi1>, vector<16xf32>
      %min3A_263 = arith.minimumf %select_n3A_255, %select_n3A_262 : vector<16xf32>
      %xor3A_264 = arith.constant 1 : i32
      %xor3A_265 = vector.broadcast %xor3A_264 : i32 to vector<16xi32>
      %xor3A_266 = arith.xori %iota3A, %xor3A_265 : vector<16xi32>
      %broadcast_in_dim3A_267 = vector.shape_cast %xor3A_266 : vector<16xi32> to vector<16x1xi32>
      %gather3A_268 = vector.shape_cast %broadcast_in_dim3A_267 : vector<16x1xi32> to vector<16xi32>
      %gather3A_269 = tpu.dynamic_gather %min3A_263[%gather3A_268] in [0] : vector<16xf32>, vector<16xi32> -> vector<16xf32>
      %min3A_270 = arith.minimumf %min3A_263, %gather3A_269 : vector<16xf32>
      %xor3A_271 = arith.constant 2 : i32
      %xor3A_272 = vector.broadcast %xor3A_271 : i32 to vector<16xi32>
      %xor3A_273 = arith.xori %iota3A, %xor3A_272 : vector<16xi32>
      %broadcast_in_dim3A_274 = vector.shape_cast %xor3A_273 : vector<16xi32> to vector<16x1xi32>
      %gather3A_275 = vector.shape_cast %broadcast_in_dim3A_274 : vector<16x1xi32> to vector<16xi32>
      %gather3A_276 = tpu.dynamic_gather %min3A_270[%gather3A_275] in [0] : vector<16xf32>, vector<16xi32> -> vector<16xf32>
      %min3A_277 = arith.minimumf %min3A_270, %gather3A_276 : vector<16xf32>
      %xor3A_278 = arith.constant 4 : i32
      %xor3A_279 = vector.broadcast %xor3A_278 : i32 to vector<16xi32>
      %xor3A_280 = arith.xori %iota3A, %xor3A_279 : vector<16xi32>
      %broadcast_in_dim3A_281 = vector.shape_cast %xor3A_280 : vector<16xi32> to vector<16x1xi32>
      %gather3A_282 = vector.shape_cast %broadcast_in_dim3A_281 : vector<16x1xi32> to vector<16xi32>
      %gather3A_283 = tpu.dynamic_gather %min3A_277[%gather3A_282] in [0] : vector<16xf32>, vector<16xi32> -> vector<16xf32>
      %min3A_284 = arith.minimumf %min3A_277, %gather3A_283 : vector<16xf32>
      %convert_element_type3A_285 = arith.fptosi %min3A_284 : vector<16xf32> to vector<16xi32>
      %get3A_286 = arith.index_cast %mul3A_56 : i32 to index
      %get3A_287 = arith.constant 0 : index
      %get3A_288 = tpu.vector_load %arg4[%get3A_286, %get3A_287] {strides = array<i32>} : memref<256x128xf32, #tpu.memory_space<vmem>>, vector<1x16xf32>,
      %get3A_289 = vector.shape_cast %get3A_288 : vector<1x16xf32> to vector<16xf32>
      %get3A_290 = arith.index_cast %add3A_58 : i32 to index
      %get3A_291 = arith.constant 0 : index
      %get3A_292 = tpu.vector_load %arg4[%get3A_290, %get3A_291] {strides = array<i32>} : memref<256x128xf32, #tpu.memory_space<vmem>>, vector<1x16xf32>,
      %get3A_293 = vector.shape_cast %get3A_292 : vector<1x16xf32> to vector<16xf32>
      %slice3A = vector.extract_strided_slice %get3A_289 {offsets = [0], sizes = [1], strides = [1]} : vector<16xf32> to vector<1xf32>
      %squeeze3A = vector.extract %slice3A[0] : f32 from vector<1xf32>
      %ge3A = arith.constant 5.000000e-01 : f32
      %ge3A_294 = arith.cmpf oge, %squeeze3A, %ge3A : f32
      %jit3A_295 = arith.constant 1.000000e+00 : f32
      %jit3A_296 = arith.constant 0.000000e+00 : f32
      %select_n3A_297 = arith.select %ge3A_294, %jit3A_295, %jit3A_296 : f32
      %slice3A_298 = vector.extract_strided_slice %get3A_289 {offsets = [1], sizes = [1], strides = [1]} : vector<16xf32> to vector<1xf32>
      %squeeze3A_299 = vector.extract %slice3A_298[0] : f32 from vector<1xf32>
      %gt3A = arith.constant 5.000000e-01 : f32
      %gt3A_300 = arith.cmpf ogt, %squeeze3A_299, %gt3A : f32
      %jit3A_301 = arith.constant 1.000000e+00 : f32
      %jit3A_302 = arith.constant 0.000000e+00 : f32
      %select_n3A_303 = arith.select %gt3A_300, %jit3A_301, %jit3A_302 : f32
      %slice3A_304 = vector.extract_strided_slice %get3A_289 {offsets = [2], sizes = [1], strides = [1]} : vector<16xf32> to vector<1xf32>
      %squeeze3A_305 = vector.extract %slice3A_304[0] : f32 from vector<1xf32>
      %gt3A_306 = arith.constant 5.000000e-01 : f32
      %gt3A_307 = arith.cmpf ogt, %squeeze3A_305, %gt3A_306 : f32
      %jit3A_308 = arith.constant 1.000000e+00 : f32
      %jit3A_309 = arith.constant 0.000000e+00 : f32
      %select_n3A_310 = arith.select %gt3A_307, %jit3A_308, %jit3A_309 : f32
      %sub3A = arith.constant 1.000000e+00 : f32
      %sub3A_311 = arith.subf %sub3A, %select_n3A_303 : f32
      %mul3A_312 = arith.mulf %select_n3A_310, %sub3A_311 : f32
      %mul3A_313 = arith.constant 2.000000e+00 : f32
      %mul3A_314 = arith.mulf %mul3A_313, %select_n3A_297 : f32
      %add3A_315 = arith.addf %select_n3A_303, %mul3A_312 : f32
      %mul3A_316 = arith.mulf %mul3A_314, %add3A_315 : f32
      %slice3A_317 = vector.extract_strided_slice %get3A_293 {offsets = [0], sizes = [1], strides = [1]} : vector<16xf32> to vector<1xf32>
      %squeeze3A_318 = vector.extract %slice3A_317[0] : f32 from vector<1xf32>
      %ge3A_319 = arith.constant 5.000000e-01 : f32
      %ge3A_320 = arith.cmpf oge, %squeeze3A_318, %ge3A_319 : f32
      %jit3A_321 = arith.constant 1.000000e+00 : f32
      %jit3A_322 = arith.constant 0.000000e+00 : f32
      %select_n3A_323 = arith.select %ge3A_320, %jit3A_321, %jit3A_322 : f32
      %slice3A_324 = vector.extract_strided_slice %get3A_293 {offsets = [1], sizes = [1], strides = [1]} : vector<16xf32> to vector<1xf32>
      %squeeze3A_325 = vector.extract %slice3A_324[0] : f32 from vector<1xf32>
      %gt3A_326 = arith.constant 5.000000e-01 : f32
      %gt3A_327 = arith.cmpf ogt, %squeeze3A_325, %gt3A_326 : f32
      %jit3A_328 = arith.constant 1.000000e+00 : f32
      %jit3A_329 = arith.constant 0.000000e+00 : f32
      %select_n3A_330 = arith.select %gt3A_327, %jit3A_328, %jit3A_329 : f32
      %slice3A_331 = vector.extract_strided_slice %get3A_293 {offsets = [2], sizes = [1], strides = [1]} : vector<16xf32> to vector<1xf32>
      %squeeze3A_332 = vector.extract %slice3A_331[0] : f32 from vector<1xf32>
      %gt3A_333 = arith.constant 5.000000e-01 : f32
      %gt3A_334 = arith.cmpf ogt, %squeeze3A_332, %gt3A_333 : f32
      %jit3A_335 = arith.constant 1.000000e+00 : f32
      %jit3A_336 = arith.constant 0.000000e+00 : f32
      %select_n3A_337 = arith.select %gt3A_334, %jit3A_335, %jit3A_336 : f32
      %sub3A_338 = arith.constant 1.000000e+00 : f32
      %sub3A_339 = arith.subf %sub3A_338, %select_n3A_330 : f32
      %mul3A_340 = arith.mulf %select_n3A_337, %sub3A_339 : f32
      %mul3A_341 = arith.constant 2.000000e+00 : f32
      %mul3A_342 = arith.mulf %mul3A_341, %select_n3A_323 : f32
      %add3A_343 = arith.addf %select_n3A_330, %mul3A_340 : f32
      %mul3A_344 = arith.mulf %mul3A_342, %add3A_343 : f32
      %broadcast_in_dim3A_345 = vector.broadcast %select_n3A_303 : f32 to vector<16xf32>
      %broadcast_in_dim3A_346 = vector.broadcast %select_n3A_330 : f32 to vector<16xf32>
      %select_n3A_347 = arith.select %lt3A_62, %broadcast_in_dim3A_345, %broadcast_in_dim3A_346 : vector<16xi1>, vector<16xf32>
      %mul3A_348 = arith.constant 1.600000e+01 : f32
      %mul3A_349 = vector.broadcast %mul3A_348 : f32 to vector<16xf32>
      %mul3A_350 = arith.mulf %min3A_207, %mul3A_349 : vector<16xf32>
      %add3A_351 = arith.addf %min3A_130, %mul3A_350 : vector<16xf32>
      %add3A_352 = arith.constant 127 : i32
      %add3A_353 = vector.broadcast %add3A_352 : i32 to vector<16xi32>
      %add3A_354 = arith.addi %convert_element_type3A_285, %add3A_353 : vector<16xi32>
      %shift_left3A = arith.constant 23 : i32
      %shift_left3A_355 = vector.broadcast %shift_left3A : i32 to vector<16xi32>
      %shift_left3A_356 = arith.shli %add3A_354, %shift_left3A_355 : vector<16xi32>
      %bitcast_convert_type3A = tpu.bitcast %shift_left3A_356 : vector<16xi32> -> vector<16xf32>
      %sub3A_357 = arith.constant 127 : i32
      %sub3A_358 = vector.broadcast %sub3A_357 : i32 to vector<16xi32>
      %sub3A_359 = arith.subi %sub3A_358, %convert_element_type3A_285 : vector<16xi32>
      %shift_left3A_360 = arith.constant 23 : i32
      %shift_left3A_361 = vector.broadcast %shift_left3A_360 : i32 to vector<16xi32>
      %shift_left3A_362 = arith.shli %sub3A_359, %shift_left3A_361 : vector<16xi32>
      %bitcast_convert_type3A_363 = tpu.bitcast %shift_left3A_362 : vector<16xi32> -> vector<16xf32>
      %mul3A_364 = arith.mulf %add3A_351, %bitcast_convert_type3A : vector<16xf32>
      %convert_element_type3A_365 = arith.fptosi %mul3A_364 : vector<16xf32> to vector<16xi32>
      %and3A_366 = arith.constant 255 : i32
      %and3A_367 = vector.broadcast %and3A_366 : i32 to vector<16xi32>
      %and3A_368 = arith.andi %convert_element_type3A_365, %and3A_367 : vector<16xi32>
      %mul3A_369 = arith.mulf %add3A_351, %bitcast_convert_type3A_363 : vector<16xf32>
      %convert_element_type3A_370 = arith.fptosi %mul3A_369 : vector<16xf32> to vector<16xi32>
      %gt3A_371 = arith.constant 5.000000e-01 : f32
      %gt3A_372 = vector.broadcast %gt3A_371 : f32 to vector<16xf32>
      %gt3A_373 = arith.cmpf ogt, %select_n3A_347, %gt3A_372 : vector<16xf32>
      %select_n3A_374 = arith.select %gt3A_373, %and3A_368, %convert_element_type3A_370 : vector<16xi1>, vector<16xi32>
      %and3A_375 = arith.constant 7 : i32
      %and3A_376 = vector.broadcast %and3A_375 : i32 to vector<16xi32>
      %and3A_377 = arith.andi %iota3A, %and3A_376 : vector<16xi32>
      %broadcast_in_dim3A_378 = vector.shape_cast %and3A_377 : vector<16xi32> to vector<16x1xi32>
      %gather3A_379 = vector.shape_cast %broadcast_in_dim3A_378 : vector<16x1xi32> to vector<16xi32>
      %gather3A_380 = tpu.dynamic_gather %select_n3A_374[%gather3A_379] in [0] : vector<16xi32>, vector<16xi32> -> vector<16xi32>
      %and3A_381 = arith.constant 7 : i32
      %and3A_382 = vector.broadcast %and3A_381 : i32 to vector<16xi32>
      %and3A_383 = arith.andi %iota3A, %and3A_382 : vector<16xi32>
      %or3A = arith.constant 8 : i32
      %or3A_384 = vector.broadcast %or3A : i32 to vector<16xi32>
      %or3A_385 = arith.ori %and3A_383, %or3A_384 : vector<16xi32>
      %broadcast_in_dim3A_386 = vector.shape_cast %or3A_385 : vector<16xi32> to vector<16x1xi32>
      %gather3A_387 = vector.shape_cast %broadcast_in_dim3A_386 : vector<16x1xi32> to vector<16xi32>
      %gather3A_388 = tpu.dynamic_gather %select_n3A_374[%gather3A_387] in [0] : vector<16xi32>, vector<16xi32> -> vector<16xi32>
      %and3A_389 = arith.constant 15 : i32
      %and3A_390 = vector.broadcast %and3A_389 : i32 to vector<16xi32>
      %and3A_391 = arith.andi %gather3A_380, %and3A_390 : vector<16xi32>
      %eq3A_392 = arith.cmpi eq, %iota3A, %and3A_391 : vector<16xi32>
      %jit3A_393 = arith.constant 0.000000e+00 : f32
      %broadcast_in_dim3A_394 = vector.broadcast %mul3A_316 : f32 to vector<16xf32>
      %broadcast_in_dim3A_395 = vector.broadcast %jit3A_393 : f32 to vector<16xf32>
      %select_n3A_396 = arith.select %eq3A_392, %broadcast_in_dim3A_394, %broadcast_in_dim3A_395 : vector<16xi1>, vector<16xf32>
      %shift_right_arithmetic3A = arith.constant 4 : i32
      %shift_right_arithmetic3A_397 = vector.broadcast %shift_right_arithmetic3A : i32 to vector<16xi32>
      %shift_right_arithmetic3A_398 = arith.shrsi %gather3A_380, %shift_right_arithmetic3A_397 : vector<16xi32>
      %and3A_399 = arith.constant 15 : i32
      %and3A_400 = vector.broadcast %and3A_399 : i32 to vector<16xi32>
      %and3A_401 = arith.andi %shift_right_arithmetic3A_398, %and3A_400 : vector<16xi32>
      %eq3A_402 = arith.cmpi eq, %iota3A, %and3A_401 : vector<16xi32>
      %jit3A_403 = arith.constant 0.000000e+00 : f32
      %broadcast_in_dim3A_404 = vector.broadcast %mul3A_316 : f32 to vector<16xf32>
      %broadcast_in_dim3A_405 = vector.broadcast %jit3A_403 : f32 to vector<16xf32>
      %select_n3A_406 = arith.select %eq3A_402, %broadcast_in_dim3A_404, %broadcast_in_dim3A_405 : vector<16xi1>, vector<16xf32>
      %and3A_407 = arith.constant 15 : i32
      %and3A_408 = vector.broadcast %and3A_407 : i32 to vector<16xi32>
      %and3A_409 = arith.andi %gather3A_388, %and3A_408 : vector<16xi32>
      %eq3A_410 = arith.cmpi eq, %iota3A, %and3A_409 : vector<16xi32>
      %jit3A_411 = arith.constant 0.000000e+00 : f32
      %broadcast_in_dim3A_412 = vector.broadcast %mul3A_344 : f32 to vector<16xf32>
      %broadcast_in_dim3A_413 = vector.broadcast %jit3A_411 : f32 to vector<16xf32>
      %select_n3A_414 = arith.select %eq3A_410, %broadcast_in_dim3A_412, %broadcast_in_dim3A_413 : vector<16xi1>, vector<16xf32>
      %shift_right_arithmetic3A_415 = arith.constant 4 : i32
      %shift_right_arithmetic3A_416 = vector.broadcast %shift_right_arithmetic3A_415 : i32 to vector<16xi32>
      %shift_right_arithmetic3A_417 = arith.shrsi %gather3A_388, %shift_right_arithmetic3A_416 : vector<16xi32>
      %and3A_418 = arith.constant 15 : i32
      %and3A_419 = vector.broadcast %and3A_418 : i32 to vector<16xi32>
      %and3A_420 = arith.andi %shift_right_arithmetic3A_417, %and3A_419 : vector<16xi32>
      %eq3A_421 = arith.cmpi eq, %iota3A, %and3A_420 : vector<16xi32>
      %jit3A_422 = arith.constant 0.000000e+00 : f32
      %broadcast_in_dim3A_423 = vector.broadcast %mul3A_344 : f32 to vector<16xf32>
      %broadcast_in_dim3A_424 = vector.broadcast %jit3A_422 : f32 to vector<16xf32>
      %select_n3A_425 = arith.select %eq3A_421, %broadcast_in_dim3A_423, %broadcast_in_dim3A_424 : vector<16xi1>, vector<16xf32>
      %swap3A = arith.index_cast %mul3A_56 : i32 to index
      %swap3A_426 = arith.constant 52 : index
      %swap3A_427 = tpu.vector_load %arg4[%swap3A, %swap3A_426] {strides = array<i32>} : memref<256x128xf32, #tpu.memory_space<vmem>>, vector<1x16xf32>,
      %swap3A_428 = vector.shape_cast %swap3A_427 : vector<1x16xf32> to vector<16xf32>
      %swap3A_429 = vector.shape_cast %select_n3A_396 : vector<16xf32> to vector<1x16xf32>
      tpu.vector_store %arg4[%swap3A, %swap3A_426], %swap3A_429 {add = true, strides = array<i32>} : memref<256x128xf32, #tpu.memory_space<vmem>>, vector<1x16xf32>,
      %swap3A_430 = arith.index_cast %mul3A_56 : i32 to index
      %swap3A_431 = arith.constant 68 : index
      %swap3A_432 = tpu.vector_load %arg4[%swap3A_430, %swap3A_431] {strides = array<i32>} : memref<256x128xf32, #tpu.memory_space<vmem>>, vector<1x16xf32>,
      %swap3A_433 = vector.shape_cast %swap3A_432 : vector<1x16xf32> to vector<16xf32>
      %swap3A_434 = vector.shape_cast %select_n3A_406 : vector<16xf32> to vector<1x16xf32>
      tpu.vector_store %arg4[%swap3A_430, %swap3A_431], %swap3A_434 {add = true, strides = array<i32>} : memref<256x128xf32, #tpu.memory_space<vmem>>, vector<1x16xf32>,
      %swap3A_435 = arith.index_cast %add3A_58 : i32 to index
      %swap3A_436 = arith.constant 52 : index
      %swap3A_437 = tpu.vector_load %arg4[%swap3A_435, %swap3A_436] {strides = array<i32>} : memref<256x128xf32, #tpu.memory_space<vmem>>, vector<1x16xf32>,
      %swap3A_438 = vector.shape_cast %swap3A_437 : vector<1x16xf32> to vector<16xf32>
      %swap3A_439 = vector.shape_cast %select_n3A_414 : vector<16xf32> to vector<1x16xf32>
      tpu.vector_store %arg4[%swap3A_435, %swap3A_436], %swap3A_439 {add = true, strides = array<i32>} : memref<256x128xf32, #tpu.memory_space<vmem>>, vector<1x16xf32>,
      %swap3A_440 = arith.index_cast %add3A_58 : i32 to index
      %swap3A_441 = arith.constant 68 : index
      %swap3A_442 = tpu.vector_load %arg4[%swap3A_440, %swap3A_441] {strides = array<i32>} : memref<256x128xf32, #tpu.memory_space<vmem>>, vector<1x16xf32>,
      %swap3A_443 = vector.shape_cast %swap3A_442 : vector<1x16xf32> to vector<16xf32>
      %swap3A_444 = vector.shape_cast %select_n3A_425 : vector<16xf32> to vector<1x16xf32>
      tpu.vector_store %arg4[%swap3A_440, %swap3A_441], %swap3A_444 {add = true, strides = array<i32>} : memref<256x128xf32, #tpu.memory_space<vmem>>, vector<1x16xf32>,
      %scan3A_445 = arith.constant 1 : i32
      %scan3A_446 = arith.addi %scan3A_50, %scan3A_445 : i32
      %mul3A_447 = arith.constant 1 : i32
      %mul3A_448 = arith.muli %scan3A_446, %mul3A_447 : i32
      %add3A_449 = arith.constant 0 : i32
      %add3A_450 = arith.addi %add3A_449, %mul3A_448 : i32
      %mul3A_451 = arith.constant 2 : i32
      %mul3A_452 = arith.muli %add3A_450, %mul3A_451 : i32
      %add3A_453 = arith.constant 1 : i32
      %add3A_454 = arith.addi %mul3A_452, %add3A_453 : i32
      %iota3A_455 = tpu.iota {dimensions = array<i32: 0>} : vector<16xi32>
      %and3A_456 = arith.constant 7 : i32
      %and3A_457 = vector.broadcast %and3A_456 : i32 to vector<16xi32>
      %and3A_458 = arith.andi %iota3A_455, %and3A_457 : vector<16xi32>
      %convert_element_type3A_459 = arith.sitofp %and3A_458 : vector<16xi32> to vector<16xf32>
      %lt3A_460 = arith.constant 8 : i32
      %lt3A_461 = vector.broadcast %lt3A_460 : i32 to vector<16xi32>
      %lt3A_462 = arith.cmpi slt, %iota3A_455, %lt3A_461 : vector<16xi32>
      %get3A_463 = arith.index_cast %mul3A_452 : i32 to index
      %get3A_464 = arith.constant 4 : index
      %get3A_465 = tpu.vector_load %arg4[%get3A_463, %get3A_464] {strides = array<i32>} : memref<256x128xf32, #tpu.memory_space<vmem>>, vector<1x16xf32>,
      %get3A_466 = vector.shape_cast %get3A_465 : vector<1x16xf32> to vector<16xf32>
      %get3A_467 = arith.index_cast %add3A_454 : i32 to index
      %get3A_468 = arith.constant 4 : index
      %get3A_469 = tpu.vector_load %arg4[%get3A_467, %get3A_468] {strides = array<i32>} : memref<256x128xf32, #tpu.memory_space<vmem>>, vector<1x16xf32>,
      %get3A_470 = vector.shape_cast %get3A_469 : vector<1x16xf32> to vector<16xf32>
      %xor3A_471 = arith.constant 8 : i32
      %xor3A_472 = vector.broadcast %xor3A_471 : i32 to vector<16xi32>
      %xor3A_473 = arith.xori %iota3A_455, %xor3A_472 : vector<16xi32>
      %broadcast_in_dim3A_474 = vector.shape_cast %xor3A_473 : vector<16xi32> to vector<16x1xi32>
      %gather3A_475 = vector.shape_cast %broadcast_in_dim3A_474 : vector<16x1xi32> to vector<16xi32>
      %gather3A_476 = tpu.dynamic_gather %get3A_470[%gather3A_475] in [0] : vector<16xf32>, vector<16xi32> -> vector<16xf32>
      %select_n3A_477 = arith.select %lt3A_462, %get3A_466, %gather3A_476 : vector<16xi1>, vector<16xf32>
      %xor3A_478 = arith.constant 8 : i32
      %xor3A_479 = vector.broadcast %xor3A_478 : i32 to vector<16xi32>
      %xor3A_480 = arith.xori %iota3A_455, %xor3A_479 : vector<16xi32>
      %broadcast_in_dim3A_481 = vector.shape_cast %xor3A_480 : vector<16xi32> to vector<16x1xi32>
      %gather3A_482 = vector.shape_cast %broadcast_in_dim3A_481 : vector<16x1xi32> to vector<16xi32>
      %gather3A_483 = tpu.dynamic_gather %get3A_466[%gather3A_482] in [0] : vector<16xf32>, vector<16xi32> -> vector<16xf32>
      %select_n3A_484 = arith.select %lt3A_462, %gather3A_483, %get3A_470 : vector<16xi1>, vector<16xf32>
      %max3A_485 = arith.maximumf %select_n3A_477, %select_n3A_484 : vector<16xf32>
      %xor3A_486 = arith.constant 1 : i32
      %xor3A_487 = vector.broadcast %xor3A_486 : i32 to vector<16xi32>
      %xor3A_488 = arith.xori %iota3A_455, %xor3A_487 : vector<16xi32>
      %broadcast_in_dim3A_489 = vector.shape_cast %xor3A_488 : vector<16xi32> to vector<16x1xi32>
      %gather3A_490 = vector.shape_cast %broadcast_in_dim3A_489 : vector<16x1xi32> to vector<16xi32>
      %gather3A_491 = tpu.dynamic_gather %max3A_485[%gather3A_490] in [0] : vector<16xf32>, vector<16xi32> -> vector<16xf32>
      %max3A_492 = arith.maximumf %max3A_485, %gather3A_491 : vector<16xf32>
      %xor3A_493 = arith.constant 2 : i32
      %xor3A_494 = vector.broadcast %xor3A_493 : i32 to vector<16xi32>
      %xor3A_495 = arith.xori %iota3A_455, %xor3A_494 : vector<16xi32>
      %broadcast_in_dim3A_496 = vector.shape_cast %xor3A_495 : vector<16xi32> to vector<16x1xi32>
      %gather3A_497 = vector.shape_cast %broadcast_in_dim3A_496 : vector<16x1xi32> to vector<16xi32>
      %gather3A_498 = tpu.dynamic_gather %max3A_492[%gather3A_497] in [0] : vector<16xf32>, vector<16xi32> -> vector<16xf32>
      %max3A_499 = arith.maximumf %max3A_492, %gather3A_498 : vector<16xf32>
      %xor3A_500 = arith.constant 4 : i32
      %xor3A_501 = vector.broadcast %xor3A_500 : i32 to vector<16xi32>
      %xor3A_502 = arith.xori %iota3A_455, %xor3A_501 : vector<16xi32>
      %broadcast_in_dim3A_503 = vector.shape_cast %xor3A_502 : vector<16xi32> to vector<16x1xi32>
      %gather3A_504 = vector.shape_cast %broadcast_in_dim3A_503 : vector<16x1xi32> to vector<16xi32>
      %gather3A_505 = tpu.dynamic_gather %max3A_499[%gather3A_504] in [0] : vector<16xf32>, vector<16xi32> -> vector<16xf32>
      %max3A_506 = arith.maximumf %max3A_499, %gather3A_505 : vector<16xf32>
      %eq3A_507 = arith.cmpf oeq, %select_n3A_477, %max3A_506 : vector<16xf32>
      %jit3A_508 = arith.constant 1.600000e+01 : f32
      %broadcast_in_dim3A_509 = vector.broadcast %jit3A_508 : f32 to vector<16xf32>
      %select_n3A_510 = arith.select %eq3A_507, %convert_element_type3A_459, %broadcast_in_dim3A_509 : vector<16xi1>, vector<16xf32>
      %eq3A_511 = arith.cmpf oeq, %select_n3A_484, %max3A_506 : vector<16xf32>
      %add3A_512 = arith.constant 8.000000e+00 : f32
      %add3A_513 = vector.broadcast %add3A_512 : f32 to vector<16xf32>
      %add3A_514 = arith.addf %convert_element_type3A_459, %add3A_513 : vector<16xf32>
      %jit3A_515 = arith.constant 1.600000e+01 : f32
      %broadcast_in_dim3A_516 = vector.broadcast %jit3A_515 : f32 to vector<16xf32>
      %select_n3A_517 = arith.select %eq3A_511, %add3A_514, %broadcast_in_dim3A_516 : vector<16xi1>, vector<16xf32>
      %min3A_518 = arith.minimumf %select_n3A_510, %select_n3A_517 : vector<16xf32>
      %xor3A_519 = arith.constant 1 : i32
      %xor3A_520 = vector.broadcast %xor3A_519 : i32 to vector<16xi32>
      %xor3A_521 = arith.xori %iota3A_455, %xor3A_520 : vector<16xi32>
      %broadcast_in_dim3A_522 = vector.shape_cast %xor3A_521 : vector<16xi32> to vector<16x1xi32>
      %gather3A_523 = vector.shape_cast %broadcast_in_dim3A_522 : vector<16x1xi32> to vector<16xi32>
      %gather3A_524 = tpu.dynamic_gather %min3A_518[%gather3A_523] in [0] : vector<16xf32>, vector<16xi32> -> vector<16xf32>
      %min3A_525 = arith.minimumf %min3A_518, %gather3A_524 : vector<16xf32>
      %xor3A_526 = arith.constant 2 : i32
      %xor3A_527 = vector.broadcast %xor3A_526 : i32 to vector<16xi32>
      %xor3A_528 = arith.xori %iota3A_455, %xor3A_527 : vector<16xi32>
      %broadcast_in_dim3A_529 = vector.shape_cast %xor3A_528 : vector<16xi32> to vector<16x1xi32>
      %gather3A_530 = vector.shape_cast %broadcast_in_dim3A_529 : vector<16x1xi32> to vector<16xi32>
      %gather3A_531 = tpu.dynamic_gather %min3A_525[%gather3A_530] in [0] : vector<16xf32>, vector<16xi32> -> vector<16xf32>
      %min3A_532 = arith.minimumf %min3A_525, %gather3A_531 : vector<16xf32>
      %xor3A_533 = arith.constant 4 : i32
      %xor3A_534 = vector.broadcast %xor3A_533 : i32 to vector<16xi32>
      %xor3A_535 = arith.xori %iota3A_455, %xor3A_534 : vector<16xi32>
      %broadcast_in_dim3A_536 = vector.shape_cast %xor3A_535 : vector<16xi32> to vector<16x1xi32>
      %gather3A_537 = vector.shape_cast %broadcast_in_dim3A_536 : vector<16x1xi32> to vector<16xi32>
      %gather3A_538 = tpu.dynamic_gather %min3A_532[%gather3A_537] in [0] : vector<16xf32>, vector<16xi32> -> vector<16xf32>
      %min3A_539 = arith.minimumf %min3A_532, %gather3A_538 : vector<16xf32>
      %get3A_540 = arith.index_cast %mul3A_452 : i32 to index
      %get3A_541 = arith.constant 20 : index
      %get3A_542 = tpu.vector_load %arg4[%get3A_540, %get3A_541] {strides = array<i32>} : memref<256x128xf32, #tpu.memory_space<vmem>>, vector<1x16xf32>,
      %get3A_543 = vector.shape_cast %get3A_542 : vector<1x16xf32> to vector<16xf32>
      %get3A_544 = arith.index_cast %add3A_454 : i32 to index
      %get3A_545 = arith.constant 20 : index
      %get3A_546 = tpu.vector_load %arg4[%get3A_544, %get3A_545] {strides = array<i32>} : memref<256x128xf32, #tpu.memory_space<vmem>>, vector<1x16xf32>,
      %get3A_547 = vector.shape_cast %get3A_546 : vector<1x16xf32> to vector<16xf32>
      %xor3A_548 = arith.constant 8 : i32
      %xor3A_549 = vector.broadcast %xor3A_548 : i32 to vector<16xi32>
      %xor3A_550 = arith.xori %iota3A_455, %xor3A_549 : vector<16xi32>
      %broadcast_in_dim3A_551 = vector.shape_cast %xor3A_550 : vector<16xi32> to vector<16x1xi32>
      %gather3A_552 = vector.shape_cast %broadcast_in_dim3A_551 : vector<16x1xi32> to vector<16xi32>
      %gather3A_553 = tpu.dynamic_gather %get3A_547[%gather3A_552] in [0] : vector<16xf32>, vector<16xi32> -> vector<16xf32>
      %select_n3A_554 = arith.select %lt3A_462, %get3A_543, %gather3A_553 : vector<16xi1>, vector<16xf32>
      %xor3A_555 = arith.constant 8 : i32
      %xor3A_556 = vector.broadcast %xor3A_555 : i32 to vector<16xi32>
      %xor3A_557 = arith.xori %iota3A_455, %xor3A_556 : vector<16xi32>
      %broadcast_in_dim3A_558 = vector.shape_cast %xor3A_557 : vector<16xi32> to vector<16x1xi32>
      %gather3A_559 = vector.shape_cast %broadcast_in_dim3A_558 : vector<16x1xi32> to vector<16xi32>
      %gather3A_560 = tpu.dynamic_gather %get3A_543[%gather3A_559] in [0] : vector<16xf32>, vector<16xi32> -> vector<16xf32>
      %select_n3A_561 = arith.select %lt3A_462, %gather3A_560, %get3A_547 : vector<16xi1>, vector<16xf32>
      %max3A_562 = arith.maximumf %select_n3A_554, %select_n3A_561 : vector<16xf32>
      %xor3A_563 = arith.constant 1 : i32
      %xor3A_564 = vector.broadcast %xor3A_563 : i32 to vector<16xi32>
      %xor3A_565 = arith.xori %iota3A_455, %xor3A_564 : vector<16xi32>
      %broadcast_in_dim3A_566 = vector.shape_cast %xor3A_565 : vector<16xi32> to vector<16x1xi32>
      %gather3A_567 = vector.shape_cast %broadcast_in_dim3A_566 : vector<16x1xi32> to vector<16xi32>
      %gather3A_568 = tpu.dynamic_gather %max3A_562[%gather3A_567] in [0] : vector<16xf32>, vector<16xi32> -> vector<16xf32>
      %max3A_569 = arith.maximumf %max3A_562, %gather3A_568 : vector<16xf32>
      %xor3A_570 = arith.constant 2 : i32
      %xor3A_571 = vector.broadcast %xor3A_570 : i32 to vector<16xi32>
      %xor3A_572 = arith.xori %iota3A_455, %xor3A_571 : vector<16xi32>
      %broadcast_in_dim3A_573 = vector.shape_cast %xor3A_572 : vector<16xi32> to vector<16x1xi32>
      %gather3A_574 = vector.shape_cast %broadcast_in_dim3A_573 : vector<16x1xi32> to vector<16xi32>
      %gather3A_575 = tpu.dynamic_gather %max3A_569[%gather3A_574] in [0] : vector<16xf32>, vector<16xi32> -> vector<16xf32>
      %max3A_576 = arith.maximumf %max3A_569, %gather3A_575 : vector<16xf32>
      %xor3A_577 = arith.constant 4 : i32
      %xor3A_578 = vector.broadcast %xor3A_577 : i32 to vector<16xi32>
      %xor3A_579 = arith.xori %iota3A_455, %xor3A_578 : vector<16xi32>
      %broadcast_in_dim3A_580 = vector.shape_cast %xor3A_579 : vector<16xi32> to vector<16x1xi32>
      %gather3A_581 = vector.shape_cast %broadcast_in_dim3A_580 : vector<16x1xi32> to vector<16xi32>
      %gather3A_582 = tpu.dynamic_gather %max3A_576[%gather3A_581] in [0] : vector<16xf32>, vector<16xi32> -> vector<16xf32>
      %max3A_583 = arith.maximumf %max3A_576, %gather3A_582 : vector<16xf32>
      %eq3A_584 = arith.cmpf oeq, %select_n3A_554, %max3A_583 : vector<16xf32>
      %jit3A_585 = arith.constant 1.600000e+01 : f32
      %broadcast_in_dim3A_586 = vector.broadcast %jit3A_585 : f32 to vector<16xf32>
      %select_n3A_587 = arith.select %eq3A_584, %convert_element_type3A_459, %broadcast_in_dim3A_586 : vector<16xi1>, vector<16xf32>
      %eq3A_588 = arith.cmpf oeq, %select_n3A_561, %max3A_583 : vector<16xf32>
      %add3A_589 = arith.constant 8.000000e+00 : f32
      %add3A_590 = vector.broadcast %add3A_589 : f32 to vector<16xf32>
      %add3A_591 = arith.addf %convert_element_type3A_459, %add3A_590 : vector<16xf32>
      %jit3A_592 = arith.constant 1.600000e+01 : f32
      %broadcast_in_dim3A_593 = vector.broadcast %jit3A_592 : f32 to vector<16xf32>
      %select_n3A_594 = arith.select %eq3A_588, %add3A_591, %broadcast_in_dim3A_593 : vector<16xi1>, vector<16xf32>
      %min3A_595 = arith.minimumf %select_n3A_587, %select_n3A_594 : vector<16xf32>
      %xor3A_596 = arith.constant 1 : i32
      %xor3A_597 = vector.broadcast %xor3A_596 : i32 to vector<16xi32>
      %xor3A_598 = arith.xori %iota3A_455, %xor3A_597 : vector<16xi32>
      %broadcast_in_dim3A_599 = vector.shape_cast %xor3A_598 : vector<16xi32> to vector<16x1xi32>
      %gather3A_600 = vector.shape_cast %broadcast_in_dim3A_599 : vector<16x1xi32> to vector<16xi32>
      %gather3A_601 = tpu.dynamic_gather %min3A_595[%gather3A_600] in [0] : vector<16xf32>, vector<16xi32> -> vector<16xf32>
      %min3A_602 = arith.minimumf %min3A_595, %gather3A_601 : vector<16xf32>
      %xor3A_603 = arith.constant 2 : i32
      %xor3A_604 = vector.broadcast %xor3A_603 : i32 to vector<16xi32>
      %xor3A_605 = arith.xori %iota3A_455, %xor3A_604 : vector<16xi32>
      %broadcast_in_dim3A_606 = vector.shape_cast %xor3A_605 : vector<16xi32> to vector<16x1xi32>
      %gather3A_607 = vector.shape_cast %broadcast_in_dim3A_606 : vector<16x1xi32> to vector<16xi32>
      %gather3A_608 = tpu.dynamic_gather %min3A_602[%gather3A_607] in [0] : vector<16xf32>, vector<16xi32> -> vector<16xf32>
      %min3A_609 = arith.minimumf %min3A_602, %gather3A_608 : vector<16xf32>
      %xor3A_610 = arith.constant 4 : i32
      %xor3A_611 = vector.broadcast %xor3A_610 : i32 to vector<16xi32>
      %xor3A_612 = arith.xori %iota3A_455, %xor3A_611 : vector<16xi32>
      %broadcast_in_dim3A_613 = vector.shape_cast %xor3A_612 : vector<16xi32> to vector<16x1xi32>
      %gather3A_614 = vector.shape_cast %broadcast_in_dim3A_613 : vector<16x1xi32> to vector<16xi32>
      %gather3A_615 = tpu.dynamic_gather %min3A_609[%gather3A_614] in [0] : vector<16xf32>, vector<16xi32> -> vector<16xf32>
      %min3A_616 = arith.minimumf %min3A_609, %gather3A_615 : vector<16xf32>
      %get3A_617 = arith.index_cast %mul3A_452 : i32 to index
      %get3A_618 = arith.constant 36 : index
      %get3A_619 = tpu.vector_load %arg4[%get3A_617, %get3A_618] {strides = array<i32>} : memref<256x128xf32, #tpu.memory_space<vmem>>, vector<1x16xf32>,
      %get3A_620 = vector.shape_cast %get3A_619 : vector<1x16xf32> to vector<16xf32>
      %get3A_621 = arith.index_cast %add3A_454 : i32 to index
      %get3A_622 = arith.constant 36 : index
      %get3A_623 = tpu.vector_load %arg4[%get3A_621, %get3A_622] {strides = array<i32>} : memref<256x128xf32, #tpu.memory_space<vmem>>, vector<1x16xf32>,
      %get3A_624 = vector.shape_cast %get3A_623 : vector<1x16xf32> to vector<16xf32>
      %xor3A_625 = arith.constant 8 : i32
      %xor3A_626 = vector.broadcast %xor3A_625 : i32 to vector<16xi32>
      %xor3A_627 = arith.xori %iota3A_455, %xor3A_626 : vector<16xi32>
      %broadcast_in_dim3A_628 = vector.shape_cast %xor3A_627 : vector<16xi32> to vector<16x1xi32>
      %gather3A_629 = vector.shape_cast %broadcast_in_dim3A_628 : vector<16x1xi32> to vector<16xi32>
      %gather3A_630 = tpu.dynamic_gather %get3A_624[%gather3A_629] in [0] : vector<16xf32>, vector<16xi32> -> vector<16xf32>
      %select_n3A_631 = arith.select %lt3A_462, %get3A_620, %gather3A_630 : vector<16xi1>, vector<16xf32>
      %xor3A_632 = arith.constant 8 : i32
      %xor3A_633 = vector.broadcast %xor3A_632 : i32 to vector<16xi32>
      %xor3A_634 = arith.xori %iota3A_455, %xor3A_633 : vector<16xi32>
      %broadcast_in_dim3A_635 = vector.shape_cast %xor3A_634 : vector<16xi32> to vector<16x1xi32>
      %gather3A_636 = vector.shape_cast %broadcast_in_dim3A_635 : vector<16x1xi32> to vector<16xi32>
      %gather3A_637 = tpu.dynamic_gather %get3A_620[%gather3A_636] in [0] : vector<16xf32>, vector<16xi32> -> vector<16xf32>
      %select_n3A_638 = arith.select %lt3A_462, %gather3A_637, %get3A_624 : vector<16xi1>, vector<16xf32>
      %max3A_639 = arith.maximumf %select_n3A_631, %select_n3A_638 : vector<16xf32>
      %xor3A_640 = arith.constant 1 : i32
      %xor3A_641 = vector.broadcast %xor3A_640 : i32 to vector<16xi32>
      %xor3A_642 = arith.xori %iota3A_455, %xor3A_641 : vector<16xi32>
      %broadcast_in_dim3A_643 = vector.shape_cast %xor3A_642 : vector<16xi32> to vector<16x1xi32>
      %gather3A_644 = vector.shape_cast %broadcast_in_dim3A_643 : vector<16x1xi32> to vector<16xi32>
      %gather3A_645 = tpu.dynamic_gather %max3A_639[%gather3A_644] in [0] : vector<16xf32>, vector<16xi32> -> vector<16xf32>
      %max3A_646 = arith.maximumf %max3A_639, %gather3A_645 : vector<16xf32>
      %xor3A_647 = arith.constant 2 : i32
      %xor3A_648 = vector.broadcast %xor3A_647 : i32 to vector<16xi32>
      %xor3A_649 = arith.xori %iota3A_455, %xor3A_648 : vector<16xi32>
      %broadcast_in_dim3A_650 = vector.shape_cast %xor3A_649 : vector<16xi32> to vector<16x1xi32>
      %gather3A_651 = vector.shape_cast %broadcast_in_dim3A_650 : vector<16x1xi32> to vector<16xi32>
      %gather3A_652 = tpu.dynamic_gather %max3A_646[%gather3A_651] in [0] : vector<16xf32>, vector<16xi32> -> vector<16xf32>
      %max3A_653 = arith.maximumf %max3A_646, %gather3A_652 : vector<16xf32>
      %xor3A_654 = arith.constant 4 : i32
      %xor3A_655 = vector.broadcast %xor3A_654 : i32 to vector<16xi32>
      %xor3A_656 = arith.xori %iota3A_455, %xor3A_655 : vector<16xi32>
      %broadcast_in_dim3A_657 = vector.shape_cast %xor3A_656 : vector<16xi32> to vector<16x1xi32>
      %gather3A_658 = vector.shape_cast %broadcast_in_dim3A_657 : vector<16x1xi32> to vector<16xi32>
      %gather3A_659 = tpu.dynamic_gather %max3A_653[%gather3A_658] in [0] : vector<16xf32>, vector<16xi32> -> vector<16xf32>
      %max3A_660 = arith.maximumf %max3A_653, %gather3A_659 : vector<16xf32>
      %eq3A_661 = arith.cmpf oeq, %select_n3A_631, %max3A_660 : vector<16xf32>
      %jit3A_662 = arith.constant 1.600000e+01 : f32
      %broadcast_in_dim3A_663 = vector.broadcast %jit3A_662 : f32 to vector<16xf32>
      %select_n3A_664 = arith.select %eq3A_661, %convert_element_type3A_459, %broadcast_in_dim3A_663 : vector<16xi1>, vector<16xf32>
      %eq3A_665 = arith.cmpf oeq, %select_n3A_638, %max3A_660 : vector<16xf32>
      %add3A_666 = arith.constant 8.000000e+00 : f32
      %add3A_667 = vector.broadcast %add3A_666 : f32 to vector<16xf32>
      %add3A_668 = arith.addf %convert_element_type3A_459, %add3A_667 : vector<16xf32>
      %jit3A_669 = arith.constant 1.600000e+01 : f32
      %broadcast_in_dim3A_670 = vector.broadcast %jit3A_669 : f32 to vector<16xf32>
      %select_n3A_671 = arith.select %eq3A_665, %add3A_668, %broadcast_in_dim3A_670 : vector<16xi1>, vector<16xf32>
      %min3A_672 = arith.minimumf %select_n3A_664, %select_n3A_671 : vector<16xf32>
      %xor3A_673 = arith.constant 1 : i32
      %xor3A_674 = vector.broadcast %xor3A_673 : i32 to vector<16xi32>
      %xor3A_675 = arith.xori %iota3A_455, %xor3A_674 : vector<16xi32>
      %broadcast_in_dim3A_676 = vector.shape_cast %xor3A_675 : vector<16xi32> to vector<16x1xi32>
      %gather3A_677 = vector.shape_cast %broadcast_in_dim3A_676 : vector<16x1xi32> to vector<16xi32>
      %gather3A_678 = tpu.dynamic_gather %min3A_672[%gather3A_677] in [0] : vector<16xf32>, vector<16xi32> -> vector<16xf32>
      %min3A_679 = arith.minimumf %min3A_672, %gather3A_678 : vector<16xf32>
      %xor3A_680 = arith.constant 2 : i32
      %xor3A_681 = vector.broadcast %xor3A_680 : i32 to vector<16xi32>
      %xor3A_682 = arith.xori %iota3A_455, %xor3A_681 : vector<16xi32>
      %broadcast_in_dim3A_683 = vector.shape_cast %xor3A_682 : vector<16xi32> to vector<16x1xi32>
      %gather3A_684 = vector.shape_cast %broadcast_in_dim3A_683 : vector<16x1xi32> to vector<16xi32>
      %gather3A_685 = tpu.dynamic_gather %min3A_679[%gather3A_684] in [0] : vector<16xf32>, vector<16xi32> -> vector<16xf32>
      %min3A_686 = arith.minimumf %min3A_679, %gather3A_685 : vector<16xf32>
      %xor3A_687 = arith.constant 4 : i32
      %xor3A_688 = vector.broadcast %xor3A_687 : i32 to vector<16xi32>
      %xor3A_689 = arith.xori %iota3A_455, %xor3A_688 : vector<16xi32>
      %broadcast_in_dim3A_690 = vector.shape_cast %xor3A_689 : vector<16xi32> to vector<16x1xi32>
      %gather3A_691 = vector.shape_cast %broadcast_in_dim3A_690 : vector<16x1xi32> to vector<16xi32>
      %gather3A_692 = tpu.dynamic_gather %min3A_686[%gather3A_691] in [0] : vector<16xf32>, vector<16xi32> -> vector<16xf32>
      %min3A_693 = arith.minimumf %min3A_686, %gather3A_692 : vector<16xf32>
      %convert_element_type3A_694 = arith.fptosi %min3A_693 : vector<16xf32> to vector<16xi32>
      %get3A_695 = arith.index_cast %mul3A_452 : i32 to index
      %get3A_696 = arith.constant 0 : index
      %get3A_697 = tpu.vector_load %arg4[%get3A_695, %get3A_696] {strides = array<i32>} : memref<256x128xf32, #tpu.memory_space<vmem>>, vector<1x16xf32>,
      %get3A_698 = vector.shape_cast %get3A_697 : vector<1x16xf32> to vector<16xf32>
      %get3A_699 = arith.index_cast %add3A_454 : i32 to index
      %get3A_700 = arith.constant 0 : index
      %get3A_701 = tpu.vector_load %arg4[%get3A_699, %get3A_700] {strides = array<i32>} : memref<256x128xf32, #tpu.memory_space<vmem>>, vector<1x16xf32>,
      %get3A_702 = vector.shape_cast %get3A_701 : vector<1x16xf32> to vector<16xf32>
      %slice3A_703 = vector.extract_strided_slice %get3A_698 {offsets = [0], sizes = [1], strides = [1]} : vector<16xf32> to vector<1xf32>
      %squeeze3A_704 = vector.extract %slice3A_703[0] : f32 from vector<1xf32>
      %ge3A_705 = arith.constant 5.000000e-01 : f32
      %ge3A_706 = arith.cmpf oge, %squeeze3A_704, %ge3A_705 : f32
      %jit3A_707 = arith.constant 1.000000e+00 : f32
      %jit3A_708 = arith.constant 0.000000e+00 : f32
      %select_n3A_709 = arith.select %ge3A_706, %jit3A_707, %jit3A_708 : f32
      %slice3A_710 = vector.extract_strided_slice %get3A_698 {offsets = [1], sizes = [1], strides = [1]} : vector<16xf32> to vector<1xf32>
      %squeeze3A_711 = vector.extract %slice3A_710[0] : f32 from vector<1xf32>
      %gt3A_712 = arith.constant 5.000000e-01 : f32
      %gt3A_713 = arith.cmpf ogt, %squeeze3A_711, %gt3A_712 : f32
      %jit3A_714 = arith.constant 1.000000e+00 : f32
      %jit3A_715 = arith.constant 0.000000e+00 : f32
      %select_n3A_716 = arith.select %gt3A_713, %jit3A_714, %jit3A_715 : f32
      %slice3A_717 = vector.extract_strided_slice %get3A_698 {offsets = [2], sizes = [1], strides = [1]} : vector<16xf32> to vector<1xf32>
      %squeeze3A_718 = vector.extract %slice3A_717[0] : f32 from vector<1xf32>
      %gt3A_719 = arith.constant 5.000000e-01 : f32
      %gt3A_720 = arith.cmpf ogt, %squeeze3A_718, %gt3A_719 : f32
      %jit3A_721 = arith.constant 1.000000e+00 : f32
      %jit3A_722 = arith.constant 0.000000e+00 : f32
      %select_n3A_723 = arith.select %gt3A_720, %jit3A_721, %jit3A_722 : f32
      %sub3A_724 = arith.constant 1.000000e+00 : f32
      %sub3A_725 = arith.subf %sub3A_724, %select_n3A_716 : f32
      %mul3A_726 = arith.mulf %select_n3A_723, %sub3A_725 : f32
      %mul3A_727 = arith.constant 2.000000e+00 : f32
      %mul3A_728 = arith.mulf %mul3A_727, %select_n3A_709 : f32
      %add3A_729 = arith.addf %select_n3A_716, %mul3A_726 : f32
      %mul3A_730 = arith.mulf %mul3A_728, %add3A_729 : f32
      %slice3A_731 = vector.extract_strided_slice %get3A_702 {offsets = [0], sizes = [1], strides = [1]} : vector<16xf32> to vector<1xf32>
      %squeeze3A_732 = vector.extract %slice3A_731[0] : f32 from vector<1xf32>
      %ge3A_733 = arith.constant 5.000000e-01 : f32
      %ge3A_734 = arith.cmpf oge, %squeeze3A_732, %ge3A_733 : f32
      %jit3A_735 = arith.constant 1.000000e+00 : f32
      %jit3A_736 = arith.constant 0.000000e+00 : f32
      %select_n3A_737 = arith.select %ge3A_734, %jit3A_735, %jit3A_736 : f32
      %slice3A_738 = vector.extract_strided_slice %get3A_702 {offsets = [1], sizes = [1], strides = [1]} : vector<16xf32> to vector<1xf32>
      %squeeze3A_739 = vector.extract %slice3A_738[0] : f32 from vector<1xf32>
      %gt3A_740 = arith.constant 5.000000e-01 : f32
      %gt3A_741 = arith.cmpf ogt, %squeeze3A_739, %gt3A_740 : f32
      %jit3A_742 = arith.constant 1.000000e+00 : f32
      %jit3A_743 = arith.constant 0.000000e+00 : f32
      %select_n3A_744 = arith.select %gt3A_741, %jit3A_742, %jit3A_743 : f32
      %slice3A_745 = vector.extract_strided_slice %get3A_702 {offsets = [2], sizes = [1], strides = [1]} : vector<16xf32> to vector<1xf32>
      %squeeze3A_746 = vector.extract %slice3A_745[0] : f32 from vector<1xf32>
      %gt3A_747 = arith.constant 5.000000e-01 : f32
      %gt3A_748 = arith.cmpf ogt, %squeeze3A_746, %gt3A_747 : f32
      %jit3A_749 = arith.constant 1.000000e+00 : f32
      %jit3A_750 = arith.constant 0.000000e+00 : f32
      %select_n3A_751 = arith.select %gt3A_748, %jit3A_749, %jit3A_750 : f32
      %sub3A_752 = arith.constant 1.000000e+00 : f32
      %sub3A_753 = arith.subf %sub3A_752, %select_n3A_744 : f32
      %mul3A_754 = arith.mulf %select_n3A_751, %sub3A_753 : f32
      %mul3A_755 = arith.constant 2.000000e+00 : f32
      %mul3A_756 = arith.mulf %mul3A_755, %select_n3A_737 : f32
      %add3A_757 = arith.addf %select_n3A_744, %mul3A_754 : f32
      %mul3A_758 = arith.mulf %mul3A_756, %add3A_757 : f32
      %broadcast_in_dim3A_759 = vector.broadcast %select_n3A_716 : f32 to vector<16xf32>
      %broadcast_in_dim3A_760 = vector.broadcast %select_n3A_744 : f32 to vector<16xf32>
      %select_n3A_761 = arith.select %lt3A_462, %broadcast_in_dim3A_759, %broadcast_in_dim3A_760 : vector<16xi1>, vector<16xf32>
      %mul3A_762 = arith.constant 1.600000e+01 : f32
      %mul3A_763 = vector.broadcast %mul3A_762 : f32 to vector<16xf32>
      %mul3A_764 = arith.mulf %min3A_616, %mul3A_763 : vector<16xf32>
      %add3A_765 = arith.addf %min3A_539, %mul3A_764 : vector<16xf32>
      %add3A_766 = arith.constant 127 : i32
      %add3A_767 = vector.broadcast %add3A_766 : i32 to vector<16xi32>
      %add3A_768 = arith.addi %convert_element_type3A_694, %add3A_767 : vector<16xi32>
      %shift_left3A_769 = arith.constant 23 : i32
      %shift_left3A_770 = vector.broadcast %shift_left3A_769 : i32 to vector<16xi32>
      %shift_left3A_771 = arith.shli %add3A_768, %shift_left3A_770 : vector<16xi32>
      %bitcast_convert_type3A_772 = tpu.bitcast %shift_left3A_771 : vector<16xi32> -> vector<16xf32>
      %sub3A_773 = arith.constant 127 : i32
      %sub3A_774 = vector.broadcast %sub3A_773 : i32 to vector<16xi32>
      %sub3A_775 = arith.subi %sub3A_774, %convert_element_type3A_694 : vector<16xi32>
      %shift_left3A_776 = arith.constant 23 : i32
      %shift_left3A_777 = vector.broadcast %shift_left3A_776 : i32 to vector<16xi32>
      %shift_left3A_778 = arith.shli %sub3A_775, %shift_left3A_777 : vector<16xi32>
      %bitcast_convert_type3A_779 = tpu.bitcast %shift_left3A_778 : vector<16xi32> -> vector<16xf32>
      %mul3A_780 = arith.mulf %add3A_765, %bitcast_convert_type3A_772 : vector<16xf32>
      %convert_element_type3A_781 = arith.fptosi %mul3A_780 : vector<16xf32> to vector<16xi32>
      %and3A_782 = arith.constant 255 : i32
      %and3A_783 = vector.broadcast %and3A_782 : i32 to vector<16xi32>
      %and3A_784 = arith.andi %convert_element_type3A_781, %and3A_783 : vector<16xi32>
      %mul3A_785 = arith.mulf %add3A_765, %bitcast_convert_type3A_779 : vector<16xf32>
      %convert_element_type3A_786 = arith.fptosi %mul3A_785 : vector<16xf32> to vector<16xi32>
      %gt3A_787 = arith.constant 5.000000e-01 : f32
      %gt3A_788 = vector.broadcast %gt3A_787 : f32 to vector<16xf32>
      %gt3A_789 = arith.cmpf ogt, %select_n3A_761, %gt3A_788 : vector<16xf32>
      %select_n3A_790 = arith.select %gt3A_789, %and3A_784, %convert_element_type3A_786 : vector<16xi1>, vector<16xi32>
      %and3A_791 = arith.constant 7 : i32
      %and3A_792 = vector.broadcast %and3A_791 : i32 to vector<16xi32>
      %and3A_793 = arith.andi %iota3A_455, %and3A_792 : vector<16xi32>
      %broadcast_in_dim3A_794 = vector.shape_cast %and3A_793 : vector<16xi32> to vector<16x1xi32>
      %gather3A_795 = vector.shape_cast %broadcast_in_dim3A_794 : vector<16x1xi32> to vector<16xi32>
      %gather3A_796 = tpu.dynamic_gather %select_n3A_790[%gather3A_795] in [0] : vector<16xi32>, vector<16xi32> -> vector<16xi32>
      %and3A_797 = arith.constant 7 : i32
      %and3A_798 = vector.broadcast %and3A_797 : i32 to vector<16xi32>
      %and3A_799 = arith.andi %iota3A_455, %and3A_798 : vector<16xi32>
      %or3A_800 = arith.constant 8 : i32
      %or3A_801 = vector.broadcast %or3A_800 : i32 to vector<16xi32>
      %or3A_802 = arith.ori %and3A_799, %or3A_801 : vector<16xi32>
      %broadcast_in_dim3A_803 = vector.shape_cast %or3A_802 : vector<16xi32> to vector<16x1xi32>
      %gather3A_804 = vector.shape_cast %broadcast_in_dim3A_803 : vector<16x1xi32> to vector<16xi32>
      %gather3A_805 = tpu.dynamic_gather %select_n3A_790[%gather3A_804] in [0] : vector<16xi32>, vector<16xi32> -> vector<16xi32>
      %and3A_806 = arith.constant 15 : i32
      %and3A_807 = vector.broadcast %and3A_806 : i32 to vector<16xi32>
      %and3A_808 = arith.andi %gather3A_796, %and3A_807 : vector<16xi32>
      %eq3A_809 = arith.cmpi eq, %iota3A_455, %and3A_808 : vector<16xi32>
      %jit3A_810 = arith.constant 0.000000e+00 : f32
      %broadcast_in_dim3A_811 = vector.broadcast %mul3A_730 : f32 to vector<16xf32>
      %broadcast_in_dim3A_812 = vector.broadcast %jit3A_810 : f32 to vector<16xf32>
      %select_n3A_813 = arith.select %eq3A_809, %broadcast_in_dim3A_811, %broadcast_in_dim3A_812 : vector<16xi1>, vector<16xf32>
      %shift_right_arithmetic3A_814 = arith.constant 4 : i32
      %shift_right_arithmetic3A_815 = vector.broadcast %shift_right_arithmetic3A_814 : i32 to vector<16xi32>
      %shift_right_arithmetic3A_816 = arith.shrsi %gather3A_796, %shift_right_arithmetic3A_815 : vector<16xi32>
      %and3A_817 = arith.constant 15 : i32
      %and3A_818 = vector.broadcast %and3A_817 : i32 to vector<16xi32>
      %and3A_819 = arith.andi %shift_right_arithmetic3A_816, %and3A_818 : vector<16xi32>
      %eq3A_820 = arith.cmpi eq, %iota3A_455, %and3A_819 : vector<16xi32>
      %jit3A_821 = arith.constant 0.000000e+00 : f32
      %broadcast_in_dim3A_822 = vector.broadcast %mul3A_730 : f32 to vector<16xf32>
      %broadcast_in_dim3A_823 = vector.broadcast %jit3A_821 : f32 to vector<16xf32>
      %select_n3A_824 = arith.select %eq3A_820, %broadcast_in_dim3A_822, %broadcast_in_dim3A_823 : vector<16xi1>, vector<16xf32>
      %and3A_825 = arith.constant 15 : i32
      %and3A_826 = vector.broadcast %and3A_825 : i32 to vector<16xi32>
      %and3A_827 = arith.andi %gather3A_805, %and3A_826 : vector<16xi32>
      %eq3A_828 = arith.cmpi eq, %iota3A_455, %and3A_827 : vector<16xi32>
      %jit3A_829 = arith.constant 0.000000e+00 : f32
      %broadcast_in_dim3A_830 = vector.broadcast %mul3A_758 : f32 to vector<16xf32>
      %broadcast_in_dim3A_831 = vector.broadcast %jit3A_829 : f32 to vector<16xf32>
      %select_n3A_832 = arith.select %eq3A_828, %broadcast_in_dim3A_830, %broadcast_in_dim3A_831 : vector<16xi1>, vector<16xf32>
      %shift_right_arithmetic3A_833 = arith.constant 4 : i32
      %shift_right_arithmetic3A_834 = vector.broadcast %shift_right_arithmetic3A_833 : i32 to vector<16xi32>
      %shift_right_arithmetic3A_835 = arith.shrsi %gather3A_805, %shift_right_arithmetic3A_834 : vector<16xi32>
      %and3A_836 = arith.constant 15 : i32
      %and3A_837 = vector.broadcast %and3A_836 : i32 to vector<16xi32>
      %and3A_838 = arith.andi %shift_right_arithmetic3A_835, %and3A_837 : vector<16xi32>
      %eq3A_839 = arith.cmpi eq, %iota3A_455, %and3A_838 : vector<16xi32>
      %jit3A_840 = arith.constant 0.000000e+00 : f32
      %broadcast_in_dim3A_841 = vector.broadcast %mul3A_758 : f32 to vector<16xf32>
      %broadcast_in_dim3A_842 = vector.broadcast %jit3A_840 : f32 to vector<16xf32>
      %select_n3A_843 = arith.select %eq3A_839, %broadcast_in_dim3A_841, %broadcast_in_dim3A_842 : vector<16xi1>, vector<16xf32>
      %swap3A_844 = arith.index_cast %mul3A_452 : i32 to index
      %swap3A_845 = arith.constant 52 : index
      %swap3A_846 = tpu.vector_load %arg4[%swap3A_844, %swap3A_845] {strides = array<i32>} : memref<256x128xf32, #tpu.memory_space<vmem>>, vector<1x16xf32>,
      %swap3A_847 = vector.shape_cast %swap3A_846 : vector<1x16xf32> to vector<16xf32>
      %swap3A_848 = vector.shape_cast %select_n3A_813 : vector<16xf32> to vector<1x16xf32>
      tpu.vector_store %arg4[%swap3A_844, %swap3A_845], %swap3A_848 {add = true, strides = array<i32>} : memref<256x128xf32, #tpu.memory_space<vmem>>, vector<1x16xf32>,
      %swap3A_849 = arith.index_cast %mul3A_452 : i32 to index
      %swap3A_850 = arith.constant 68 : index
      %swap3A_851 = tpu.vector_load %arg4[%swap3A_849, %swap3A_850] {strides = array<i32>} : memref<256x128xf32, #tpu.memory_space<vmem>>, vector<1x16xf32>,
      %swap3A_852 = vector.shape_cast %swap3A_851 : vector<1x16xf32> to vector<16xf32>
      %swap3A_853 = vector.shape_cast %select_n3A_824 : vector<16xf32> to vector<1x16xf32>
      tpu.vector_store %arg4[%swap3A_849, %swap3A_850], %swap3A_853 {add = true, strides = array<i32>} : memref<256x128xf32, #tpu.memory_space<vmem>>, vector<1x16xf32>,
      %swap3A_854 = arith.index_cast %add3A_454 : i32 to index
      %swap3A_855 = arith.constant 52 : index
      %swap3A_856 = tpu.vector_load %arg4[%swap3A_854, %swap3A_855] {strides = array<i32>} : memref<256x128xf32, #tpu.memory_space<vmem>>, vector<1x16xf32>,
      %swap3A_857 = vector.shape_cast %swap3A_856 : vector<1x16xf32> to vector<16xf32>
      %swap3A_858 = vector.shape_cast %select_n3A_832 : vector<16xf32> to vector<1x16xf32>
      tpu.vector_store %arg4[%swap3A_854, %swap3A_855], %swap3A_858 {add = true, strides = array<i32>} : memref<256x128xf32, #tpu.memory_space<vmem>>, vector<1x16xf32>,
      %swap3A_859 = arith.index_cast %add3A_454 : i32 to index
      %swap3A_860 = arith.constant 68 : index
      %swap3A_861 = tpu.vector_load %arg4[%swap3A_859, %swap3A_860] {strides = array<i32>} : memref<256x128xf32, #tpu.memory_space<vmem>>, vector<1x16xf32>,
      %swap3A_862 = vector.shape_cast %swap3A_861 : vector<1x16xf32> to vector<16xf32>
      %swap3A_863 = vector.shape_cast %select_n3A_843 : vector<16xf32> to vector<1x16xf32>
      tpu.vector_store %arg4[%swap3A_859, %swap3A_860], %swap3A_863 {add = true, strides = array<i32>} : memref<256x128xf32, #tpu.memory_space<vmem>>, vector<1x16xf32>,
    }
    %scan3A_20 = arith.constant 128 : i32
    %add3A_21 = arith.constant 0 : i32
    %add3A_22 = arith.addi %mul3A_2, %add3A_21 : i32
    %dma_start3A_23 = arith.constant 0 : i32
    %dma_start3A_24 = tpu.memref_slice %arg3[%add3A_22, %dma_start3A_23] : memref<16384x128xf32, #tpu.memory_space<hbm>> -> memref<256x128xf32, #tpu.memory_space<hbm>>
    %dma_start3A_25 = arith.constant 0 : i32
    %dma_start3A_26 = tpu.memref_slice %arg3[%add3A_22, %dma_start3A_25] : memref<16384x128xf32, #tpu.memory_space<hbm>> -> memref<256x128xf32, #tpu.memory_space<hbm>>
    tpu.enqueue_dma source(%arg4 : memref<256x128xf32, #tpu.memory_space<vmem>>) target(%dma_start3A_26 : memref<256x128xf32, #tpu.memory_space<hbm>>) target_semaphore(%arg8 : memref<!tpu.dma_semaphore, #tpu.memory_space<semaphore_mem>>)
    %dma_wait3A_27 = arith.constant 0 : i32
    %dma_wait3A_28 = tpu.memref_slice %arg2[%add3A_9, %dma_wait3A_27] : memref<16384x128xf32, #tpu.memory_space<hbm>> -> memref<256x128xf32, #tpu.memory_space<hbm>>
    %dma_wait3A_29 = arith.constant 0 : i32
    %dma_wait3A_30 = tpu.memref_slice %arg2[%add3A_9, %dma_wait3A_29] : memref<16384x128xf32, #tpu.memory_space<hbm>> -> memref<256x128xf32, #tpu.memory_space<hbm>>
    tpu.wait_dma2 semaphore(%arg7 : memref<!tpu.dma_semaphore, #tpu.memory_space<semaphore_mem>>) src(%dma_wait3A_30 : memref<256x128xf32, #tpu.memory_space<hbm>>) dst(%arg5 : memref<256x128xf32, #tpu.memory_space<vmem>>)
    %scan3A_31 = arith.constant 0 : i32
    %scan3A_32 = arith.constant 128 : i32
    %scan3A_33 = arith.addi %scan3A_31, %scan3A_32 : i32
    %scan3A_34 = arith.constant 2 : i32
    scf.for %scan3A_50 = %scan3A_31 to %scan3A_33 step %scan3A_34  : i32 {
      %mul3A_51 = arith.constant 1 : i32
      %mul3A_52 = arith.muli %scan3A_50, %mul3A_51 : i32
      %add3A_53 = arith.constant 0 : i32
      %add3A_54 = arith.addi %add3A_53, %mul3A_52 : i32
      %mul3A_55 = arith.constant 2 : i32
      %mul3A_56 = arith.muli %add3A_54, %mul3A_55 : i32
      %add3A_57 = arith.constant 1 : i32
      %add3A_58 = arith.addi %mul3A_56, %add3A_57 : i32
      %iota3A = tpu.iota {dimensions = array<i32: 0>} : vector<16xi32>
      %and3A = arith.constant 7 : i32
      %and3A_59 = vector.broadcast %and3A : i32 to vector<16xi32>
      %and3A_60 = arith.andi %iota3A, %and3A_59 : vector<16xi32>
      %convert_element_type3A = arith.sitofp %and3A_60 : vector<16xi32> to vector<16xf32>
      %lt3A = arith.constant 8 : i32
      %lt3A_61 = vector.broadcast %lt3A : i32 to vector<16xi32>
      %lt3A_62 = arith.cmpi slt, %iota3A, %lt3A_61 : vector<16xi32>
      %get3A = arith.index_cast %mul3A_56 : i32 to index
      %get3A_63 = arith.constant 4 : index
      %get3A_64 = tpu.vector_load %arg5[%get3A, %get3A_63] {strides = array<i32>} : memref<256x128xf32, #tpu.memory_space<vmem>>, vector<1x16xf32>,
      %get3A_65 = vector.shape_cast %get3A_64 : vector<1x16xf32> to vector<16xf32>
      %get3A_66 = arith.index_cast %add3A_58 : i32 to index
      %get3A_67 = arith.constant 4 : index
      %get3A_68 = tpu.vector_load %arg5[%get3A_66, %get3A_67] {strides = array<i32>} : memref<256x128xf32, #tpu.memory_space<vmem>>, vector<1x16xf32>,
      %get3A_69 = vector.shape_cast %get3A_68 : vector<1x16xf32> to vector<16xf32>
      %xor3A = arith.constant 8 : i32
      %xor3A_70 = vector.broadcast %xor3A : i32 to vector<16xi32>
      %xor3A_71 = arith.xori %iota3A, %xor3A_70 : vector<16xi32>
      %broadcast_in_dim3A = vector.shape_cast %xor3A_71 : vector<16xi32> to vector<16x1xi32>
      %gather3A = vector.shape_cast %broadcast_in_dim3A : vector<16x1xi32> to vector<16xi32>
      %gather3A_72 = tpu.dynamic_gather %get3A_69[%gather3A] in [0] : vector<16xf32>, vector<16xi32> -> vector<16xf32>
      %select_n3A = arith.select %lt3A_62, %get3A_65, %gather3A_72 : vector<16xi1>, vector<16xf32>
      %xor3A_73 = arith.constant 8 : i32
      %xor3A_74 = vector.broadcast %xor3A_73 : i32 to vector<16xi32>
      %xor3A_75 = arith.xori %iota3A, %xor3A_74 : vector<16xi32>
      %broadcast_in_dim3A_76 = vector.shape_cast %xor3A_75 : vector<16xi32> to vector<16x1xi32>
      %gather3A_77 = vector.shape_cast %broadcast_in_dim3A_76 : vector<16x1xi32> to vector<16xi32>
      %gather3A_78 = tpu.dynamic_gather %get3A_65[%gather3A_77] in [0] : vector<16xf32>, vector<16xi32> -> vector<16xf32>
      %select_n3A_79 = arith.select %lt3A_62, %gather3A_78, %get3A_69 : vector<16xi1>, vector<16xf32>
      %max3A = arith.maximumf %select_n3A, %select_n3A_79 : vector<16xf32>
      %xor3A_80 = arith.constant 1 : i32
      %xor3A_81 = vector.broadcast %xor3A_80 : i32 to vector<16xi32>
      %xor3A_82 = arith.xori %iota3A, %xor3A_81 : vector<16xi32>
      %broadcast_in_dim3A_83 = vector.shape_cast %xor3A_82 : vector<16xi32> to vector<16x1xi32>
      %gather3A_84 = vector.shape_cast %broadcast_in_dim3A_83 : vector<16x1xi32> to vector<16xi32>
      %gather3A_85 = tpu.dynamic_gather %max3A[%gather3A_84] in [0] : vector<16xf32>, vector<16xi32> -> vector<16xf32>
      %max3A_86 = arith.maximumf %max3A, %gather3A_85 : vector<16xf32>
      %xor3A_87 = arith.constant 2 : i32
      %xor3A_88 = vector.broadcast %xor3A_87 : i32 to vector<16xi32>
      %xor3A_89 = arith.xori %iota3A, %xor3A_88 : vector<16xi32>
      %broadcast_in_dim3A_90 = vector.shape_cast %xor3A_89 : vector<16xi32> to vector<16x1xi32>
      %gather3A_91 = vector.shape_cast %broadcast_in_dim3A_90 : vector<16x1xi32> to vector<16xi32>
      %gather3A_92 = tpu.dynamic_gather %max3A_86[%gather3A_91] in [0] : vector<16xf32>, vector<16xi32> -> vector<16xf32>
      %max3A_93 = arith.maximumf %max3A_86, %gather3A_92 : vector<16xf32>
      %xor3A_94 = arith.constant 4 : i32
      %xor3A_95 = vector.broadcast %xor3A_94 : i32 to vector<16xi32>
      %xor3A_96 = arith.xori %iota3A, %xor3A_95 : vector<16xi32>
      %broadcast_in_dim3A_97 = vector.shape_cast %xor3A_96 : vector<16xi32> to vector<16x1xi32>
      %gather3A_98 = vector.shape_cast %broadcast_in_dim3A_97 : vector<16x1xi32> to vector<16xi32>
      %gather3A_99 = tpu.dynamic_gather %max3A_93[%gather3A_98] in [0] : vector<16xf32>, vector<16xi32> -> vector<16xf32>
      %max3A_100 = arith.maximumf %max3A_93, %gather3A_99 : vector<16xf32>
      %eq3A = arith.cmpf oeq, %select_n3A, %max3A_100 : vector<16xf32>
      %jit3A = arith.constant 1.600000e+01 : f32
      %broadcast_in_dim3A_101 = vector.broadcast %jit3A : f32 to vector<16xf32>
      %select_n3A_102 = arith.select %eq3A, %convert_element_type3A, %broadcast_in_dim3A_101 : vector<16xi1>, vector<16xf32>
      %eq3A_103 = arith.cmpf oeq, %select_n3A_79, %max3A_100 : vector<16xf32>
      %add3A_104 = arith.constant 8.000000e+00 : f32
      %add3A_105 = vector.broadcast %add3A_104 : f32 to vector<16xf32>
      %add3A_106 = arith.addf %convert_element_type3A, %add3A_105 : vector<16xf32>
      %jit3A_107 = arith.constant 1.600000e+01 : f32
      %broadcast_in_dim3A_108 = vector.broadcast %jit3A_107 : f32 to vector<16xf32>
      %select_n3A_109 = arith.select %eq3A_103, %add3A_106, %broadcast_in_dim3A_108 : vector<16xi1>, vector<16xf32>
      %min3A = arith.minimumf %select_n3A_102, %select_n3A_109 : vector<16xf32>
      %xor3A_110 = arith.constant 1 : i32
      %xor3A_111 = vector.broadcast %xor3A_110 : i32 to vector<16xi32>
      %xor3A_112 = arith.xori %iota3A, %xor3A_111 : vector<16xi32>
      %broadcast_in_dim3A_113 = vector.shape_cast %xor3A_112 : vector<16xi32> to vector<16x1xi32>
      %gather3A_114 = vector.shape_cast %broadcast_in_dim3A_113 : vector<16x1xi32> to vector<16xi32>
      %gather3A_115 = tpu.dynamic_gather %min3A[%gather3A_114] in [0] : vector<16xf32>, vector<16xi32> -> vector<16xf32>
      %min3A_116 = arith.minimumf %min3A, %gather3A_115 : vector<16xf32>
      %xor3A_117 = arith.constant 2 : i32
      %xor3A_118 = vector.broadcast %xor3A_117 : i32 to vector<16xi32>
      %xor3A_119 = arith.xori %iota3A, %xor3A_118 : vector<16xi32>
      %broadcast_in_dim3A_120 = vector.shape_cast %xor3A_119 : vector<16xi32> to vector<16x1xi32>
      %gather3A_121 = vector.shape_cast %broadcast_in_dim3A_120 : vector<16x1xi32> to vector<16xi32>
      %gather3A_122 = tpu.dynamic_gather %min3A_116[%gather3A_121] in [0] : vector<16xf32>, vector<16xi32> -> vector<16xf32>
      %min3A_123 = arith.minimumf %min3A_116, %gather3A_122 : vector<16xf32>
      %xor3A_124 = arith.constant 4 : i32
      %xor3A_125 = vector.broadcast %xor3A_124 : i32 to vector<16xi32>
      %xor3A_126 = arith.xori %iota3A, %xor3A_125 : vector<16xi32>
      %broadcast_in_dim3A_127 = vector.shape_cast %xor3A_126 : vector<16xi32> to vector<16x1xi32>
      %gather3A_128 = vector.shape_cast %broadcast_in_dim3A_127 : vector<16x1xi32> to vector<16xi32>
      %gather3A_129 = tpu.dynamic_gather %min3A_123[%gather3A_128] in [0] : vector<16xf32>, vector<16xi32> -> vector<16xf32>
      %min3A_130 = arith.minimumf %min3A_123, %gather3A_129 : vector<16xf32>
      %get3A_131 = arith.index_cast %mul3A_56 : i32 to index
      %get3A_132 = arith.constant 20 : index
      %get3A_133 = tpu.vector_load %arg5[%get3A_131, %get3A_132] {strides = array<i32>} : memref<256x128xf32, #tpu.memory_space<vmem>>, vector<1x16xf32>,
      %get3A_134 = vector.shape_cast %get3A_133 : vector<1x16xf32> to vector<16xf32>
      %get3A_135 = arith.index_cast %add3A_58 : i32 to index
      %get3A_136 = arith.constant 20 : index
      %get3A_137 = tpu.vector_load %arg5[%get3A_135, %get3A_136] {strides = array<i32>} : memref<256x128xf32, #tpu.memory_space<vmem>>, vector<1x16xf32>,
      %get3A_138 = vector.shape_cast %get3A_137 : vector<1x16xf32> to vector<16xf32>
      %xor3A_139 = arith.constant 8 : i32
      %xor3A_140 = vector.broadcast %xor3A_139 : i32 to vector<16xi32>
      %xor3A_141 = arith.xori %iota3A, %xor3A_140 : vector<16xi32>
      %broadcast_in_dim3A_142 = vector.shape_cast %xor3A_141 : vector<16xi32> to vector<16x1xi32>
      %gather3A_143 = vector.shape_cast %broadcast_in_dim3A_142 : vector<16x1xi32> to vector<16xi32>
      %gather3A_144 = tpu.dynamic_gather %get3A_138[%gather3A_143] in [0] : vector<16xf32>, vector<16xi32> -> vector<16xf32>
      %select_n3A_145 = arith.select %lt3A_62, %get3A_134, %gather3A_144 : vector<16xi1>, vector<16xf32>
      %xor3A_146 = arith.constant 8 : i32
      %xor3A_147 = vector.broadcast %xor3A_146 : i32 to vector<16xi32>
      %xor3A_148 = arith.xori %iota3A, %xor3A_147 : vector<16xi32>
      %broadcast_in_dim3A_149 = vector.shape_cast %xor3A_148 : vector<16xi32> to vector<16x1xi32>
      %gather3A_150 = vector.shape_cast %broadcast_in_dim3A_149 : vector<16x1xi32> to vector<16xi32>
      %gather3A_151 = tpu.dynamic_gather %get3A_134[%gather3A_150] in [0] : vector<16xf32>, vector<16xi32> -> vector<16xf32>
      %select_n3A_152 = arith.select %lt3A_62, %gather3A_151, %get3A_138 : vector<16xi1>, vector<16xf32>
      %max3A_153 = arith.maximumf %select_n3A_145, %select_n3A_152 : vector<16xf32>
      %xor3A_154 = arith.constant 1 : i32
      %xor3A_155 = vector.broadcast %xor3A_154 : i32 to vector<16xi32>
      %xor3A_156 = arith.xori %iota3A, %xor3A_155 : vector<16xi32>
      %broadcast_in_dim3A_157 = vector.shape_cast %xor3A_156 : vector<16xi32> to vector<16x1xi32>
      %gather3A_158 = vector.shape_cast %broadcast_in_dim3A_157 : vector<16x1xi32> to vector<16xi32>
      %gather3A_159 = tpu.dynamic_gather %max3A_153[%gather3A_158] in [0] : vector<16xf32>, vector<16xi32> -> vector<16xf32>
      %max3A_160 = arith.maximumf %max3A_153, %gather3A_159 : vector<16xf32>
      %xor3A_161 = arith.constant 2 : i32
      %xor3A_162 = vector.broadcast %xor3A_161 : i32 to vector<16xi32>
      %xor3A_163 = arith.xori %iota3A, %xor3A_162 : vector<16xi32>
      %broadcast_in_dim3A_164 = vector.shape_cast %xor3A_163 : vector<16xi32> to vector<16x1xi32>
      %gather3A_165 = vector.shape_cast %broadcast_in_dim3A_164 : vector<16x1xi32> to vector<16xi32>
      %gather3A_166 = tpu.dynamic_gather %max3A_160[%gather3A_165] in [0] : vector<16xf32>, vector<16xi32> -> vector<16xf32>
      %max3A_167 = arith.maximumf %max3A_160, %gather3A_166 : vector<16xf32>
      %xor3A_168 = arith.constant 4 : i32
      %xor3A_169 = vector.broadcast %xor3A_168 : i32 to vector<16xi32>
      %xor3A_170 = arith.xori %iota3A, %xor3A_169 : vector<16xi32>
      %broadcast_in_dim3A_171 = vector.shape_cast %xor3A_170 : vector<16xi32> to vector<16x1xi32>
      %gather3A_172 = vector.shape_cast %broadcast_in_dim3A_171 : vector<16x1xi32> to vector<16xi32>
      %gather3A_173 = tpu.dynamic_gather %max3A_167[%gather3A_172] in [0] : vector<16xf32>, vector<16xi32> -> vector<16xf32>
      %max3A_174 = arith.maximumf %max3A_167, %gather3A_173 : vector<16xf32>
      %eq3A_175 = arith.cmpf oeq, %select_n3A_145, %max3A_174 : vector<16xf32>
      %jit3A_176 = arith.constant 1.600000e+01 : f32
      %broadcast_in_dim3A_177 = vector.broadcast %jit3A_176 : f32 to vector<16xf32>
      %select_n3A_178 = arith.select %eq3A_175, %convert_element_type3A, %broadcast_in_dim3A_177 : vector<16xi1>, vector<16xf32>
      %eq3A_179 = arith.cmpf oeq, %select_n3A_152, %max3A_174 : vector<16xf32>
      %add3A_180 = arith.constant 8.000000e+00 : f32
      %add3A_181 = vector.broadcast %add3A_180 : f32 to vector<16xf32>
      %add3A_182 = arith.addf %convert_element_type3A, %add3A_181 : vector<16xf32>
      %jit3A_183 = arith.constant 1.600000e+01 : f32
      %broadcast_in_dim3A_184 = vector.broadcast %jit3A_183 : f32 to vector<16xf32>
      %select_n3A_185 = arith.select %eq3A_179, %add3A_182, %broadcast_in_dim3A_184 : vector<16xi1>, vector<16xf32>
      %min3A_186 = arith.minimumf %select_n3A_178, %select_n3A_185 : vector<16xf32>
      %xor3A_187 = arith.constant 1 : i32
      %xor3A_188 = vector.broadcast %xor3A_187 : i32 to vector<16xi32>
      %xor3A_189 = arith.xori %iota3A, %xor3A_188 : vector<16xi32>
      %broadcast_in_dim3A_190 = vector.shape_cast %xor3A_189 : vector<16xi32> to vector<16x1xi32>
      %gather3A_191 = vector.shape_cast %broadcast_in_dim3A_190 : vector<16x1xi32> to vector<16xi32>
      %gather3A_192 = tpu.dynamic_gather %min3A_186[%gather3A_191] in [0] : vector<16xf32>, vector<16xi32> -> vector<16xf32>
      %min3A_193 = arith.minimumf %min3A_186, %gather3A_192 : vector<16xf32>
      %xor3A_194 = arith.constant 2 : i32
      %xor3A_195 = vector.broadcast %xor3A_194 : i32 to vector<16xi32>
      %xor3A_196 = arith.xori %iota3A, %xor3A_195 : vector<16xi32>
      %broadcast_in_dim3A_197 = vector.shape_cast %xor3A_196 : vector<16xi32> to vector<16x1xi32>
      %gather3A_198 = vector.shape_cast %broadcast_in_dim3A_197 : vector<16x1xi32> to vector<16xi32>
      %gather3A_199 = tpu.dynamic_gather %min3A_193[%gather3A_198] in [0] : vector<16xf32>, vector<16xi32> -> vector<16xf32>
      %min3A_200 = arith.minimumf %min3A_193, %gather3A_199 : vector<16xf32>
      %xor3A_201 = arith.constant 4 : i32
      %xor3A_202 = vector.broadcast %xor3A_201 : i32 to vector<16xi32>
      %xor3A_203 = arith.xori %iota3A, %xor3A_202 : vector<16xi32>
      %broadcast_in_dim3A_204 = vector.shape_cast %xor3A_203 : vector<16xi32> to vector<16x1xi32>
      %gather3A_205 = vector.shape_cast %broadcast_in_dim3A_204 : vector<16x1xi32> to vector<16xi32>
      %gather3A_206 = tpu.dynamic_gather %min3A_200[%gather3A_205] in [0] : vector<16xf32>, vector<16xi32> -> vector<16xf32>
      %min3A_207 = arith.minimumf %min3A_200, %gather3A_206 : vector<16xf32>
      %get3A_208 = arith.index_cast %mul3A_56 : i32 to index
      %get3A_209 = arith.constant 36 : index
      %get3A_210 = tpu.vector_load %arg5[%get3A_208, %get3A_209] {strides = array<i32>} : memref<256x128xf32, #tpu.memory_space<vmem>>, vector<1x16xf32>,
      %get3A_211 = vector.shape_cast %get3A_210 : vector<1x16xf32> to vector<16xf32>
      %get3A_212 = arith.index_cast %add3A_58 : i32 to index
      %get3A_213 = arith.constant 36 : index
      %get3A_214 = tpu.vector_load %arg5[%get3A_212, %get3A_213] {strides = array<i32>} : memref<256x128xf32, #tpu.memory_space<vmem>>, vector<1x16xf32>,
      %get3A_215 = vector.shape_cast %get3A_214 : vector<1x16xf32> to vector<16xf32>
      %xor3A_216 = arith.constant 8 : i32
      %xor3A_217 = vector.broadcast %xor3A_216 : i32 to vector<16xi32>
      %xor3A_218 = arith.xori %iota3A, %xor3A_217 : vector<16xi32>
      %broadcast_in_dim3A_219 = vector.shape_cast %xor3A_218 : vector<16xi32> to vector<16x1xi32>
      %gather3A_220 = vector.shape_cast %broadcast_in_dim3A_219 : vector<16x1xi32> to vector<16xi32>
      %gather3A_221 = tpu.dynamic_gather %get3A_215[%gather3A_220] in [0] : vector<16xf32>, vector<16xi32> -> vector<16xf32>
      %select_n3A_222 = arith.select %lt3A_62, %get3A_211, %gather3A_221 : vector<16xi1>, vector<16xf32>
      %xor3A_223 = arith.constant 8 : i32
      %xor3A_224 = vector.broadcast %xor3A_223 : i32 to vector<16xi32>
      %xor3A_225 = arith.xori %iota3A, %xor3A_224 : vector<16xi32>
      %broadcast_in_dim3A_226 = vector.shape_cast %xor3A_225 : vector<16xi32> to vector<16x1xi32>
      %gather3A_227 = vector.shape_cast %broadcast_in_dim3A_226 : vector<16x1xi32> to vector<16xi32>
      %gather3A_228 = tpu.dynamic_gather %get3A_211[%gather3A_227] in [0] : vector<16xf32>, vector<16xi32> -> vector<16xf32>
      %select_n3A_229 = arith.select %lt3A_62, %gather3A_228, %get3A_215 : vector<16xi1>, vector<16xf32>
      %max3A_230 = arith.maximumf %select_n3A_222, %select_n3A_229 : vector<16xf32>
      %xor3A_231 = arith.constant 1 : i32
      %xor3A_232 = vector.broadcast %xor3A_231 : i32 to vector<16xi32>
      %xor3A_233 = arith.xori %iota3A, %xor3A_232 : vector<16xi32>
      %broadcast_in_dim3A_234 = vector.shape_cast %xor3A_233 : vector<16xi32> to vector<16x1xi32>
      %gather3A_235 = vector.shape_cast %broadcast_in_dim3A_234 : vector<16x1xi32> to vector<16xi32>
      %gather3A_236 = tpu.dynamic_gather %max3A_230[%gather3A_235] in [0] : vector<16xf32>, vector<16xi32> -> vector<16xf32>
      %max3A_237 = arith.maximumf %max3A_230, %gather3A_236 : vector<16xf32>
      %xor3A_238 = arith.constant 2 : i32
      %xor3A_239 = vector.broadcast %xor3A_238 : i32 to vector<16xi32>
      %xor3A_240 = arith.xori %iota3A, %xor3A_239 : vector<16xi32>
      %broadcast_in_dim3A_241 = vector.shape_cast %xor3A_240 : vector<16xi32> to vector<16x1xi32>
      %gather3A_242 = vector.shape_cast %broadcast_in_dim3A_241 : vector<16x1xi32> to vector<16xi32>
      %gather3A_243 = tpu.dynamic_gather %max3A_237[%gather3A_242] in [0] : vector<16xf32>, vector<16xi32> -> vector<16xf32>
      %max3A_244 = arith.maximumf %max3A_237, %gather3A_243 : vector<16xf32>
      %xor3A_245 = arith.constant 4 : i32
      %xor3A_246 = vector.broadcast %xor3A_245 : i32 to vector<16xi32>
      %xor3A_247 = arith.xori %iota3A, %xor3A_246 : vector<16xi32>
      %broadcast_in_dim3A_248 = vector.shape_cast %xor3A_247 : vector<16xi32> to vector<16x1xi32>
      %gather3A_249 = vector.shape_cast %broadcast_in_dim3A_248 : vector<16x1xi32> to vector<16xi32>
      %gather3A_250 = tpu.dynamic_gather %max3A_244[%gather3A_249] in [0] : vector<16xf32>, vector<16xi32> -> vector<16xf32>
      %max3A_251 = arith.maximumf %max3A_244, %gather3A_250 : vector<16xf32>
      %eq3A_252 = arith.cmpf oeq, %select_n3A_222, %max3A_251 : vector<16xf32>
      %jit3A_253 = arith.constant 1.600000e+01 : f32
      %broadcast_in_dim3A_254 = vector.broadcast %jit3A_253 : f32 to vector<16xf32>
      %select_n3A_255 = arith.select %eq3A_252, %convert_element_type3A, %broadcast_in_dim3A_254 : vector<16xi1>, vector<16xf32>
      %eq3A_256 = arith.cmpf oeq, %select_n3A_229, %max3A_251 : vector<16xf32>
      %add3A_257 = arith.constant 8.000000e+00 : f32
      %add3A_258 = vector.broadcast %add3A_257 : f32 to vector<16xf32>
      %add3A_259 = arith.addf %convert_element_type3A, %add3A_258 : vector<16xf32>
      %jit3A_260 = arith.constant 1.600000e+01 : f32
      %broadcast_in_dim3A_261 = vector.broadcast %jit3A_260 : f32 to vector<16xf32>
      %select_n3A_262 = arith.select %eq3A_256, %add3A_259, %broadcast_in_dim3A_261 : vector<16xi1>, vector<16xf32>
      %min3A_263 = arith.minimumf %select_n3A_255, %select_n3A_262 : vector<16xf32>
      %xor3A_264 = arith.constant 1 : i32
      %xor3A_265 = vector.broadcast %xor3A_264 : i32 to vector<16xi32>
      %xor3A_266 = arith.xori %iota3A, %xor3A_265 : vector<16xi32>
      %broadcast_in_dim3A_267 = vector.shape_cast %xor3A_266 : vector<16xi32> to vector<16x1xi32>
      %gather3A_268 = vector.shape_cast %broadcast_in_dim3A_267 : vector<16x1xi32> to vector<16xi32>
      %gather3A_269 = tpu.dynamic_gather %min3A_263[%gather3A_268] in [0] : vector<16xf32>, vector<16xi32> -> vector<16xf32>
      %min3A_270 = arith.minimumf %min3A_263, %gather3A_269 : vector<16xf32>
      %xor3A_271 = arith.constant 2 : i32
      %xor3A_272 = vector.broadcast %xor3A_271 : i32 to vector<16xi32>
      %xor3A_273 = arith.xori %iota3A, %xor3A_272 : vector<16xi32>
      %broadcast_in_dim3A_274 = vector.shape_cast %xor3A_273 : vector<16xi32> to vector<16x1xi32>
      %gather3A_275 = vector.shape_cast %broadcast_in_dim3A_274 : vector<16x1xi32> to vector<16xi32>
      %gather3A_276 = tpu.dynamic_gather %min3A_270[%gather3A_275] in [0] : vector<16xf32>, vector<16xi32> -> vector<16xf32>
      %min3A_277 = arith.minimumf %min3A_270, %gather3A_276 : vector<16xf32>
      %xor3A_278 = arith.constant 4 : i32
      %xor3A_279 = vector.broadcast %xor3A_278 : i32 to vector<16xi32>
      %xor3A_280 = arith.xori %iota3A, %xor3A_279 : vector<16xi32>
      %broadcast_in_dim3A_281 = vector.shape_cast %xor3A_280 : vector<16xi32> to vector<16x1xi32>
      %gather3A_282 = vector.shape_cast %broadcast_in_dim3A_281 : vector<16x1xi32> to vector<16xi32>
      %gather3A_283 = tpu.dynamic_gather %min3A_277[%gather3A_282] in [0] : vector<16xf32>, vector<16xi32> -> vector<16xf32>
      %min3A_284 = arith.minimumf %min3A_277, %gather3A_283 : vector<16xf32>
      %convert_element_type3A_285 = arith.fptosi %min3A_284 : vector<16xf32> to vector<16xi32>
      %get3A_286 = arith.index_cast %mul3A_56 : i32 to index
      %get3A_287 = arith.constant 0 : index
      %get3A_288 = tpu.vector_load %arg5[%get3A_286, %get3A_287] {strides = array<i32>} : memref<256x128xf32, #tpu.memory_space<vmem>>, vector<1x16xf32>,
      %get3A_289 = vector.shape_cast %get3A_288 : vector<1x16xf32> to vector<16xf32>
      %get3A_290 = arith.index_cast %add3A_58 : i32 to index
      %get3A_291 = arith.constant 0 : index
      %get3A_292 = tpu.vector_load %arg5[%get3A_290, %get3A_291] {strides = array<i32>} : memref<256x128xf32, #tpu.memory_space<vmem>>, vector<1x16xf32>,
      %get3A_293 = vector.shape_cast %get3A_292 : vector<1x16xf32> to vector<16xf32>
      %slice3A = vector.extract_strided_slice %get3A_289 {offsets = [0], sizes = [1], strides = [1]} : vector<16xf32> to vector<1xf32>
      %squeeze3A = vector.extract %slice3A[0] : f32 from vector<1xf32>
      %ge3A = arith.constant 5.000000e-01 : f32
      %ge3A_294 = arith.cmpf oge, %squeeze3A, %ge3A : f32
      %jit3A_295 = arith.constant 1.000000e+00 : f32
      %jit3A_296 = arith.constant 0.000000e+00 : f32
      %select_n3A_297 = arith.select %ge3A_294, %jit3A_295, %jit3A_296 : f32
      %slice3A_298 = vector.extract_strided_slice %get3A_289 {offsets = [1], sizes = [1], strides = [1]} : vector<16xf32> to vector<1xf32>
      %squeeze3A_299 = vector.extract %slice3A_298[0] : f32 from vector<1xf32>
      %gt3A = arith.constant 5.000000e-01 : f32
      %gt3A_300 = arith.cmpf ogt, %squeeze3A_299, %gt3A : f32
      %jit3A_301 = arith.constant 1.000000e+00 : f32
      %jit3A_302 = arith.constant 0.000000e+00 : f32
      %select_n3A_303 = arith.select %gt3A_300, %jit3A_301, %jit3A_302 : f32
      %slice3A_304 = vector.extract_strided_slice %get3A_289 {offsets = [2], sizes = [1], strides = [1]} : vector<16xf32> to vector<1xf32>
      %squeeze3A_305 = vector.extract %slice3A_304[0] : f32 from vector<1xf32>
      %gt3A_306 = arith.constant 5.000000e-01 : f32
      %gt3A_307 = arith.cmpf ogt, %squeeze3A_305, %gt3A_306 : f32
      %jit3A_308 = arith.constant 1.000000e+00 : f32
      %jit3A_309 = arith.constant 0.000000e+00 : f32
      %select_n3A_310 = arith.select %gt3A_307, %jit3A_308, %jit3A_309 : f32
      %sub3A = arith.constant 1.000000e+00 : f32
      %sub3A_311 = arith.subf %sub3A, %select_n3A_303 : f32
      %mul3A_312 = arith.mulf %select_n3A_310, %sub3A_311 : f32
      %mul3A_313 = arith.constant 2.000000e+00 : f32
      %mul3A_314 = arith.mulf %mul3A_313, %select_n3A_297 : f32
      %add3A_315 = arith.addf %select_n3A_303, %mul3A_312 : f32
      %mul3A_316 = arith.mulf %mul3A_314, %add3A_315 : f32
      %slice3A_317 = vector.extract_strided_slice %get3A_293 {offsets = [0], sizes = [1], strides = [1]} : vector<16xf32> to vector<1xf32>
      %squeeze3A_318 = vector.extract %slice3A_317[0] : f32 from vector<1xf32>
      %ge3A_319 = arith.constant 5.000000e-01 : f32
      %ge3A_320 = arith.cmpf oge, %squeeze3A_318, %ge3A_319 : f32
      %jit3A_321 = arith.constant 1.000000e+00 : f32
      %jit3A_322 = arith.constant 0.000000e+00 : f32
      %select_n3A_323 = arith.select %ge3A_320, %jit3A_321, %jit3A_322 : f32
      %slice3A_324 = vector.extract_strided_slice %get3A_293 {offsets = [1], sizes = [1], strides = [1]} : vector<16xf32> to vector<1xf32>
      %squeeze3A_325 = vector.extract %slice3A_324[0] : f32 from vector<1xf32>
      %gt3A_326 = arith.constant 5.000000e-01 : f32
      %gt3A_327 = arith.cmpf ogt, %squeeze3A_325, %gt3A_326 : f32
      %jit3A_328 = arith.constant 1.000000e+00 : f32
      %jit3A_329 = arith.constant 0.000000e+00 : f32
      %select_n3A_330 = arith.select %gt3A_327, %jit3A_328, %jit3A_329 : f32
      %slice3A_331 = vector.extract_strided_slice %get3A_293 {offsets = [2], sizes = [1], strides = [1]} : vector<16xf32> to vector<1xf32>
      %squeeze3A_332 = vector.extract %slice3A_331[0] : f32 from vector<1xf32>
      %gt3A_333 = arith.constant 5.000000e-01 : f32
      %gt3A_334 = arith.cmpf ogt, %squeeze3A_332, %gt3A_333 : f32
      %jit3A_335 = arith.constant 1.000000e+00 : f32
      %jit3A_336 = arith.constant 0.000000e+00 : f32
      %select_n3A_337 = arith.select %gt3A_334, %jit3A_335, %jit3A_336 : f32
      %sub3A_338 = arith.constant 1.000000e+00 : f32
      %sub3A_339 = arith.subf %sub3A_338, %select_n3A_330 : f32
      %mul3A_340 = arith.mulf %select_n3A_337, %sub3A_339 : f32
      %mul3A_341 = arith.constant 2.000000e+00 : f32
      %mul3A_342 = arith.mulf %mul3A_341, %select_n3A_323 : f32
      %add3A_343 = arith.addf %select_n3A_330, %mul3A_340 : f32
      %mul3A_344 = arith.mulf %mul3A_342, %add3A_343 : f32
      %broadcast_in_dim3A_345 = vector.broadcast %select_n3A_303 : f32 to vector<16xf32>
      %broadcast_in_dim3A_346 = vector.broadcast %select_n3A_330 : f32 to vector<16xf32>
      %select_n3A_347 = arith.select %lt3A_62, %broadcast_in_dim3A_345, %broadcast_in_dim3A_346 : vector<16xi1>, vector<16xf32>
      %mul3A_348 = arith.constant 1.600000e+01 : f32
      %mul3A_349 = vector.broadcast %mul3A_348 : f32 to vector<16xf32>
      %mul3A_350 = arith.mulf %min3A_207, %mul3A_349 : vector<16xf32>
      %add3A_351 = arith.addf %min3A_130, %mul3A_350 : vector<16xf32>
      %add3A_352 = arith.constant 127 : i32
      %add3A_353 = vector.broadcast %add3A_352 : i32 to vector<16xi32>
      %add3A_354 = arith.addi %convert_element_type3A_285, %add3A_353 : vector<16xi32>
      %shift_left3A = arith.constant 23 : i32
      %shift_left3A_355 = vector.broadcast %shift_left3A : i32 to vector<16xi32>
      %shift_left3A_356 = arith.shli %add3A_354, %shift_left3A_355 : vector<16xi32>
      %bitcast_convert_type3A = tpu.bitcast %shift_left3A_356 : vector<16xi32> -> vector<16xf32>
      %sub3A_357 = arith.constant 127 : i32
      %sub3A_358 = vector.broadcast %sub3A_357 : i32 to vector<16xi32>
      %sub3A_359 = arith.subi %sub3A_358, %convert_element_type3A_285 : vector<16xi32>
      %shift_left3A_360 = arith.constant 23 : i32
      %shift_left3A_361 = vector.broadcast %shift_left3A_360 : i32 to vector<16xi32>
      %shift_left3A_362 = arith.shli %sub3A_359, %shift_left3A_361 : vector<16xi32>
      %bitcast_convert_type3A_363 = tpu.bitcast %shift_left3A_362 : vector<16xi32> -> vector<16xf32>
      %mul3A_364 = arith.mulf %add3A_351, %bitcast_convert_type3A : vector<16xf32>
      %convert_element_type3A_365 = arith.fptosi %mul3A_364 : vector<16xf32> to vector<16xi32>
      %and3A_366 = arith.constant 255 : i32
      %and3A_367 = vector.broadcast %and3A_366 : i32 to vector<16xi32>
      %and3A_368 = arith.andi %convert_element_type3A_365, %and3A_367 : vector<16xi32>
      %mul3A_369 = arith.mulf %add3A_351, %bitcast_convert_type3A_363 : vector<16xf32>
      %convert_element_type3A_370 = arith.fptosi %mul3A_369 : vector<16xf32> to vector<16xi32>
      %gt3A_371 = arith.constant 5.000000e-01 : f32
      %gt3A_372 = vector.broadcast %gt3A_371 : f32 to vector<16xf32>
      %gt3A_373 = arith.cmpf ogt, %select_n3A_347, %gt3A_372 : vector<16xf32>
      %select_n3A_374 = arith.select %gt3A_373, %and3A_368, %convert_element_type3A_370 : vector<16xi1>, vector<16xi32>
      %and3A_375 = arith.constant 7 : i32
      %and3A_376 = vector.broadcast %and3A_375 : i32 to vector<16xi32>
      %and3A_377 = arith.andi %iota3A, %and3A_376 : vector<16xi32>
      %broadcast_in_dim3A_378 = vector.shape_cast %and3A_377 : vector<16xi32> to vector<16x1xi32>
      %gather3A_379 = vector.shape_cast %broadcast_in_dim3A_378 : vector<16x1xi32> to vector<16xi32>
      %gather3A_380 = tpu.dynamic_gather %select_n3A_374[%gather3A_379] in [0] : vector<16xi32>, vector<16xi32> -> vector<16xi32>
      %and3A_381 = arith.constant 7 : i32
      %and3A_382 = vector.broadcast %and3A_381 : i32 to vector<16xi32>
      %and3A_383 = arith.andi %iota3A, %and3A_382 : vector<16xi32>
      %or3A = arith.constant 8 : i32
      %or3A_384 = vector.broadcast %or3A : i32 to vector<16xi32>
      %or3A_385 = arith.ori %and3A_383, %or3A_384 : vector<16xi32>
      %broadcast_in_dim3A_386 = vector.shape_cast %or3A_385 : vector<16xi32> to vector<16x1xi32>
      %gather3A_387 = vector.shape_cast %broadcast_in_dim3A_386 : vector<16x1xi32> to vector<16xi32>
      %gather3A_388 = tpu.dynamic_gather %select_n3A_374[%gather3A_387] in [0] : vector<16xi32>, vector<16xi32> -> vector<16xi32>
      %and3A_389 = arith.constant 15 : i32
      %and3A_390 = vector.broadcast %and3A_389 : i32 to vector<16xi32>
      %and3A_391 = arith.andi %gather3A_380, %and3A_390 : vector<16xi32>
      %eq3A_392 = arith.cmpi eq, %iota3A, %and3A_391 : vector<16xi32>
      %jit3A_393 = arith.constant 0.000000e+00 : f32
      %broadcast_in_dim3A_394 = vector.broadcast %mul3A_316 : f32 to vector<16xf32>
      %broadcast_in_dim3A_395 = vector.broadcast %jit3A_393 : f32 to vector<16xf32>
      %select_n3A_396 = arith.select %eq3A_392, %broadcast_in_dim3A_394, %broadcast_in_dim3A_395 : vector<16xi1>, vector<16xf32>
      %shift_right_arithmetic3A = arith.constant 4 : i32
      %shift_right_arithmetic3A_397 = vector.broadcast %shift_right_arithmetic3A : i32 to vector<16xi32>
      %shift_right_arithmetic3A_398 = arith.shrsi %gather3A_380, %shift_right_arithmetic3A_397 : vector<16xi32>
      %and3A_399 = arith.constant 15 : i32
      %and3A_400 = vector.broadcast %and3A_399 : i32 to vector<16xi32>
      %and3A_401 = arith.andi %shift_right_arithmetic3A_398, %and3A_400 : vector<16xi32>
      %eq3A_402 = arith.cmpi eq, %iota3A, %and3A_401 : vector<16xi32>
      %jit3A_403 = arith.constant 0.000000e+00 : f32
      %broadcast_in_dim3A_404 = vector.broadcast %mul3A_316 : f32 to vector<16xf32>
      %broadcast_in_dim3A_405 = vector.broadcast %jit3A_403 : f32 to vector<16xf32>
      %select_n3A_406 = arith.select %eq3A_402, %broadcast_in_dim3A_404, %broadcast_in_dim3A_405 : vector<16xi1>, vector<16xf32>
      %and3A_407 = arith.constant 15 : i32
      %and3A_408 = vector.broadcast %and3A_407 : i32 to vector<16xi32>
      %and3A_409 = arith.andi %gather3A_388, %and3A_408 : vector<16xi32>
      %eq3A_410 = arith.cmpi eq, %iota3A, %and3A_409 : vector<16xi32>
      %jit3A_411 = arith.constant 0.000000e+00 : f32
      %broadcast_in_dim3A_412 = vector.broadcast %mul3A_344 : f32 to vector<16xf32>
      %broadcast_in_dim3A_413 = vector.broadcast %jit3A_411 : f32 to vector<16xf32>
      %select_n3A_414 = arith.select %eq3A_410, %broadcast_in_dim3A_412, %broadcast_in_dim3A_413 : vector<16xi1>, vector<16xf32>
      %shift_right_arithmetic3A_415 = arith.constant 4 : i32
      %shift_right_arithmetic3A_416 = vector.broadcast %shift_right_arithmetic3A_415 : i32 to vector<16xi32>
      %shift_right_arithmetic3A_417 = arith.shrsi %gather3A_388, %shift_right_arithmetic3A_416 : vector<16xi32>
      %and3A_418 = arith.constant 15 : i32
      %and3A_419 = vector.broadcast %and3A_418 : i32 to vector<16xi32>
      %and3A_420 = arith.andi %shift_right_arithmetic3A_417, %and3A_419 : vector<16xi32>
      %eq3A_421 = arith.cmpi eq, %iota3A, %and3A_420 : vector<16xi32>
      %jit3A_422 = arith.constant 0.000000e+00 : f32
      %broadcast_in_dim3A_423 = vector.broadcast %mul3A_344 : f32 to vector<16xf32>
      %broadcast_in_dim3A_424 = vector.broadcast %jit3A_422 : f32 to vector<16xf32>
      %select_n3A_425 = arith.select %eq3A_421, %broadcast_in_dim3A_423, %broadcast_in_dim3A_424 : vector<16xi1>, vector<16xf32>
      %swap3A = arith.index_cast %mul3A_56 : i32 to index
      %swap3A_426 = arith.constant 52 : index
      %swap3A_427 = tpu.vector_load %arg5[%swap3A, %swap3A_426] {strides = array<i32>} : memref<256x128xf32, #tpu.memory_space<vmem>>, vector<1x16xf32>,
      %swap3A_428 = vector.shape_cast %swap3A_427 : vector<1x16xf32> to vector<16xf32>
      %swap3A_429 = vector.shape_cast %select_n3A_396 : vector<16xf32> to vector<1x16xf32>
      tpu.vector_store %arg5[%swap3A, %swap3A_426], %swap3A_429 {add = true, strides = array<i32>} : memref<256x128xf32, #tpu.memory_space<vmem>>, vector<1x16xf32>,
      %swap3A_430 = arith.index_cast %mul3A_56 : i32 to index
      %swap3A_431 = arith.constant 68 : index
      %swap3A_432 = tpu.vector_load %arg5[%swap3A_430, %swap3A_431] {strides = array<i32>} : memref<256x128xf32, #tpu.memory_space<vmem>>, vector<1x16xf32>,
      %swap3A_433 = vector.shape_cast %swap3A_432 : vector<1x16xf32> to vector<16xf32>
      %swap3A_434 = vector.shape_cast %select_n3A_406 : vector<16xf32> to vector<1x16xf32>
      tpu.vector_store %arg5[%swap3A_430, %swap3A_431], %swap3A_434 {add = true, strides = array<i32>} : memref<256x128xf32, #tpu.memory_space<vmem>>, vector<1x16xf32>,
      %swap3A_435 = arith.index_cast %add3A_58 : i32 to index
      %swap3A_436 = arith.constant 52 : index
      %swap3A_437 = tpu.vector_load %arg5[%swap3A_435, %swap3A_436] {strides = array<i32>} : memref<256x128xf32, #tpu.memory_space<vmem>>, vector<1x16xf32>,
      %swap3A_438 = vector.shape_cast %swap3A_437 : vector<1x16xf32> to vector<16xf32>
      %swap3A_439 = vector.shape_cast %select_n3A_414 : vector<16xf32> to vector<1x16xf32>
      tpu.vector_store %arg5[%swap3A_435, %swap3A_436], %swap3A_439 {add = true, strides = array<i32>} : memref<256x128xf32, #tpu.memory_space<vmem>>, vector<1x16xf32>,
      %swap3A_440 = arith.index_cast %add3A_58 : i32 to index
      %swap3A_441 = arith.constant 68 : index
      %swap3A_442 = tpu.vector_load %arg5[%swap3A_440, %swap3A_441] {strides = array<i32>} : memref<256x128xf32, #tpu.memory_space<vmem>>, vector<1x16xf32>,
      %swap3A_443 = vector.shape_cast %swap3A_442 : vector<1x16xf32> to vector<16xf32>
      %swap3A_444 = vector.shape_cast %select_n3A_425 : vector<16xf32> to vector<1x16xf32>
      tpu.vector_store %arg5[%swap3A_440, %swap3A_441], %swap3A_444 {add = true, strides = array<i32>} : memref<256x128xf32, #tpu.memory_space<vmem>>, vector<1x16xf32>,
      %scan3A_445 = arith.constant 1 : i32
      %scan3A_446 = arith.addi %scan3A_50, %scan3A_445 : i32
      %mul3A_447 = arith.constant 1 : i32
      %mul3A_448 = arith.muli %scan3A_446, %mul3A_447 : i32
      %add3A_449 = arith.constant 0 : i32
      %add3A_450 = arith.addi %add3A_449, %mul3A_448 : i32
      %mul3A_451 = arith.constant 2 : i32
      %mul3A_452 = arith.muli %add3A_450, %mul3A_451 : i32
      %add3A_453 = arith.constant 1 : i32
      %add3A_454 = arith.addi %mul3A_452, %add3A_453 : i32
      %iota3A_455 = tpu.iota {dimensions = array<i32: 0>} : vector<16xi32>
      %and3A_456 = arith.constant 7 : i32
      %and3A_457 = vector.broadcast %and3A_456 : i32 to vector<16xi32>
      %and3A_458 = arith.andi %iota3A_455, %and3A_457 : vector<16xi32>
      %convert_element_type3A_459 = arith.sitofp %and3A_458 : vector<16xi32> to vector<16xf32>
      %lt3A_460 = arith.constant 8 : i32
      %lt3A_461 = vector.broadcast %lt3A_460 : i32 to vector<16xi32>
      %lt3A_462 = arith.cmpi slt, %iota3A_455, %lt3A_461 : vector<16xi32>
      %get3A_463 = arith.index_cast %mul3A_452 : i32 to index
      %get3A_464 = arith.constant 4 : index
      %get3A_465 = tpu.vector_load %arg5[%get3A_463, %get3A_464] {strides = array<i32>} : memref<256x128xf32, #tpu.memory_space<vmem>>, vector<1x16xf32>,
      %get3A_466 = vector.shape_cast %get3A_465 : vector<1x16xf32> to vector<16xf32>
      %get3A_467 = arith.index_cast %add3A_454 : i32 to index
      %get3A_468 = arith.constant 4 : index
      %get3A_469 = tpu.vector_load %arg5[%get3A_467, %get3A_468] {strides = array<i32>} : memref<256x128xf32, #tpu.memory_space<vmem>>, vector<1x16xf32>,
      %get3A_470 = vector.shape_cast %get3A_469 : vector<1x16xf32> to vector<16xf32>
      %xor3A_471 = arith.constant 8 : i32
      %xor3A_472 = vector.broadcast %xor3A_471 : i32 to vector<16xi32>
      %xor3A_473 = arith.xori %iota3A_455, %xor3A_472 : vector<16xi32>
      %broadcast_in_dim3A_474 = vector.shape_cast %xor3A_473 : vector<16xi32> to vector<16x1xi32>
      %gather3A_475 = vector.shape_cast %broadcast_in_dim3A_474 : vector<16x1xi32> to vector<16xi32>
      %gather3A_476 = tpu.dynamic_gather %get3A_470[%gather3A_475] in [0] : vector<16xf32>, vector<16xi32> -> vector<16xf32>
      %select_n3A_477 = arith.select %lt3A_462, %get3A_466, %gather3A_476 : vector<16xi1>, vector<16xf32>
      %xor3A_478 = arith.constant 8 : i32
      %xor3A_479 = vector.broadcast %xor3A_478 : i32 to vector<16xi32>
      %xor3A_480 = arith.xori %iota3A_455, %xor3A_479 : vector<16xi32>
      %broadcast_in_dim3A_481 = vector.shape_cast %xor3A_480 : vector<16xi32> to vector<16x1xi32>
      %gather3A_482 = vector.shape_cast %broadcast_in_dim3A_481 : vector<16x1xi32> to vector<16xi32>
      %gather3A_483 = tpu.dynamic_gather %get3A_466[%gather3A_482] in [0] : vector<16xf32>, vector<16xi32> -> vector<16xf32>
      %select_n3A_484 = arith.select %lt3A_462, %gather3A_483, %get3A_470 : vector<16xi1>, vector<16xf32>
      %max3A_485 = arith.maximumf %select_n3A_477, %select_n3A_484 : vector<16xf32>
      %xor3A_486 = arith.constant 1 : i32
      %xor3A_487 = vector.broadcast %xor3A_486 : i32 to vector<16xi32>
      %xor3A_488 = arith.xori %iota3A_455, %xor3A_487 : vector<16xi32>
      %broadcast_in_dim3A_489 = vector.shape_cast %xor3A_488 : vector<16xi32> to vector<16x1xi32>
      %gather3A_490 = vector.shape_cast %broadcast_in_dim3A_489 : vector<16x1xi32> to vector<16xi32>
      %gather3A_491 = tpu.dynamic_gather %max3A_485[%gather3A_490] in [0] : vector<16xf32>, vector<16xi32> -> vector<16xf32>
      %max3A_492 = arith.maximumf %max3A_485, %gather3A_491 : vector<16xf32>
      %xor3A_493 = arith.constant 2 : i32
      %xor3A_494 = vector.broadcast %xor3A_493 : i32 to vector<16xi32>
      %xor3A_495 = arith.xori %iota3A_455, %xor3A_494 : vector<16xi32>
      %broadcast_in_dim3A_496 = vector.shape_cast %xor3A_495 : vector<16xi32> to vector<16x1xi32>
      %gather3A_497 = vector.shape_cast %broadcast_in_dim3A_496 : vector<16x1xi32> to vector<16xi32>
      %gather3A_498 = tpu.dynamic_gather %max3A_492[%gather3A_497] in [0] : vector<16xf32>, vector<16xi32> -> vector<16xf32>
      %max3A_499 = arith.maximumf %max3A_492, %gather3A_498 : vector<16xf32>
      %xor3A_500 = arith.constant 4 : i32
      %xor3A_501 = vector.broadcast %xor3A_500 : i32 to vector<16xi32>
      %xor3A_502 = arith.xori %iota3A_455, %xor3A_501 : vector<16xi32>
      %broadcast_in_dim3A_503 = vector.shape_cast %xor3A_502 : vector<16xi32> to vector<16x1xi32>
      %gather3A_504 = vector.shape_cast %broadcast_in_dim3A_503 : vector<16x1xi32> to vector<16xi32>
      %gather3A_505 = tpu.dynamic_gather %max3A_499[%gather3A_504] in [0] : vector<16xf32>, vector<16xi32> -> vector<16xf32>
      %max3A_506 = arith.maximumf %max3A_499, %gather3A_505 : vector<16xf32>
      %eq3A_507 = arith.cmpf oeq, %select_n3A_477, %max3A_506 : vector<16xf32>
      %jit3A_508 = arith.constant 1.600000e+01 : f32
      %broadcast_in_dim3A_509 = vector.broadcast %jit3A_508 : f32 to vector<16xf32>
      %select_n3A_510 = arith.select %eq3A_507, %convert_element_type3A_459, %broadcast_in_dim3A_509 : vector<16xi1>, vector<16xf32>
      %eq3A_511 = arith.cmpf oeq, %select_n3A_484, %max3A_506 : vector<16xf32>
      %add3A_512 = arith.constant 8.000000e+00 : f32
      %add3A_513 = vector.broadcast %add3A_512 : f32 to vector<16xf32>
      %add3A_514 = arith.addf %convert_element_type3A_459, %add3A_513 : vector<16xf32>
      %jit3A_515 = arith.constant 1.600000e+01 : f32
      %broadcast_in_dim3A_516 = vector.broadcast %jit3A_515 : f32 to vector<16xf32>
      %select_n3A_517 = arith.select %eq3A_511, %add3A_514, %broadcast_in_dim3A_516 : vector<16xi1>, vector<16xf32>
      %min3A_518 = arith.minimumf %select_n3A_510, %select_n3A_517 : vector<16xf32>
      %xor3A_519 = arith.constant 1 : i32
      %xor3A_520 = vector.broadcast %xor3A_519 : i32 to vector<16xi32>
      %xor3A_521 = arith.xori %iota3A_455, %xor3A_520 : vector<16xi32>
      %broadcast_in_dim3A_522 = vector.shape_cast %xor3A_521 : vector<16xi32> to vector<16x1xi32>
      %gather3A_523 = vector.shape_cast %broadcast_in_dim3A_522 : vector<16x1xi32> to vector<16xi32>
      %gather3A_524 = tpu.dynamic_gather %min3A_518[%gather3A_523] in [0] : vector<16xf32>, vector<16xi32> -> vector<16xf32>
      %min3A_525 = arith.minimumf %min3A_518, %gather3A_524 : vector<16xf32>
      %xor3A_526 = arith.constant 2 : i32
      %xor3A_527 = vector.broadcast %xor3A_526 : i32 to vector<16xi32>
      %xor3A_528 = arith.xori %iota3A_455, %xor3A_527 : vector<16xi32>
      %broadcast_in_dim3A_529 = vector.shape_cast %xor3A_528 : vector<16xi32> to vector<16x1xi32>
      %gather3A_530 = vector.shape_cast %broadcast_in_dim3A_529 : vector<16x1xi32> to vector<16xi32>
      %gather3A_531 = tpu.dynamic_gather %min3A_525[%gather3A_530] in [0] : vector<16xf32>, vector<16xi32> -> vector<16xf32>
      %min3A_532 = arith.minimumf %min3A_525, %gather3A_531 : vector<16xf32>
      %xor3A_533 = arith.constant 4 : i32
      %xor3A_534 = vector.broadcast %xor3A_533 : i32 to vector<16xi32>
      %xor3A_535 = arith.xori %iota3A_455, %xor3A_534 : vector<16xi32>
      %broadcast_in_dim3A_536 = vector.shape_cast %xor3A_535 : vector<16xi32> to vector<16x1xi32>
      %gather3A_537 = vector.shape_cast %broadcast_in_dim3A_536 : vector<16x1xi32> to vector<16xi32>
      %gather3A_538 = tpu.dynamic_gather %min3A_532[%gather3A_537] in [0] : vector<16xf32>, vector<16xi32> -> vector<16xf32>
      %min3A_539 = arith.minimumf %min3A_532, %gather3A_538 : vector<16xf32>
      %get3A_540 = arith.index_cast %mul3A_452 : i32 to index
      %get3A_541 = arith.constant 20 : index
      %get3A_542 = tpu.vector_load %arg5[%get3A_540, %get3A_541] {strides = array<i32>} : memref<256x128xf32, #tpu.memory_space<vmem>>, vector<1x16xf32>,
      %get3A_543 = vector.shape_cast %get3A_542 : vector<1x16xf32> to vector<16xf32>
      %get3A_544 = arith.index_cast %add3A_454 : i32 to index
      %get3A_545 = arith.constant 20 : index
      %get3A_546 = tpu.vector_load %arg5[%get3A_544, %get3A_545] {strides = array<i32>} : memref<256x128xf32, #tpu.memory_space<vmem>>, vector<1x16xf32>,
      %get3A_547 = vector.shape_cast %get3A_546 : vector<1x16xf32> to vector<16xf32>
      %xor3A_548 = arith.constant 8 : i32
      %xor3A_549 = vector.broadcast %xor3A_548 : i32 to vector<16xi32>
      %xor3A_550 = arith.xori %iota3A_455, %xor3A_549 : vector<16xi32>
      %broadcast_in_dim3A_551 = vector.shape_cast %xor3A_550 : vector<16xi32> to vector<16x1xi32>
      %gather3A_552 = vector.shape_cast %broadcast_in_dim3A_551 : vector<16x1xi32> to vector<16xi32>
      %gather3A_553 = tpu.dynamic_gather %get3A_547[%gather3A_552] in [0] : vector<16xf32>, vector<16xi32> -> vector<16xf32>
      %select_n3A_554 = arith.select %lt3A_462, %get3A_543, %gather3A_553 : vector<16xi1>, vector<16xf32>
      %xor3A_555 = arith.constant 8 : i32
      %xor3A_556 = vector.broadcast %xor3A_555 : i32 to vector<16xi32>
      %xor3A_557 = arith.xori %iota3A_455, %xor3A_556 : vector<16xi32>
      %broadcast_in_dim3A_558 = vector.shape_cast %xor3A_557 : vector<16xi32> to vector<16x1xi32>
      %gather3A_559 = vector.shape_cast %broadcast_in_dim3A_558 : vector<16x1xi32> to vector<16xi32>
      %gather3A_560 = tpu.dynamic_gather %get3A_543[%gather3A_559] in [0] : vector<16xf32>, vector<16xi32> -> vector<16xf32>
      %select_n3A_561 = arith.select %lt3A_462, %gather3A_560, %get3A_547 : vector<16xi1>, vector<16xf32>
      %max3A_562 = arith.maximumf %select_n3A_554, %select_n3A_561 : vector<16xf32>
      %xor3A_563 = arith.constant 1 : i32
      %xor3A_564 = vector.broadcast %xor3A_563 : i32 to vector<16xi32>
      %xor3A_565 = arith.xori %iota3A_455, %xor3A_564 : vector<16xi32>
      %broadcast_in_dim3A_566 = vector.shape_cast %xor3A_565 : vector<16xi32> to vector<16x1xi32>
      %gather3A_567 = vector.shape_cast %broadcast_in_dim3A_566 : vector<16x1xi32> to vector<16xi32>
      %gather3A_568 = tpu.dynamic_gather %max3A_562[%gather3A_567] in [0] : vector<16xf32>, vector<16xi32> -> vector<16xf32>
      %max3A_569 = arith.maximumf %max3A_562, %gather3A_568 : vector<16xf32>
      %xor3A_570 = arith.constant 2 : i32
      %xor3A_571 = vector.broadcast %xor3A_570 : i32 to vector<16xi32>
      %xor3A_572 = arith.xori %iota3A_455, %xor3A_571 : vector<16xi32>
      %broadcast_in_dim3A_573 = vector.shape_cast %xor3A_572 : vector<16xi32> to vector<16x1xi32>
      %gather3A_574 = vector.shape_cast %broadcast_in_dim3A_573 : vector<16x1xi32> to vector<16xi32>
      %gather3A_575 = tpu.dynamic_gather %max3A_569[%gather3A_574] in [0] : vector<16xf32>, vector<16xi32> -> vector<16xf32>
      %max3A_576 = arith.maximumf %max3A_569, %gather3A_575 : vector<16xf32>
      %xor3A_577 = arith.constant 4 : i32
      %xor3A_578 = vector.broadcast %xor3A_577 : i32 to vector<16xi32>
      %xor3A_579 = arith.xori %iota3A_455, %xor3A_578 : vector<16xi32>
      %broadcast_in_dim3A_580 = vector.shape_cast %xor3A_579 : vector<16xi32> to vector<16x1xi32>
      %gather3A_581 = vector.shape_cast %broadcast_in_dim3A_580 : vector<16x1xi32> to vector<16xi32>
      %gather3A_582 = tpu.dynamic_gather %max3A_576[%gather3A_581] in [0] : vector<16xf32>, vector<16xi32> -> vector<16xf32>
      %max3A_583 = arith.maximumf %max3A_576, %gather3A_582 : vector<16xf32>
      %eq3A_584 = arith.cmpf oeq, %select_n3A_554, %max3A_583 : vector<16xf32>
      %jit3A_585 = arith.constant 1.600000e+01 : f32
      %broadcast_in_dim3A_586 = vector.broadcast %jit3A_585 : f32 to vector<16xf32>
      %select_n3A_587 = arith.select %eq3A_584, %convert_element_type3A_459, %broadcast_in_dim3A_586 : vector<16xi1>, vector<16xf32>
      %eq3A_588 = arith.cmpf oeq, %select_n3A_561, %max3A_583 : vector<16xf32>
      %add3A_589 = arith.constant 8.000000e+00 : f32
      %add3A_590 = vector.broadcast %add3A_589 : f32 to vector<16xf32>
      %add3A_591 = arith.addf %convert_element_type3A_459, %add3A_590 : vector<16xf32>
      %jit3A_592 = arith.constant 1.600000e+01 : f32
      %broadcast_in_dim3A_593 = vector.broadcast %jit3A_592 : f32 to vector<16xf32>
      %select_n3A_594 = arith.select %eq3A_588, %add3A_591, %broadcast_in_dim3A_593 : vector<16xi1>, vector<16xf32>
      %min3A_595 = arith.minimumf %select_n3A_587, %select_n3A_594 : vector<16xf32>
      %xor3A_596 = arith.constant 1 : i32
      %xor3A_597 = vector.broadcast %xor3A_596 : i32 to vector<16xi32>
      %xor3A_598 = arith.xori %iota3A_455, %xor3A_597 : vector<16xi32>
      %broadcast_in_dim3A_599 = vector.shape_cast %xor3A_598 : vector<16xi32> to vector<16x1xi32>
      %gather3A_600 = vector.shape_cast %broadcast_in_dim3A_599 : vector<16x1xi32> to vector<16xi32>
      %gather3A_601 = tpu.dynamic_gather %min3A_595[%gather3A_600] in [0] : vector<16xf32>, vector<16xi32> -> vector<16xf32>
      %min3A_602 = arith.minimumf %min3A_595, %gather3A_601 : vector<16xf32>
      %xor3A_603 = arith.constant 2 : i32
      %xor3A_604 = vector.broadcast %xor3A_603 : i32 to vector<16xi32>
      %xor3A_605 = arith.xori %iota3A_455, %xor3A_604 : vector<16xi32>
      %broadcast_in_dim3A_606 = vector.shape_cast %xor3A_605 : vector<16xi32> to vector<16x1xi32>
      %gather3A_607 = vector.shape_cast %broadcast_in_dim3A_606 : vector<16x1xi32> to vector<16xi32>
      %gather3A_608 = tpu.dynamic_gather %min3A_602[%gather3A_607] in [0] : vector<16xf32>, vector<16xi32> -> vector<16xf32>
      %min3A_609 = arith.minimumf %min3A_602, %gather3A_608 : vector<16xf32>
      %xor3A_610 = arith.constant 4 : i32
      %xor3A_611 = vector.broadcast %xor3A_610 : i32 to vector<16xi32>
      %xor3A_612 = arith.xori %iota3A_455, %xor3A_611 : vector<16xi32>
      %broadcast_in_dim3A_613 = vector.shape_cast %xor3A_612 : vector<16xi32> to vector<16x1xi32>
      %gather3A_614 = vector.shape_cast %broadcast_in_dim3A_613 : vector<16x1xi32> to vector<16xi32>
      %gather3A_615 = tpu.dynamic_gather %min3A_609[%gather3A_614] in [0] : vector<16xf32>, vector<16xi32> -> vector<16xf32>
      %min3A_616 = arith.minimumf %min3A_609, %gather3A_615 : vector<16xf32>
      %get3A_617 = arith.index_cast %mul3A_452 : i32 to index
      %get3A_618 = arith.constant 36 : index
      %get3A_619 = tpu.vector_load %arg5[%get3A_617, %get3A_618] {strides = array<i32>} : memref<256x128xf32, #tpu.memory_space<vmem>>, vector<1x16xf32>,
      %get3A_620 = vector.shape_cast %get3A_619 : vector<1x16xf32> to vector<16xf32>
      %get3A_621 = arith.index_cast %add3A_454 : i32 to index
      %get3A_622 = arith.constant 36 : index
      %get3A_623 = tpu.vector_load %arg5[%get3A_621, %get3A_622] {strides = array<i32>} : memref<256x128xf32, #tpu.memory_space<vmem>>, vector<1x16xf32>,
      %get3A_624 = vector.shape_cast %get3A_623 : vector<1x16xf32> to vector<16xf32>
      %xor3A_625 = arith.constant 8 : i32
      %xor3A_626 = vector.broadcast %xor3A_625 : i32 to vector<16xi32>
      %xor3A_627 = arith.xori %iota3A_455, %xor3A_626 : vector<16xi32>
      %broadcast_in_dim3A_628 = vector.shape_cast %xor3A_627 : vector<16xi32> to vector<16x1xi32>
      %gather3A_629 = vector.shape_cast %broadcast_in_dim3A_628 : vector<16x1xi32> to vector<16xi32>
      %gather3A_630 = tpu.dynamic_gather %get3A_624[%gather3A_629] in [0] : vector<16xf32>, vector<16xi32> -> vector<16xf32>
      %select_n3A_631 = arith.select %lt3A_462, %get3A_620, %gather3A_630 : vector<16xi1>, vector<16xf32>
      %xor3A_632 = arith.constant 8 : i32
      %xor3A_633 = vector.broadcast %xor3A_632 : i32 to vector<16xi32>
      %xor3A_634 = arith.xori %iota3A_455, %xor3A_633 : vector<16xi32>
      %broadcast_in_dim3A_635 = vector.shape_cast %xor3A_634 : vector<16xi32> to vector<16x1xi32>
      %gather3A_636 = vector.shape_cast %broadcast_in_dim3A_635 : vector<16x1xi32> to vector<16xi32>
      %gather3A_637 = tpu.dynamic_gather %get3A_620[%gather3A_636] in [0] : vector<16xf32>, vector<16xi32> -> vector<16xf32>
      %select_n3A_638 = arith.select %lt3A_462, %gather3A_637, %get3A_624 : vector<16xi1>, vector<16xf32>
      %max3A_639 = arith.maximumf %select_n3A_631, %select_n3A_638 : vector<16xf32>
      %xor3A_640 = arith.constant 1 : i32
      %xor3A_641 = vector.broadcast %xor3A_640 : i32 to vector<16xi32>
      %xor3A_642 = arith.xori %iota3A_455, %xor3A_641 : vector<16xi32>
      %broadcast_in_dim3A_643 = vector.shape_cast %xor3A_642 : vector<16xi32> to vector<16x1xi32>
      %gather3A_644 = vector.shape_cast %broadcast_in_dim3A_643 : vector<16x1xi32> to vector<16xi32>
      %gather3A_645 = tpu.dynamic_gather %max3A_639[%gather3A_644] in [0] : vector<16xf32>, vector<16xi32> -> vector<16xf32>
      %max3A_646 = arith.maximumf %max3A_639, %gather3A_645 : vector<16xf32>
      %xor3A_647 = arith.constant 2 : i32
      %xor3A_648 = vector.broadcast %xor3A_647 : i32 to vector<16xi32>
      %xor3A_649 = arith.xori %iota3A_455, %xor3A_648 : vector<16xi32>
      %broadcast_in_dim3A_650 = vector.shape_cast %xor3A_649 : vector<16xi32> to vector<16x1xi32>
      %gather3A_651 = vector.shape_cast %broadcast_in_dim3A_650 : vector<16x1xi32> to vector<16xi32>
      %gather3A_652 = tpu.dynamic_gather %max3A_646[%gather3A_651] in [0] : vector<16xf32>, vector<16xi32> -> vector<16xf32>
      %max3A_653 = arith.maximumf %max3A_646, %gather3A_652 : vector<16xf32>
      %xor3A_654 = arith.constant 4 : i32
      %xor3A_655 = vector.broadcast %xor3A_654 : i32 to vector<16xi32>
      %xor3A_656 = arith.xori %iota3A_455, %xor3A_655 : vector<16xi32>
      %broadcast_in_dim3A_657 = vector.shape_cast %xor3A_656 : vector<16xi32> to vector<16x1xi32>
      %gather3A_658 = vector.shape_cast %broadcast_in_dim3A_657 : vector<16x1xi32> to vector<16xi32>
      %gather3A_659 = tpu.dynamic_gather %max3A_653[%gather3A_658] in [0] : vector<16xf32>, vector<16xi32> -> vector<16xf32>
      %max3A_660 = arith.maximumf %max3A_653, %gather3A_659 : vector<16xf32>
      %eq3A_661 = arith.cmpf oeq, %select_n3A_631, %max3A_660 : vector<16xf32>
      %jit3A_662 = arith.constant 1.600000e+01 : f32
      %broadcast_in_dim3A_663 = vector.broadcast %jit3A_662 : f32 to vector<16xf32>
      %select_n3A_664 = arith.select %eq3A_661, %convert_element_type3A_459, %broadcast_in_dim3A_663 : vector<16xi1>, vector<16xf32>
      %eq3A_665 = arith.cmpf oeq, %select_n3A_638, %max3A_660 : vector<16xf32>
      %add3A_666 = arith.constant 8.000000e+00 : f32
      %add3A_667 = vector.broadcast %add3A_666 : f32 to vector<16xf32>
      %add3A_668 = arith.addf %convert_element_type3A_459, %add3A_667 : vector<16xf32>
      %jit3A_669 = arith.constant 1.600000e+01 : f32
      %broadcast_in_dim3A_670 = vector.broadcast %jit3A_669 : f32 to vector<16xf32>
      %select_n3A_671 = arith.select %eq3A_665, %add3A_668, %broadcast_in_dim3A_670 : vector<16xi1>, vector<16xf32>
      %min3A_672 = arith.minimumf %select_n3A_664, %select_n3A_671 : vector<16xf32>
      %xor3A_673 = arith.constant 1 : i32
      %xor3A_674 = vector.broadcast %xor3A_673 : i32 to vector<16xi32>
      %xor3A_675 = arith.xori %iota3A_455, %xor3A_674 : vector<16xi32>
      %broadcast_in_dim3A_676 = vector.shape_cast %xor3A_675 : vector<16xi32> to vector<16x1xi32>
      %gather3A_677 = vector.shape_cast %broadcast_in_dim3A_676 : vector<16x1xi32> to vector<16xi32>
      %gather3A_678 = tpu.dynamic_gather %min3A_672[%gather3A_677] in [0] : vector<16xf32>, vector<16xi32> -> vector<16xf32>
      %min3A_679 = arith.minimumf %min3A_672, %gather3A_678 : vector<16xf32>
      %xor3A_680 = arith.constant 2 : i32
      %xor3A_681 = vector.broadcast %xor3A_680 : i32 to vector<16xi32>
      %xor3A_682 = arith.xori %iota3A_455, %xor3A_681 : vector<16xi32>
      %broadcast_in_dim3A_683 = vector.shape_cast %xor3A_682 : vector<16xi32> to vector<16x1xi32>
      %gather3A_684 = vector.shape_cast %broadcast_in_dim3A_683 : vector<16x1xi32> to vector<16xi32>
      %gather3A_685 = tpu.dynamic_gather %min3A_679[%gather3A_684] in [0] : vector<16xf32>, vector<16xi32> -> vector<16xf32>
      %min3A_686 = arith.minimumf %min3A_679, %gather3A_685 : vector<16xf32>
      %xor3A_687 = arith.constant 4 : i32
      %xor3A_688 = vector.broadcast %xor3A_687 : i32 to vector<16xi32>
      %xor3A_689 = arith.xori %iota3A_455, %xor3A_688 : vector<16xi32>
      %broadcast_in_dim3A_690 = vector.shape_cast %xor3A_689 : vector<16xi32> to vector<16x1xi32>
      %gather3A_691 = vector.shape_cast %broadcast_in_dim3A_690 : vector<16x1xi32> to vector<16xi32>
      %gather3A_692 = tpu.dynamic_gather %min3A_686[%gather3A_691] in [0] : vector<16xf32>, vector<16xi32> -> vector<16xf32>
      %min3A_693 = arith.minimumf %min3A_686, %gather3A_692 : vector<16xf32>
      %convert_element_type3A_694 = arith.fptosi %min3A_693 : vector<16xf32> to vector<16xi32>
      %get3A_695 = arith.index_cast %mul3A_452 : i32 to index
      %get3A_696 = arith.constant 0 : index
      %get3A_697 = tpu.vector_load %arg5[%get3A_695, %get3A_696] {strides = array<i32>} : memref<256x128xf32, #tpu.memory_space<vmem>>, vector<1x16xf32>,
      %get3A_698 = vector.shape_cast %get3A_697 : vector<1x16xf32> to vector<16xf32>
      %get3A_699 = arith.index_cast %add3A_454 : i32 to index
      %get3A_700 = arith.constant 0 : index
      %get3A_701 = tpu.vector_load %arg5[%get3A_699, %get3A_700] {strides = array<i32>} : memref<256x128xf32, #tpu.memory_space<vmem>>, vector<1x16xf32>,
      %get3A_702 = vector.shape_cast %get3A_701 : vector<1x16xf32> to vector<16xf32>
      %slice3A_703 = vector.extract_strided_slice %get3A_698 {offsets = [0], sizes = [1], strides = [1]} : vector<16xf32> to vector<1xf32>
      %squeeze3A_704 = vector.extract %slice3A_703[0] : f32 from vector<1xf32>
      %ge3A_705 = arith.constant 5.000000e-01 : f32
      %ge3A_706 = arith.cmpf oge, %squeeze3A_704, %ge3A_705 : f32
      %jit3A_707 = arith.constant 1.000000e+00 : f32
      %jit3A_708 = arith.constant 0.000000e+00 : f32
      %select_n3A_709 = arith.select %ge3A_706, %jit3A_707, %jit3A_708 : f32
      %slice3A_710 = vector.extract_strided_slice %get3A_698 {offsets = [1], sizes = [1], strides = [1]} : vector<16xf32> to vector<1xf32>
      %squeeze3A_711 = vector.extract %slice3A_710[0] : f32 from vector<1xf32>
      %gt3A_712 = arith.constant 5.000000e-01 : f32
      %gt3A_713 = arith.cmpf ogt, %squeeze3A_711, %gt3A_712 : f32
      %jit3A_714 = arith.constant 1.000000e+00 : f32
      %jit3A_715 = arith.constant 0.000000e+00 : f32
      %select_n3A_716 = arith.select %gt3A_713, %jit3A_714, %jit3A_715 : f32
      %slice3A_717 = vector.extract_strided_slice %get3A_698 {offsets = [2], sizes = [1], strides = [1]} : vector<16xf32> to vector<1xf32>
      %squeeze3A_718 = vector.extract %slice3A_717[0] : f32 from vector<1xf32>
      %gt3A_719 = arith.constant 5.000000e-01 : f32
      %gt3A_720 = arith.cmpf ogt, %squeeze3A_718, %gt3A_719 : f32
      %jit3A_721 = arith.constant 1.000000e+00 : f32
      %jit3A_722 = arith.constant 0.000000e+00 : f32
      %select_n3A_723 = arith.select %gt3A_720, %jit3A_721, %jit3A_722 : f32
      %sub3A_724 = arith.constant 1.000000e+00 : f32
      %sub3A_725 = arith.subf %sub3A_724, %select_n3A_716 : f32
      %mul3A_726 = arith.mulf %select_n3A_723, %sub3A_725 : f32
      %mul3A_727 = arith.constant 2.000000e+00 : f32
      %mul3A_728 = arith.mulf %mul3A_727, %select_n3A_709 : f32
      %add3A_729 = arith.addf %select_n3A_716, %mul3A_726 : f32
      %mul3A_730 = arith.mulf %mul3A_728, %add3A_729 : f32
      %slice3A_731 = vector.extract_strided_slice %get3A_702 {offsets = [0], sizes = [1], strides = [1]} : vector<16xf32> to vector<1xf32>
      %squeeze3A_732 = vector.extract %slice3A_731[0] : f32 from vector<1xf32>
      %ge3A_733 = arith.constant 5.000000e-01 : f32
      %ge3A_734 = arith.cmpf oge, %squeeze3A_732, %ge3A_733 : f32
      %jit3A_735 = arith.constant 1.000000e+00 : f32
      %jit3A_736 = arith.constant 0.000000e+00 : f32
      %select_n3A_737 = arith.select %ge3A_734, %jit3A_735, %jit3A_736 : f32
      %slice3A_738 = vector.extract_strided_slice %get3A_702 {offsets = [1], sizes = [1], strides = [1]} : vector<16xf32> to vector<1xf32>
      %squeeze3A_739 = vector.extract %slice3A_738[0] : f32 from vector<1xf32>
      %gt3A_740 = arith.constant 5.000000e-01 : f32
      %gt3A_741 = arith.cmpf ogt, %squeeze3A_739, %gt3A_740 : f32
      %jit3A_742 = arith.constant 1.000000e+00 : f32
      %jit3A_743 = arith.constant 0.000000e+00 : f32
      %select_n3A_744 = arith.select %gt3A_741, %jit3A_742, %jit3A_743 : f32
      %slice3A_745 = vector.extract_strided_slice %get3A_702 {offsets = [2], sizes = [1], strides = [1]} : vector<16xf32> to vector<1xf32>
      %squeeze3A_746 = vector.extract %slice3A_745[0] : f32 from vector<1xf32>
      %gt3A_747 = arith.constant 5.000000e-01 : f32
      %gt3A_748 = arith.cmpf ogt, %squeeze3A_746, %gt3A_747 : f32
      %jit3A_749 = arith.constant 1.000000e+00 : f32
      %jit3A_750 = arith.constant 0.000000e+00 : f32
      %select_n3A_751 = arith.select %gt3A_748, %jit3A_749, %jit3A_750 : f32
      %sub3A_752 = arith.constant 1.000000e+00 : f32
      %sub3A_753 = arith.subf %sub3A_752, %select_n3A_744 : f32
      %mul3A_754 = arith.mulf %select_n3A_751, %sub3A_753 : f32
      %mul3A_755 = arith.constant 2.000000e+00 : f32
      %mul3A_756 = arith.mulf %mul3A_755, %select_n3A_737 : f32
      %add3A_757 = arith.addf %select_n3A_744, %mul3A_754 : f32
      %mul3A_758 = arith.mulf %mul3A_756, %add3A_757 : f32
      %broadcast_in_dim3A_759 = vector.broadcast %select_n3A_716 : f32 to vector<16xf32>
      %broadcast_in_dim3A_760 = vector.broadcast %select_n3A_744 : f32 to vector<16xf32>
      %select_n3A_761 = arith.select %lt3A_462, %broadcast_in_dim3A_759, %broadcast_in_dim3A_760 : vector<16xi1>, vector<16xf32>
      %mul3A_762 = arith.constant 1.600000e+01 : f32
      %mul3A_763 = vector.broadcast %mul3A_762 : f32 to vector<16xf32>
      %mul3A_764 = arith.mulf %min3A_616, %mul3A_763 : vector<16xf32>
      %add3A_765 = arith.addf %min3A_539, %mul3A_764 : vector<16xf32>
      %add3A_766 = arith.constant 127 : i32
      %add3A_767 = vector.broadcast %add3A_766 : i32 to vector<16xi32>
      %add3A_768 = arith.addi %convert_element_type3A_694, %add3A_767 : vector<16xi32>
      %shift_left3A_769 = arith.constant 23 : i32
      %shift_left3A_770 = vector.broadcast %shift_left3A_769 : i32 to vector<16xi32>
      %shift_left3A_771 = arith.shli %add3A_768, %shift_left3A_770 : vector<16xi32>
      %bitcast_convert_type3A_772 = tpu.bitcast %shift_left3A_771 : vector<16xi32> -> vector<16xf32>
      %sub3A_773 = arith.constant 127 : i32
      %sub3A_774 = vector.broadcast %sub3A_773 : i32 to vector<16xi32>
      %sub3A_775 = arith.subi %sub3A_774, %convert_element_type3A_694 : vector<16xi32>
      %shift_left3A_776 = arith.constant 23 : i32
      %shift_left3A_777 = vector.broadcast %shift_left3A_776 : i32 to vector<16xi32>
      %shift_left3A_778 = arith.shli %sub3A_775, %shift_left3A_777 : vector<16xi32>
      %bitcast_convert_type3A_779 = tpu.bitcast %shift_left3A_778 : vector<16xi32> -> vector<16xf32>
      %mul3A_780 = arith.mulf %add3A_765, %bitcast_convert_type3A_772 : vector<16xf32>
      %convert_element_type3A_781 = arith.fptosi %mul3A_780 : vector<16xf32> to vector<16xi32>
      %and3A_782 = arith.constant 255 : i32
      %and3A_783 = vector.broadcast %and3A_782 : i32 to vector<16xi32>
      %and3A_784 = arith.andi %convert_element_type3A_781, %and3A_783 : vector<16xi32>
      %mul3A_785 = arith.mulf %add3A_765, %bitcast_convert_type3A_779 : vector<16xf32>
      %convert_element_type3A_786 = arith.fptosi %mul3A_785 : vector<16xf32> to vector<16xi32>
      %gt3A_787 = arith.constant 5.000000e-01 : f32
      %gt3A_788 = vector.broadcast %gt3A_787 : f32 to vector<16xf32>
      %gt3A_789 = arith.cmpf ogt, %select_n3A_761, %gt3A_788 : vector<16xf32>
      %select_n3A_790 = arith.select %gt3A_789, %and3A_784, %convert_element_type3A_786 : vector<16xi1>, vector<16xi32>
      %and3A_791 = arith.constant 7 : i32
      %and3A_792 = vector.broadcast %and3A_791 : i32 to vector<16xi32>
      %and3A_793 = arith.andi %iota3A_455, %and3A_792 : vector<16xi32>
      %broadcast_in_dim3A_794 = vector.shape_cast %and3A_793 : vector<16xi32> to vector<16x1xi32>
      %gather3A_795 = vector.shape_cast %broadcast_in_dim3A_794 : vector<16x1xi32> to vector<16xi32>
      %gather3A_796 = tpu.dynamic_gather %select_n3A_790[%gather3A_795] in [0] : vector<16xi32>, vector<16xi32> -> vector<16xi32>
      %and3A_797 = arith.constant 7 : i32
      %and3A_798 = vector.broadcast %and3A_797 : i32 to vector<16xi32>
      %and3A_799 = arith.andi %iota3A_455, %and3A_798 : vector<16xi32>
      %or3A_800 = arith.constant 8 : i32
      %or3A_801 = vector.broadcast %or3A_800 : i32 to vector<16xi32>
      %or3A_802 = arith.ori %and3A_799, %or3A_801 : vector<16xi32>
      %broadcast_in_dim3A_803 = vector.shape_cast %or3A_802 : vector<16xi32> to vector<16x1xi32>
      %gather3A_804 = vector.shape_cast %broadcast_in_dim3A_803 : vector<16x1xi32> to vector<16xi32>
      %gather3A_805 = tpu.dynamic_gather %select_n3A_790[%gather3A_804] in [0] : vector<16xi32>, vector<16xi32> -> vector<16xi32>
      %and3A_806 = arith.constant 15 : i32
      %and3A_807 = vector.broadcast %and3A_806 : i32 to vector<16xi32>
      %and3A_808 = arith.andi %gather3A_796, %and3A_807 : vector<16xi32>
      %eq3A_809 = arith.cmpi eq, %iota3A_455, %and3A_808 : vector<16xi32>
      %jit3A_810 = arith.constant 0.000000e+00 : f32
      %broadcast_in_dim3A_811 = vector.broadcast %mul3A_730 : f32 to vector<16xf32>
      %broadcast_in_dim3A_812 = vector.broadcast %jit3A_810 : f32 to vector<16xf32>
      %select_n3A_813 = arith.select %eq3A_809, %broadcast_in_dim3A_811, %broadcast_in_dim3A_812 : vector<16xi1>, vector<16xf32>
      %shift_right_arithmetic3A_814 = arith.constant 4 : i32
      %shift_right_arithmetic3A_815 = vector.broadcast %shift_right_arithmetic3A_814 : i32 to vector<16xi32>
      %shift_right_arithmetic3A_816 = arith.shrsi %gather3A_796, %shift_right_arithmetic3A_815 : vector<16xi32>
      %and3A_817 = arith.constant 15 : i32
      %and3A_818 = vector.broadcast %and3A_817 : i32 to vector<16xi32>
      %and3A_819 = arith.andi %shift_right_arithmetic3A_816, %and3A_818 : vector<16xi32>
      %eq3A_820 = arith.cmpi eq, %iota3A_455, %and3A_819 : vector<16xi32>
      %jit3A_821 = arith.constant 0.000000e+00 : f32
      %broadcast_in_dim3A_822 = vector.broadcast %mul3A_730 : f32 to vector<16xf32>
      %broadcast_in_dim3A_823 = vector.broadcast %jit3A_821 : f32 to vector<16xf32>
      %select_n3A_824 = arith.select %eq3A_820, %broadcast_in_dim3A_822, %broadcast_in_dim3A_823 : vector<16xi1>, vector<16xf32>
      %and3A_825 = arith.constant 15 : i32
      %and3A_826 = vector.broadcast %and3A_825 : i32 to vector<16xi32>
      %and3A_827 = arith.andi %gather3A_805, %and3A_826 : vector<16xi32>
      %eq3A_828 = arith.cmpi eq, %iota3A_455, %and3A_827 : vector<16xi32>
      %jit3A_829 = arith.constant 0.000000e+00 : f32
      %broadcast_in_dim3A_830 = vector.broadcast %mul3A_758 : f32 to vector<16xf32>
      %broadcast_in_dim3A_831 = vector.broadcast %jit3A_829 : f32 to vector<16xf32>
      %select_n3A_832 = arith.select %eq3A_828, %broadcast_in_dim3A_830, %broadcast_in_dim3A_831 : vector<16xi1>, vector<16xf32>
      %shift_right_arithmetic3A_833 = arith.constant 4 : i32
      %shift_right_arithmetic3A_834 = vector.broadcast %shift_right_arithmetic3A_833 : i32 to vector<16xi32>
      %shift_right_arithmetic3A_835 = arith.shrsi %gather3A_805, %shift_right_arithmetic3A_834 : vector<16xi32>
      %and3A_836 = arith.constant 15 : i32
      %and3A_837 = vector.broadcast %and3A_836 : i32 to vector<16xi32>
      %and3A_838 = arith.andi %shift_right_arithmetic3A_835, %and3A_837 : vector<16xi32>
      %eq3A_839 = arith.cmpi eq, %iota3A_455, %and3A_838 : vector<16xi32>
      %jit3A_840 = arith.constant 0.000000e+00 : f32
      %broadcast_in_dim3A_841 = vector.broadcast %mul3A_758 : f32 to vector<16xf32>
      %broadcast_in_dim3A_842 = vector.broadcast %jit3A_840 : f32 to vector<16xf32>
      %select_n3A_843 = arith.select %eq3A_839, %broadcast_in_dim3A_841, %broadcast_in_dim3A_842 : vector<16xi1>, vector<16xf32>
      %swap3A_844 = arith.index_cast %mul3A_452 : i32 to index
      %swap3A_845 = arith.constant 52 : index
      %swap3A_846 = tpu.vector_load %arg5[%swap3A_844, %swap3A_845] {strides = array<i32>} : memref<256x128xf32, #tpu.memory_space<vmem>>, vector<1x16xf32>,
      %swap3A_847 = vector.shape_cast %swap3A_846 : vector<1x16xf32> to vector<16xf32>
      %swap3A_848 = vector.shape_cast %select_n3A_813 : vector<16xf32> to vector<1x16xf32>
      tpu.vector_store %arg5[%swap3A_844, %swap3A_845], %swap3A_848 {add = true, strides = array<i32>} : memref<256x128xf32, #tpu.memory_space<vmem>>, vector<1x16xf32>,
      %swap3A_849 = arith.index_cast %mul3A_452 : i32 to index
      %swap3A_850 = arith.constant 68 : index
      %swap3A_851 = tpu.vector_load %arg5[%swap3A_849, %swap3A_850] {strides = array<i32>} : memref<256x128xf32, #tpu.memory_space<vmem>>, vector<1x16xf32>,
      %swap3A_852 = vector.shape_cast %swap3A_851 : vector<1x16xf32> to vector<16xf32>
      %swap3A_853 = vector.shape_cast %select_n3A_824 : vector<16xf32> to vector<1x16xf32>
      tpu.vector_store %arg5[%swap3A_849, %swap3A_850], %swap3A_853 {add = true, strides = array<i32>} : memref<256x128xf32, #tpu.memory_space<vmem>>, vector<1x16xf32>,
      %swap3A_854 = arith.index_cast %add3A_454 : i32 to index
      %swap3A_855 = arith.constant 52 : index
      %swap3A_856 = tpu.vector_load %arg5[%swap3A_854, %swap3A_855] {strides = array<i32>} : memref<256x128xf32, #tpu.memory_space<vmem>>, vector<1x16xf32>,
      %swap3A_857 = vector.shape_cast %swap3A_856 : vector<1x16xf32> to vector<16xf32>
      %swap3A_858 = vector.shape_cast %select_n3A_832 : vector<16xf32> to vector<1x16xf32>
      tpu.vector_store %arg5[%swap3A_854, %swap3A_855], %swap3A_858 {add = true, strides = array<i32>} : memref<256x128xf32, #tpu.memory_space<vmem>>, vector<1x16xf32>,
      %swap3A_859 = arith.index_cast %add3A_454 : i32 to index
      %swap3A_860 = arith.constant 68 : index
      %swap3A_861 = tpu.vector_load %arg5[%swap3A_859, %swap3A_860] {strides = array<i32>} : memref<256x128xf32, #tpu.memory_space<vmem>>, vector<1x16xf32>,
      %swap3A_862 = vector.shape_cast %swap3A_861 : vector<1x16xf32> to vector<16xf32>
      %swap3A_863 = vector.shape_cast %select_n3A_843 : vector<16xf32> to vector<1x16xf32>
      tpu.vector_store %arg5[%swap3A_859, %swap3A_860], %swap3A_863 {add = true, strides = array<i32>} : memref<256x128xf32, #tpu.memory_space<vmem>>, vector<1x16xf32>,
    }
    %scan3A_35 = arith.constant 128 : i32
    %add3A_36 = arith.constant 256 : i32
    %add3A_37 = arith.addi %mul3A_2, %add3A_36 : i32
    %dma_start3A_38 = arith.constant 0 : i32
    %dma_start3A_39 = tpu.memref_slice %arg3[%add3A_37, %dma_start3A_38] : memref<16384x128xf32, #tpu.memory_space<hbm>> -> memref<256x128xf32, #tpu.memory_space<hbm>>
    %dma_start3A_40 = arith.constant 0 : i32
    %dma_start3A_41 = tpu.memref_slice %arg3[%add3A_37, %dma_start3A_40] : memref<16384x128xf32, #tpu.memory_space<hbm>> -> memref<256x128xf32, #tpu.memory_space<hbm>>
    tpu.enqueue_dma source(%arg5 : memref<256x128xf32, #tpu.memory_space<vmem>>) target(%dma_start3A_41 : memref<256x128xf32, #tpu.memory_space<hbm>>) target_semaphore(%arg9 : memref<!tpu.dma_semaphore, #tpu.memory_space<semaphore_mem>>)
    %dma_wait3A_42 = arith.constant 0 : i32
    %dma_wait3A_43 = tpu.memref_slice %arg3[%add3A_22, %dma_wait3A_42] : memref<16384x128xf32, #tpu.memory_space<hbm>> -> memref<256x128xf32, #tpu.memory_space<hbm>>
    %dma_wait3A_44 = arith.constant 0 : i32
    %dma_wait3A_45 = tpu.memref_slice %arg3[%add3A_22, %dma_wait3A_44] : memref<16384x128xf32, #tpu.memory_space<hbm>> -> memref<256x128xf32, #tpu.memory_space<hbm>>
    tpu.wait_dma2 semaphore(%arg8 : memref<!tpu.dma_semaphore, #tpu.memory_space<semaphore_mem>>) src(%arg4 : memref<256x128xf32, #tpu.memory_space<vmem>>) dst(%dma_wait3A_45 : memref<256x128xf32, #tpu.memory_space<hbm>>)
    %dma_wait3A_46 = arith.constant 0 : i32
    %dma_wait3A_47 = tpu.memref_slice %arg3[%add3A_37, %dma_wait3A_46] : memref<16384x128xf32, #tpu.memory_space<hbm>> -> memref<256x128xf32, #tpu.memory_space<hbm>>
    %dma_wait3A_48 = arith.constant 0 : i32
    %dma_wait3A_49 = tpu.memref_slice %arg3[%add3A_37, %dma_wait3A_48] : memref<16384x128xf32, #tpu.memory_space<hbm>> -> memref<256x128xf32, #tpu.memory_space<hbm>>
    tpu.wait_dma2 semaphore(%arg9 : memref<!tpu.dma_semaphore, #tpu.memory_space<semaphore_mem>>) src(%arg5 : memref<256x128xf32, #tpu.memory_space<vmem>>) dst(%dma_wait3A_49 : memref<256x128xf32, #tpu.memory_space<hbm>>)
    return
  }
}

</mosaic_0001>

<sc_bundles>
// kernel: kernel.3.cloned.1.call-start
scs
__scs_entry_jumppad:
0x0: {  	(pc) =	sbr.rel $0x88, $3  }
0x1: {  	(tag) =	ssettag $0x0;
	lr =	simm.s32 $0x1  }
0x2: {  	[smem:$0x3FA0] =	sst lr;
	_ =	strace $0xD0000000  }
0x3: {  	_ = 	snop  }
0x4: {  	_ = 	snop  }
0x5: {  	_ = 	snop  }
0x6: {  	_ = 	snop  }
0x7: {  	_ = 	snop  }
__scs_overlays_trampoline_lowered:
0x8: {  	[smem:$0x3FAF] =	sst s0  }
0x9: {  	[smem:$0x3FB0] =	sst s1  }
0xa: {  	[smem:$0x3FB1] =	sst s2  }
0xb: {  	[smem:$0x3FB2] =	sst s3  }
0xc: {  	[smem:$0x3FB3] =	sst s4  }
0xd: {  	[smem:$0x3FB4] =	sst s5  }
0xe: {  	[smem:$0x3FB5] =	sst s6  }
0xf: {  	[smem:$0x3FB6] =	sst s7  }
0x10: {  	[smem:$0x3FB7] =	sst s8  }
0x11: {  	[smem:$0x3FB8] =	sst s9;
	s0 =	simm.s32 @!p0 $0x0  }
0x12: {  	s1 =	sld [smem:$0x3F9E];
	s0 =	simm.s32 @p0 $0x1  }
0x13: {  	[smem:$0x3FB9] =	sst s0;
	s0 =	simm.s32 @!p1 $0x0  }
0x14: {  	s2 =	sld [smem:$0x3F9D];
	s0 =	simm.s32 @p1 $0x1  }
0x15: {  	[smem:$0x3FBA] =	sst s0;
	s0 =	simm.s32 @!p2 $0x0  }
0x16: {  	s3 =	sld [smem:$0x3FDB];
	s0 =	simm.s32 @p2 $0x1  }
0x17: {  	s4 =	simm.s32 $0x1BF5;
	[smem:$0x3FBC] =	sst s0  }
0x18: {  	s0 =	sld [smem:$0x3F9F];
	_ =	swait.ge [sflag:s4], $0x0  }
0x19: {  	s7 =	sld [smem:$0x3FA0]  }
0x1a: {  	s8 =	sadd.s32 $0xFFFFE003, lr  }
0x1b: {  	s9 =	sadd.s32 $0xFFFFFEF7, lr;
	s5 =	simm.s32 $0xFFFFFFFF;
	p2 =	slt.u32 s8, $0xFFFFF086  }
0x1c: {  	p1 =	slt.u32 s9, $0xF7A;
	s5 =	simm.s32 @!p2 $0x0  }
0x1d: {  	s5 =	simm.s32 @p1 $0x1;
	p0 =	seq.s32 s7, s2  }
0x1e: {  	s7 =	smul.u32 @!p0 $0xF7A, s2;
	p2 =	seq.s32 @!p0 s5, $0x0  }
0x1f: {  	s9 =	smul.u32 $0xF7A, s1;
	s8 =	simm.s32 @!p0 $0x1BF5;
	p2 =	por !p2, p0  }
0x20: {  	[sflag:s8] =	ssyncset.s32 @!p0 $0xFFFFF086;
	s6 =	sadd.s32 @!p0 s3, s7;
	s7 =	simm.s32 @!p0 $0x108  }
0x21: {  	s3 =	sadd.s32 s3, s9;
	s6 =	sadd.s32 @!p0 $0x88, s6;
	s7 =	simm.s32 @p2 $0x1082  }
0x22: {  	[simem:s7], [sflag:s8] =	dma.local @!p0 [hbm:s6], $0xF7A  }
0x23: {  	s9 =	sor.u32 $0xD0000000, s2;
	s6 =	simm.s32 $0x108;
	_ =	swait.ge @!p0 [sflag:s8], $0x0  }
0x24: {  	s3 =	sadd.s32 $0x88, s3;
	s6 =	simm.s32 @!p1 $0x1082;
	[sflag:s4] =	ssyncset.s32 $0xFFFFF086  }
0x25: {  	[simem:s6], [sflag:s4] =	dma.local [hbm:s3], $0xF7A  }
0x26: {  	[smem:$0x3FA0] =	sst s1;
	(tag) =	ssettag s2;
	_ =	strace s9  }
0x27: {  	s1 =	sld [smem:$0x3FB0]  }
0x28: {  	s2 =	sld [smem:$0x3FB1]  }
0x29: {  	s4 =	sld [smem:$0x3FB3]  }
0x2a: {  	p0 =	seq.s32 s5, $0x0;
	s5 =	sld [smem:$0x3FB4]  }
0x2b: {  	s6 =	sld [smem:$0x3FB5]  }
0x2c: {  	s7 =	sld [smem:$0x3FB6]  }
0x2d: {  	s3 =	simm.s32 $0x108;
	s8 =	sld [smem:$0x3FB7]  }
0x2e: {  	s3 =	simm.s32 @!p0 $0x1082;
	s9 =	sld [smem:$0x3FB8]  }
0x2f: {  	lr =	sadd.s32 s0, s3;
	s0 =	sld [smem:$0x3FAF]  }
0x30: {  	s3 =	sld [smem:$0x3FB2]  }
0x31: {  	[smem:$0x3FBB] =	sst s10  }
0x32: {  	s10 =	sld [smem:$0x3FB9];
	_ =	sdelay $0x3  }
0x33: {  	p0 =	seq.s32 s10, $0x1;
	s10 =	sld [smem:$0x3FBB];
	_ =	sdelay $0x3  }
0x34: {  	[smem:$0x3FBB] =	sst s10  }
0x35: {  	s10 =	sld [smem:$0x3FBA];
	_ =	sdelay $0x3  }
0x36: {  	p1 =	seq.s32 s10, $0x1;
	s10 =	sld [smem:$0x3FBB];
	_ =	sdelay $0x3  }
0x37: {  	[smem:$0x3FBB] =	sst s10  }
0x38: {  	s10 =	sld [smem:$0x3FBC]  }
0x39: {  	_ = 	snop;
	(pc) =	sbr.ind lr, $3  }
0x3a: {  	_ = 	snop  }
0x3b: {  	_ = 	snop  }
0x3c: {  	p2 =	seq.s32 s10, $0x1;
	s10 =	sld [smem:$0x3FBB]  }
0x3d: {  	_ =	shalt  }
0x3e: {  	_ =	shalt  }
0x3f: {  	_ =	shalt  }
0x40: {  	_ =	shalt  }
0x41: {  	_ =	shalt  }
0x42: {  	_ =	shalt  }
0x43: {  	_ =	shalt  }
0x44: {  	_ =	shalt  }
0x45: {  	_ =	shalt  }
0x46: {  	_ =	shalt  }
0x47: {  	_ =	shalt  }
0x48: {  	_ =	shalt  }
0x49: {  	_ =	shalt  }
0x4a: {  	_ =	shalt  }
0x4b: {  	_ =	shalt  }
0x4c: {  	_ =	shalt  }
0x4d: {  	_ =	shalt  }
0x4e: {  	_ =	shalt  }
0x4f: {  	_ =	shalt  }
0x50: {  	_ =	shalt  }
0x51: {  	_ =	shalt  }
0x52: {  	_ =	shalt  }
0x53: {  	_ =	shalt  }
0x54: {  	_ =	shalt  }
0x55: {  	_ =	shalt  }
0x56: {  	_ =	shalt  }
0x57: {  	_ =	shalt  }
0x58: {  	_ =	shalt  }
0x59: {  	_ =	shalt  }
0x5a: {  	_ =	shalt  }
0x5b: {  	_ =	shalt  }
0x5c: {  	_ =	shalt  }
0x5d: {  	_ =	shalt  }
0x5e: {  	_ =	shalt  }
0x5f: {  	_ =	shalt  }
0x60: {  	_ =	shalt  }
0x61: {  	_ =	shalt  }
0x62: {  	_ =	shalt  }
0x63: {  	_ =	shalt  }
0x64: {  	_ =	shalt  }
0x65: {  	_ =	shalt  }
0x66: {  	_ =	shalt  }
0x67: {  	_ =	shalt  }
0x68: {  	_ =	shalt  }
0x69: {  	_ =	shalt  }
0x6a: {  	_ =	shalt  }
0x6b: {  	_ =	shalt  }
0x6c: {  	_ =	shalt  }
0x6d: {  	_ =	shalt  }
0x6e: {  	_ =	shalt  }
0x6f: {  	_ =	shalt  }
0x70: {  	_ =	shalt  }
0x71: {  	_ =	shalt  }
0x72: {  	_ =	shalt  }
0x73: {  	_ =	shalt  }
0x74: {  	_ =	shalt  }
0x75: {  	_ =	shalt  }
0x76: {  	_ =	shalt  }
0x77: {  	_ =	shalt  }
0x78: {  	_ =	shalt  }
0x79: {  	_ =	shalt  }
0x7a: {  	_ =	shalt  }
0x7b: {  	_ =	shalt  }
0x7c: {  	_ =	shalt  }
0x7d: {  	_ =	shalt  }
0x7e: {  	_ =	shalt  }
0x7f: {  	_ =	shalt  }
0x80: {  	_ =	shalt  }
0x81: {  	_ =	shalt  }
0x82: {  	_ =	shalt  }
0x83: {  	_ =	shalt  }
0x84: {  	_ =	shalt  }
0x85: {  	_ =	shalt  }
0x86: {  	_ =	shalt  }
0x87: {  	_ =	shalt  }
.Lfunc_end0:
.L_simem_size_0:
called_computation_lowered:
.L_overlay_start_0:
0x88: {  	s2 =	sld [smem:$0x3FD9]  }
0x89: {  	s3 =	sld [smem:$0x3FFE];
	_ =	sdelay $0x1  }
0x8a: {  	s1 =	srdreg.scid  }
0x8b: {  	s0 =	sand.u32 $0x1, s1  }
0x8c: {  	s18 =	sshll.u32 s0, $0xA;
	s2 =	sadd.s32 s3, s2  }
0x8d: {  	s2 =	sadd.s32 s2, s18  }
0x8e: {  	[smem:$0x3FC7] =	sst s2  }
0x8f: {  	_ = 	snop  }
0x90: {  	s2 =	sld [smem:$0x3FC9]  }
0x91: {  	s19 =	sld [smem:$0x3FD0];
	(tm) =	ssettm $0x1  }
0x92: {  	s4 =	sld [smem:$0x3FFB];
	_ =	sdelay $0x3  }
0x93: {  	_ =	strace s4  }
0x94: {  	s4 =	sld [smem:$0x3FFC];
	_ =	sdelay $0x3  }
0x95: {  	_ =	strace s4  }
0x96: {  	s4 =	sld [smem:$0x3FFD];
	_ =	sdelay $0x3  }
0x97: {  	_ =	strace s4  }
0x98: {  	_ =	strace $0x8FFFFFFF  }
0x99: {  	s20 =	sld [smem:$0x3FDB];
	_ =	sdelay $0x1  }
0x9a: {  	s5 =	simm.s32 $_scs_section_size  }
0x9b: {  	s6 =	simm.s32 $_size__tile_overlayer_lowered;
	s7 =	simm.s32 $_tile_overlayer_lowered  }
0x9c: {  	s23 =	simm.s32 $0x1BFF;
	s22 =	sshll.u32 s7, $0x1;
	s4 =	sadd.s32 s5, s20  }
0x9d: {  	s8 =	simm.s32 $0x0;
	s21 =	sshll.u32 s6, $0x1;
	s6 =	sadd.s32 s22, s4  }
0x9e: {  	[timem:s8], [sflag:s23] =	dma.local [hbm:s6], s21  }
0x9f: {  	_ =	swait.ge [sflag:s23], s21  }
0xa0: {  	s5 =	ssub.s32 $0x0, s21;
	[sflag:s23] =	ssyncset.done $0x0  }
0xa1: {  	[sflag:s23] =	ssyncadd.s32 s5;
	_ =	sdelay $0x1  }
0xa2: {  	s24 =	simm.s32 $0x1B8B  }
0xa3: {  	_ =	swait.ge [sflag:s24], $0x1  }
0xa4: {  	[sflag:s24] =	ssyncset.done $0x0  }
0xa5: {  	s25 =	simm.s32 $0x1B8E;
	[sflag:s24] =	ssyncadd.s32 $0xFFFFFFFF  }
0xa6: {  	s26 =	simm.s32 $execute0_lowered;
	[smem:$0x3FD2] =	sst s25  }
0xa7: {  	s5 =	sshll.u32 s26, $0x1;
	_ =	strace $0x80000046;
	[dreg:$0x1] =	wrdreg $0xFFFFFFFF  }
0xa8: {  	s28 =	simm.s32 $_size_execute0_lowered;
	s4 =	sadd.s32 s4, s5;
	[dreg:$0x0] =	wrdreg $0x0  }
0xa9: {  	s5 =	sshll.u32 s28, $0x1;
	[dreg:$0x2] =	wrdreg s4  }
0xaa: {  	[dreg:$0x3] =	wrdreg s5  }
0xab: {  	[dreg:$0x4] =	wrdreg $0xC0  }
0xac: {  	_ =	task [dreg:s8], $0x5FFFF  }
0xad: {  	[dreg:$0x1] =	wrdreg $0xFFFFFFFF  }
0xae: {  	[dreg:$0x0] =	wrdreg $0x60  }
0xaf: {  	[dreg:$0x2] =	wrdreg s2  }
0xb0: {  	[dreg:$0x3] =	wrdreg s19  }
0xb1: {  	[dreg:$0x4] =	wrdreg $0x9  }
0xb2: {  	_ =	task.clear_ibuf [dreg:s8], $0x5FFFF;
	_ =	strace $0x90000046  }
0xb3: {  	s29 =	simm.s32 $0x9;
	_ =	strace $0x80000048  }
0xb4: {  	_ =	swait.ge [sflag:s29], $0x1  }
0xb5: {  	[sflag:s29] =	ssyncadd.s32 $0xFFFFFFFF  }
0xb6: {  	_ =	strace $0x90000048  }
0xb7: {  	_ =	sfence  }
0xb8: {  	s30 =	sld [smem:$0x0];
	_ =	sdelay $0x2  }
0xb9: {  	s31 =	sshll.u32 s1, $0xD;
	s1 =	sshrl.u32 s1, $0x2  }
0xba: {  	s3 =	sand.u32 $0x4000, s31;
	s1 =	sadd.s32 s1, s30  }
0xbb: {  	s0 =	sor.u32 s3, s0;
	s1 =	sshll.u32 s1, $0x11  }
0xbc: {  	s0 =	sor.u32 s1, s0  }
0xbd: {  	s0 =	sadd.s32 $0x8F2B, s0  }
0xbe: {  	[sflag:s0] =	ssyncadd.remote.s32 $0x1  }
0xbf: {  	_ =	sfence.sel $0xFFFF  }
0xc0: {  	[dreg:$0x0] =	wrdreg $0xFFFFFFFF;
	(pc) =	sbr.abs _section_cstart, $3  }
0xc1: {  	[dreg:$0x1] =	wrdreg $0xFFFFFFFF  }
0xc2: {  	_ =	task.clear_ibuf [dreg:s8], $0x2FFFF;
	_ =	strace $0x9FFFFFFF  }
0xc3: {  	(tm) =	ssettm $0x7FFFFFFF  }
tec
execute0_lowered:
.L_overlay_start_1:
0x0: {  	(tag) =	ssettag $0x1  }
0x1: {  	v0 =	vimm.s32 $0xFEDCBA98;
	v1 =	vimm.s32 $0x76543210  }
0x2: {  	v2 =	vimm.s32 $0xEFCDAB89;
	v3 =	vimm.s32 $0x67452301;
	v4 =	vimm.s32 $0xDCFE98BA  }
0x3: {  	v5 =	vimm.s32 $0x54761032;
	v6 =	vimm.s32 $0xBA98FEDC;
	v7 =	vimm.s32 $0x32107654  }
0x4: {  	vm0 =	vmmov $0xff;
	vm1 =	vcmask $0x300;
	vm2 =	vcmask $0x704  }
0x5: {  	v0 =	vunpack.c.l.s4.s8 v0;
	v1 =	vunpack.c.l.s4.s8 v1;
	v2 =	vunpack.c.l.s4.s8 v2  }
0x6: {  	v3 =	vunpack.c.l.s4.s8 v3;
	v4 =	vunpack.c.l.s4.s8 v4;
	v5 =	vunpack.c.l.s4.s8 v5  }
0x7: {  	v6 =	vunpack.c.l.s4.s8 v6;
	v7 =	vunpack.c.l.s4.s8 v7;
	v0 =	vunpack.c.0.s8.s32 v0  }
0x8: {  	v2 =	vunpack.c.0.s8.s32 v2;
	v3 =	vunpack.c.0.s8.s32 v3;
	v4 =	vunpack.c.0.s8.s32 v4  }
0x9: {  	v5 =	vunpack.c.0.s8.s32 v5;
	v6 =	vunpack.c.0.s8.s32 v6;
	v7 =	vunpack.c.0.s8.s32 v7  }
0xa: {  	v1 =	vunpack.c.0.s8.s32 v1;
	v0 =	vand.u32 $0xF, v0;
	v2 =	vcombine.low v3, v2  }
0xb: {  	v3 =	vcombine.low v5, v4;
	v4 =	vcombine.low v7, v6;
	v5 =	vimm.f32 $1.500000000e+01  }
0xc: {  	v0 =	vcombine.low v0, v1;
	v5 =	vsel vm1, $0x41000000, v5;
	v1 =	vand.u32 $0xF, v2  }
0xd: {  	v2 =	vand.u32 $0xF, v3;
	v3 =	vand.u32 $0xF, v4;
	v4 =	vimm.f32 $7.000000000e+00  }
0xe: {  	vm3 =	vcmask $0xB08;
	v5 =	vsel vm2, $0x41100000, v5;
	v4 =	vsel vm1, $0x0, v4  }
0xf: {  	vm1 =	vcmask $0xF0C;
	v5 =	vsel vm3, $0x41200000, v5;
	v4 =	vsel vm2, $0x3F800000, v4  }
0x10: {  	vm2 =	vcmask $0x1310;
	v5 =	vsel vm1, $0x41300000, v5;
	v4 =	vsel vm3, $0x40000000, v4  }
0x11: {  	vm3 =	vcmask $0x1714;
	v5 =	vsel vm2, $0x41400000, v5;
	v4 =	vsel vm1, $0x40400000, v4  }
0x12: {  	s4 =	rddreg [dreg:$0x0];
	vm1 =	vcmask $0x1B18;
	v5 =	vsel vm3, $0x41500000, v5;
	v4 =	vsel vm2, $0x40800000, v4  }
0x13: {  	s6 =	rddreg [dreg:$0x1];
	s2 =	srdreg.scid;
	vm2 =	vcmask $0x2320;
	v5 =	vsel vm1, $0x41600000, v5;
	v4 =	vsel vm3, $0x40A00000, v4  }
0x14: {  	s0 =	rddreg [dreg:$0x2];
	s1 =	stileid.u32;
	s9 =	simm.s32 $0x1;
	vm3 =	vcmask $0x2724;
	v5 =	vsel vm2, $0x41000000, v5;
	v4 =	vsel vm1, $0x40C00000, v4  }
0x15: {  	s10 =	simm.s32 $0x2;
	s11 =	simm.s32 $0x3;
	s12 =	simm.s32 $0x4;
	vm1 =	vcmask $0x2B28;
	v5 =	vsel vm3, $0x41100000, v5;
	v4 =	vsel vm2, $0x0, v4  }
0x16: {  	s13 =	simm.s32 $0x0;
	s3 =	sand.u32 $0x1, s2;
	s2 =	simm.s32 $0x0;
	vm2 =	vcmask $0x2F2C;
	v5 =	vsel vm1, $0x41200000, v5;
	v4 =	vsel vm3, $0x3F800000, v4  }
0x17: {  	s5 =	sshll.u32 s1, $0xE;
	s7 =	sshll.u32 s3, $0xD;
	s3 =	ssub.s32 $0x2, s3;
	vm3 =	vcmask $0x3330;
	v5 =	vsel vm2, $0x41300000, v5;
	v4 =	vsel vm1, $0x40000000, v4  }
0x18: {  	[smem:$0x7FF] =	sst s2;
	s5 =	sor.u32 s7, s5;
	s31 =	sshrl.u32 s3, $0x1;
	vm1 =	vcmask $0x3734;
	v5 =	vsel vm3, $0x41400000, v5;
	v4 =	vsel vm2, $0x40400000, v4  }
0x19: {  	_ =	strace $0x80000047;
	s8 =	sor.u32 $0x1000, s5;
	s7 =	ssub.s32 s3, s31;
	vm2 =	vcmask $0x3B38;
	v6 =	vsel vm1, $0x41500000, v5;
	v4 =	vsel vm3, $0x40800000, v4  }
0x1a: {  	s3 =	sadd.s32 s4, s5;
	s5 =	sadd.s32 s6, s5;
	s4 =	sadd.s32 s4, s8;
	v5 =	vlaneseq.u32;
	v6 =	vsel vm2, $0x41600000, v6;
	v4 =	vsel vm1, $0x40A00000, v4  }
0x1b: {  	s6 =	sadd.s32 s6, s8;
	s7 =	smax.u32 s7, $0x1;
	s8 =	simm.s32 $0x8000;
	v7 =	vand.u32 $0x7, v5;
	v8 =	vor.u32 $0x8, v5;
	v4 =	vsel vm2, $0x40C00000, v4  }
.LBB2_1:
0x1c: {  	[tilespmem:s2], [sflag:$0x1] =	stream.linear.gather [hbm4b:s3+s2], $0x8000, $0x38;
	[tilespmem:$0x10000] =	vst v63  }
0x1d: {  	_ = 	snop  }
0x1e: {  	[tilespmem:s8], [sflag:$0x2] =	stream.linear.gather [hbm4b:s4+s2], $0x8000, $0x38;
	[tilespmem:$0x10000] =	vst v63  }
0x1f: {  	_ =	swait.ge [sflag:s9], $0x8000  }
0x20: {  	[sflag:s9] =	ssyncset.done $0x0  }
0x21: {  	[sflag:s9] =	ssyncadd.s32 $0xFFFF8000  }
0x22: {  	v9 =	vld [tilespmem:s2+$0x104]  }
0x23: {  	v10 =	vld [tilespmem:s2+$0x184]  }
0x24: {  	v11 =	vld [tilespmem:s2+$0x114]  }
0x25: {  	v12 =	vld [tilespmem:s2+$0x194]  }
0x26: {  	v13 =	vld [tilespmem:s2+$0x124]  }
0x27: {  	v14 =	vld [tilespmem:s2+$0x1A4];
	_ =	sdelay $0x1  }
0x28: {  	v15 =	vperm.xlane v10, v0  }
0x29: {  	v16 =	vperm.xlane v9, v0;
	v17 =	vperm.xlane v12, v0  }
0x2a: {  	v18 =	vperm.xlane v11, v0;
	v20 =	vperm.xlane v13, v0;
	v15 =	vsel vm0, v9, v15  }
0x2b: {  	v19 =	vld [tilespmem:s2+$0xA4];
	v9 =	vperm.xlane v14, v0;
	v10 =	vsel vm0, v16, v10;
	v11 =	vsel vm0, v11, v17  }
0x2c: {  	v12 =	vsel vm0, v18, v12;
	v16 =	vld [tilespmem:s2+$0x24];
	v14 =	vsel vm0, v20, v14;
	v17 =	vmax.f32 v15, v10  }
0x2d: {  	v21 =	vld [tilespmem:s2+$0x180];
	v18 =	vmax.f32 v11, v12;
	v13 =	vsel vm0, v13, v9;
	v9 =	vperm.xlane v17, v1  }
0x2e: {  	v22 =	vperm.xlane v18, v1;
	v20 =	vmax.f32 v13, v14  }
0x2f: {  	v23 =	vperm.xlane v20, v1;
	v17 =	vmax.f32 v17, v9  }
0x30: {  	v24 =	vperm.xlane v19, v0;
	v9 =	vld [tilespmem:s2+$0x100];
	v18 =	vmax.f32 v18, v22;
	v25 =	vperm.xlane v17, v2  }
0x31: {  	v22 =	vperm.xlane v18, v2;
	v26 =	vperm.xlane v16, v0;
	v20 =	vmax.f32 v20, v23  }
0x32: {  	(v2sf) =	vpush v21, $0x2;
	v16 =	vsel vm0, v16, v24;
	v23 =	vperm.xlane v20, v2  }
0x33: {  	v17 =	vmax.f32 v17, v25;
	v18 =	vmax.f32 v18, v22;
	v19 =	vsel vm0, v26, v19  }
0x34: {  	v25 =	vperm.xlane v17, v3;
	v22 =	vperm.xlane v18, v3;
	v24 =	vmax.f32 v16, v19  }
0x35: {  	v20 =	vmax.f32 v20, v23;
	(v2sf) =	vpush v9, $0x1;
	v41 =	vperm.xlane v24, v1  }
0x36: {  	v23 =	vperm.xlane v20, v3;
	v17 =	vmax.f32 v17, v25;
	(v2sf) =	vpush v21, $0x1  }
0x37: {  	vm1 =	veq.f32 v15, v17;
	v15 =	vmax.f32 v18, v22;
	v43 =	vmax.f32 v24, v41  }
0x38: {  	v18 =	vmax.f32 v20, v23;
	vm2 =	veq.f32 v11, v15;
	vm5 =	veq.f32 v12, v15  }
0x39: {  	v24 =	vperm.xlane v43, v2;
	vm3 =	veq.f32 v13, v18;
	vm4 =	veq.f32 v14, v18  }
0x3a: {  	v14 =	vnsel vm2, $0x41800000, v4;
	v11 =	vnsel vm3, $0x41800000, v4;
	v12 =	vnsel vm4, $0x41800000, v6  }
0x3b: {  	v35 =	vld [tilespmem:s2+$0x94];
	v15 =	vnsel vm5, $0x41800000, v6;
	vm2 =	veq.f32 v10, v17;
	v11 =	vmin.f32 v11, v12  }
0x3c: {  	v10 =	vmin.f32 v14, v15;
	v14 =	vnsel vm1, $0x41800000, v4;
	v12 =	vperm.xlane v11, v1  }
0x3d: {  	v15 =	vnsel vm2, $0x41800000, v6;
	v20 =	vmax.f32 v43, v24;
	v17 =	vperm.xlane v10, v1  }
0x3e: {  	v13 =	vld [tilespmem:s2+$0x14];
	v14 =	vmin.f32 v14, v15;
	v49 =	vperm.xlane v20, v3;
	v11 =	vmin.f32 v11, v12  }
0x3f: {  	v15 =	vperm.xlane v14, v1;
	v10 =	vmin.f32 v10, v17;
	v12 =	vld [tilespmem:s2+$0x84];
	v17 =	vperm.xlane v11, v2  }
0x40: {  	(v2sf) =	vpush v21, $0x0;
	v18 =	vperm.xlane v35, v0;
	v37 =	vperm.xlane v10, v2  }
0x41: {  	v20 =	vmax.f32 v20, v49;
	v14 =	vmin.f32 v14, v15;
	v11 =	vmin.f32 v11, v17  }
0x42: {  	v15 =	vld [tilespmem:s2+$0x4];
	v10 =	vmin.f32 v10, v37;
	v17 =	vperm.xlane v14, v2;
	v38 =	vperm.xlane v11, v3  }
0x43: {  	v36 =	vperm.xlane v13, v0;
	v13 =	vsel vm0, v13, v18;
	v18 =	vperm.xlane v10, v3  }
0x44: {  	v39 =	vperm.xlane v12, v0;
	v14 =	vmin.f32 v14, v17;
	v11 =	vmin.f32 v11, v38  }
0x45: {  	v10 =	vmin.f32 v10, v18;
	v17 =	vperm.xlane v14, v3;
	v11 =	vtrunc.f32 v11  }
0x46: {  	s14 =	spop (v2sf);
	v18 =	vsel vm0, v36, v35;
	v10 =	vmul.f32 $1.600000000e+01, v10;
	v11 =	vcvt.f32.s32 v11  }
0x47: {  	v40 =	vperm.xlane v15, v0;
	v22 =	vmax.f32 v13, v18;
	s15 =	spop (v2sf);
	v14 =	vmin.f32 v14, v17  }
0x48: {  	v15 =	vsel vm0, v15, v39;
	s16 =	spop (v2sf);
	v10 =	vadd.f32 v10, v14;
	v11 =	vshll.u32 v11, $0x17  }
0x49: {  	v12 =	vsel vm0, v40, v12;
	p0 =	sgt.f32 s16, $5.000000000e-01;
	v14 =	vperm.xlane v22, v1;
	v42 =	vadd.s32 $0x3F800000, v11  }
0x4a: {  	p1 =	sgt.f32 s15, $5.000000000e-01;
	v44 =	vmax.f32 v15, v12;
	s16 =	simm.f32 $1.000000000e+00;
	v11 =	vsub.s32 $0x3F800000, v11;
	v21 =	vmul.f32 v42, v10  }
0x4b: {  	s15 =	simm.f32 $1.000000000e+00;
	v45 =	vperm.xlane v44, v1;
	s16 =	simm.s32 @!p0 $0x0;
	v14 =	vmax.f32 v22, v14;
	v10 =	vmul.f32 v11, v10  }
0x4c: {  	v17 =	vld [tilespmem:s2+$0x0];
	s15 =	simm.s32 @!p1 $0x0;
	v47 =	vmov s16;
	v48 =	vperm.xlane v14, v2;
	v11 =	vtrunc.f32 v21  }
0x4d: {  	v25 =	vsel vm0, s15, v47;
	v10 =	vtrunc.f32 v10;
	v11 =	vcvt.f32.s32 v11  }
0x4e: {  	v46 =	vld [tilespmem:s2+$0x80];
	vm1 =	vgt.f32 v25, $5.000000000e-01;
	v21 =	vmax.f32 v44, v45;
	v10 =	vcvt.f32.s32 v10  }
0x4f: {  	v14 =	vmax.f32 v14, v48;
	v50 =	vperm.xlane v21, v2;
	v11 =	vand.u32 $0xFF, v11  }
0x50: {  	vm2 =	veq.f32 v19, v20;
	v10 =	vsel vm1, v11, v10;
	v11 =	vperm.xlane v14, v3  }
0x51: {  	v19 =	vnsel vm2, $0x41800000, v6;
	(v2sf) =	vpush v17, $0x1;
	v21 =	vmax.f32 v21, v50  }
0x52: {  	vm1 =	veq.f32 v16, v20;
	v11 =	vmax.f32 v14, v11;
	v14 =	vperm.xlane v21, v3  }
0x53: {  	(v2sf) =	vpush v46, $0x1;
	v16 =	vnsel vm1, $0x41800000, v4;
	vm1 =	veq.f32 v13, v11  }
0x54: {  	vm2 =	veq.f32 v18, v11;
	v11 =	vmin.f32 v16, v19;
	v13 =	vmax.f32 v21, v14  }
0x55: {  	v14 =	vnsel vm1, $0x41800000, v4;
	v16 =	vnsel vm2, $0x41800000, v6;
	vm1 =	veq.f32 v15, v13  }
0x56: {  	v14 =	vmin.f32 v14, v16;
	v15 =	vperm.xlane v11, v1;
	vm2 =	veq.f32 v12, v13  }
0x57: {  	v12 =	vnsel vm1, $0x41800000, v4;
	v13 =	vperm.xlane v14, v1;
	v16 =	vnsel vm2, $0x41800000, v6  }
0x58: {  	p0 =	sgt.f32 s14, $5.000000000e-01;
	v18 =	vperm.xlane v10, v8;
	v12 =	vmin.f32 v12, v16  }
0x59: {  	s17 =	simm.f32 $1.000000000e+00;
	s24 =	ssub.f32 $1.000000000e+00, s16;
	v11 =	vmin.f32 v11, v15;
	v16 =	vperm.xlane v12, v1;
	v13 =	vmin.f32 v14, v13  }
0x5a: {  	s17 =	simm.s32 @!p0 $0x0;
	v15 =	vperm.xlane v11, v2;
	v14 =	vperm.xlane v13, v2  }
0x5b: {  	s25 =	spop (v2sf);
	s14 =	smul.f32 s24, s17;
	(v2sf) =	vpush v17, $0x2;
	v19 =	vshrl.u32 v18, $0x4;
	v12 =	vmin.f32 v12, v16  }
0x5c: {  	p0 =	sge.f32 s25, $5.000000000e-01;
	v11 =	vmin.f32 v11, v15;
	v16 =	vperm.xlane v12, v2;
	v13 =	vmin.f32 v13, v14  }
0x5d: {  	s14 =	sadd.f32 s14, s16;
	s16 =	simm.f32 $2.000000000e+00;
	v15 =	vperm.xlane v11, v3;
	v14 =	vand.u32 $0xF, v19;
	v19 =	vperm.xlane v13, v3  }
0x5e: {  	s16 =	simm.s32 @!p0 $0x0;
	(v2sf) =	vpush v46, $0x2;
	v12 =	vmin.f32 v12, v16  }
0x5f: {  	s14 =	smul.f32 s14, s16;
	v11 =	vmin.f32 v11, v15;
	v15 =	vperm.xlane v12, v3;
	v13 =	vmin.f32 v13, v19  }
0x60: {  	(v2sf) =	vpush v9, $0x2;
	v13 =	vmul.f32 $1.600000000e+01, v13  }
0x61: {  	v51 =	vmov s14;
	vm1 =	veq.s32 v14, v5;
	v12 =	vmin.f32 v12, v15  }
0x62: {  	v11 =	vtrunc.f32 v11;
	v12 =	vadd.f32 v13, v12;
	v13 =	vnsel vm1, $0x0, v51  }
0x63: {  	(v2sf) =	vpush v17, $0x0;
	s14 =	simm.s32 $0x200;
	v11 =	vcvt.f32.s32 v11;
	[tilespmem:s2+$0x1C4] =	vst.add.f32.msk $0xffff, v13  }
0x64: {  	(v2sf) =	vpush v46, $0x0;
	v10 =	vperm.xlane v10, v7;
	s26 =	spop (v2sf);
	v13 =	vld [tilespmem:s14+$0x104]  }
0x65: {  	s28 =	spop (v2sf);
	(v2sf) =	vpush v9, $0x0;
	v11 =	vshll.u32 v11, $0x17;
	v15 =	vld [tilespmem:s14+$0x184]  }
0x66: {  	v16 =	vshrl.u32 v10, $0x4;
	v14 =	vadd.s32 $0x3F800000, v11;
	v11 =	vsub.s32 $0x3F800000, v11;
	v17 =	vld [tilespmem:s14+$0x114]  }
0x67: {  	v16 =	vand.u32 $0xF, v16;
	v9 =	vmul.f32 v11, v12;
	v11 =	vand.u32 $0xF, v18;
	v18 =	vld [tilespmem:s14+$0x194]  }
0x68: {  	vm2 =	veq.s32 v16, v5;
	v16 =	vld [tilespmem:s14+$0x124]  }
0x69: {  	v19 =	vld [tilespmem:s14+$0x1A4]  }
0x6a: {  	v55 =	vld [tilespmem:s14+$0x24]  }
0x6b: {  	p0 =	sgt.f32 s28, $5.000000000e-01;
	v14 =	vmul.f32 v14, v12;
	v58 =	vld [tilespmem:s14+$0xA4]  }
0x6c: {  	s17 =	simm.f32 $1.000000000e+00;
	v10 =	vand.u32 $0xF, v10;
	v61 =	vld [tilespmem:s14+$0x94]  }
0x6d: {  	p1 =	sgt.f32 s26, $5.000000000e-01;
	s17 =	simm.s32 @!p0 $0x0;
	v27 =	vld [tilespmem:s14+$0x180];
	vm3 =	veq.s32 v11, v5;
	v12 =	vtrunc.f32 v14;
	v9 =	vtrunc.f32 v9  }
0x6e: {  	s18 =	simm.f32 $1.000000000e+00;
	v32 =	vld [tilespmem:s14+$0x14];
	v14 =	vmov s17;
	v12 =	vcvt.f32.s32 v12;
	v9 =	vcvt.f32.s32 v9  }
0x6f: {  	s18 =	simm.s32 @!p1 $0x0;
	v11 =	vnsel vm3, $0x0, v51;
	v53 =	vperm.xlane v15, v0;
	v54 =	vperm.xlane v13, v0  }
0x70: {  	v14 =	vsel vm0, s18, v14;
	v56 =	vperm.xlane v18, v0;
	v57 =	vperm.xlane v17, v0  }
0x71: {  	vm1 =	vgt.f32 v14, $5.000000000e-01;
	v59 =	vperm.xlane v19, v0;
	v60 =	vperm.xlane v16, v0  }
0x72: {  	v12 =	vand.u32 $0xFF, v12;
	v30 =	vperm.xlane v58, v0;
	v31 =	vperm.xlane v55, v0  }
0x73: {  	v63 =	vperm.xlane v61, v0;
	(v2sf) =	vpush v27, $0x2;
	v34 =	vperm.xlane v32, v0  }
0x74: {  	v9 =	vsel vm1, v12, v9;
	vm1 =	vmmov vm2;
	vm2 =	veq.s32 v10, v5  }
0x75: {  	v12 =	vperm.xlane v9, v7;
	v9 =	vperm.xlane v9, v8;
	v13 =	vsel vm0, v13, v53  }
0x76: {  	v22 =	vsel vm0, v54, v15;
	v17 =	vsel vm0, v17, v56;
	v18 =	vsel vm0, v57, v18  }
0x77: {  	v16 =	vsel vm0, v16, v59;
	v19 =	vsel vm0, v60, v19;
	v23 =	vsel vm0, v55, v30  }
0x78: {  	v20 =	vsel vm0, v31, v58;
	v38 =	vsel vm0, v32, v63;
	v24 =	vsel vm0, v34, v61  }
0x79: {  	v15 =	vmax.f32 v13, v22;
	v25 =	vmax.f32 v17, v18;
	v26 =	vmax.f32 v16, v19  }
0x7a: {  	v36 =	vmax.f32 v23, v20;
	v42 =	vmax.f32 v38, v24;
	v62 =	vperm.xlane v15, v1  }
0x7b: {  	v10 =	vand.u32 $0xF, v12;
	v28 =	vperm.xlane v25, v1;
	v29 =	vperm.xlane v26, v1  }
0x7c: {  	v12 =	vshrl.u32 v12, $0x4;
	v52 =	vshrl.u32 v9, $0x4;
	v21 =	vmax.f32 v15, v62;
	v15 =	vld [tilespmem:s14+$0x100]  }
0x7d: {  	v25 =	vmax.f32 v25, v28;
	v26 =	vmax.f32 v26, v29;
	v33 =	vperm.xlane v21, v2  }
0x7e: {  	v9 =	vand.u32 $0xF, v9;
	v28 =	vperm.xlane v25, v2;
	v29 =	vperm.xlane v26, v2  }
0x7f: {  	v44 =	vperm.xlane v42, v1;
	v45 =	vperm.xlane v36, v1;
	v21 =	vmax.f32 v21, v33  }
0x80: {  	v25 =	vmax.f32 v25, v28;
	v26 =	vmax.f32 v26, v29;
	v33 =	vperm.xlane v21, v3  }
0x81: {  	v28 =	vperm.xlane v25, v3;
	v29 =	vperm.xlane v26, v3;
	(v2sf) =	vpush v15, $0x1  }
0x82: {  	v14 =	vand.u32 $0xF, v12;
	v21 =	vmax.f32 v21, v33;
	(v2sf) =	vpush v27, $0x1  }
0x83: {  	vm3 =	veq.f32 v13, v21;
	v13 =	vmax.f32 v25, v28;
	v28 =	vmax.f32 v26, v29  }
0x84: {  	vm4 =	veq.f32 v17, v13;
	vm5 =	veq.f32 v16, v28;
	vm6 =	veq.f32 v19, v28  }
0x85: {  	vm7 =	veq.f32 v18, v13;
	v13 =	vnsel vm5, $0x41800000, v4;
	v16 =	vnsel vm6, $0x41800000, v6  }
0x86: {  	s24 =	spop (v2sf);
	v43 =	vld [tilespmem:s14+$0x0];
	v17 =	vnsel vm4, $0x41800000, v4;
	v18 =	vnsel vm7, $0x41800000, v6;
	v13 =	vmin.f32 v13, v16  }
0x87: {  	s23 =	spop (v2sf);
	v49 =	vld [tilespmem:s14+$0x80];
	vm4 =	veq.f32 v22, v21;
	v16 =	vmin.f32 v17, v18;
	v17 =	vperm.xlane v13, v1  }
0x88: {  	s22 =	spop (v2sf);
	v18 =	vnsel vm3, $0x41800000, v4;
	v19 =	vnsel vm4, $0x41800000, v6;
	v29 =	vperm.xlane v16, v1  }
0x89: {  	s21 =	spop (v2sf);
	v33 =	vld [tilespmem:s14+$0x84];
	(v2sf) =	vpush v27, $0x0;
	v18 =	vmin.f32 v18, v19;
	v13 =	vmin.f32 v13, v17  }
0x8a: {  	s20 =	spop (v2sf);
	v19 =	vperm.xlane v18, v1;
	v17 =	vld [tilespmem:s14+$0x4];
	v16 =	vmin.f32 v16, v29;
	v35 =	vperm.xlane v13, v2  }
0x8b: {  	s19 =	spop (v2sf);
	v12 =	vand.u32 $0xF, v52;
	(v2sf) =	vpush v43, $0x1;
	v37 =	vperm.xlane v16, v2  }
0x8c: {  	s29 =	spop (v2sf);
	(v2sf) =	vpush v49, $0x1;
	v18 =	vmin.f32 v18, v19;
	v13 =	vmin.f32 v13, v35  }
0x8d: {  	v19 =	vperm.xlane v18, v2;
	v16 =	vmin.f32 v16, v37;
	v21 =	vperm.xlane v13, v3  }
0x8e: {  	(v2sf) =	vpush v43, $0x2;
	v39 =	vperm.xlane v33, v0;
	v40 =	vperm.xlane v16, v3  }
0x8f: {  	v18 =	vmin.f32 v18, v19;
	v41 =	vperm.xlane v17, v0;
	v13 =	vmin.f32 v13, v21  }
0x90: {  	v19 =	vperm.xlane v18, v3;
	v16 =	vmin.f32 v16, v40;
	v13 =	vtrunc.f32 v13  }
0x91: {  	(v2sf) =	vpush v49, $0x2;
	v16 =	vmul.f32 $1.600000000e+01, v16;
	v13 =	vcvt.f32.s32 v13  }
0x92: {  	v17 =	vsel vm0, v17, v39;
	v21 =	vmax.f32 v42, v44;
	v18 =	vmin.f32 v18, v19  }
0x93: {  	s25 =	spop (v2sf);
	v19 =	vmax.f32 v36, v45;
	v16 =	vadd.f32 v16, v18;
	v13 =	vshll.u32 v13, $0x17  }
0x94: {  	v51 =	vperm.xlane v21, v2;
	s26 =	spop (v2sf);
	v48 =	vperm.xlane v19, v2;
	v46 =	vadd.s32 $0x3F800000, v13  }
0x95: {  	v18 =	vsel vm0, v41, v33;
	p0 =	sgt.f32 s26, $5.000000000e-01;
	v13 =	vsub.s32 $0x3F800000, v13;
	v22 =	vmul.f32 v46, v16  }
0x96: {  	p1 =	sgt.f32 s25, $5.000000000e-01;
	s25 =	simm.f32 $1.000000000e+00;
	v21 =	vmax.f32 v21, v51;
	v19 =	vmax.f32 v19, v48;
	v13 =	vmul.f32 v13, v16  }
0x97: {  	s16 =	simm.f32 $1.000000000e+00;
	v47 =	vmax.f32 v17, v18;
	s25 =	simm.s32 @!p0 $0x0;
	v52 =	vperm.xlane v19, v3;
	v22 =	vtrunc.f32 v22  }
0x98: {  	s16 =	simm.s32 @!p1 $0x0;
	v50 =	vmov s25;
	v13 =	vtrunc.f32 v13;
	v22 =	vcvt.f32.s32 v22  }
0x99: {  	v16 =	vperm.xlane v47, v1;
	v30 =	vsel vm0, s16, v50;
	v13 =	vcvt.f32.s32 v13  }
0x9a: {  	v54 =	vperm.xlane v21, v3;
	vm3 =	vgt.f32 v30, $5.000000000e-01;
	v22 =	vand.u32 $0xFF, v22  }
0x9b: {  	v19 =	vmax.f32 v19, v52;
	v16 =	vmax.f32 v47, v16;
	v22 =	vsel vm3, v22, v13  }
0x9c: {  	vm4 =	veq.f32 v20, v19;
	v13 =	vperm.xlane v16, v2;
	v53 =	vperm.xlane v22, v8  }
0x9d: {  	(v2sf) =	vpush v15, $0x2;
	v21 =	vmax.f32 v21, v54;
	v56 =	vnsel vm4, $0x41800000, v6  }
0x9e: {  	p0 =	sgt.f32 s29, $5.000000000e-01;
	vm4 =	veq.f32 v24, v21;
	v16 =	vmax.f32 v16, v13;
	v13 =	vshrl.u32 v53, $0x4  }
0x9f: {  	s28 =	simm.f32 $1.000000000e+00;
	s30 =	ssub.f32 $1.000000000e+00, s25;
	vm3 =	veq.f32 v23, v19;
	v55 =	vperm.xlane v16, v3;
	v19 =	vand.u32 $0xF, v13  }
0xa0: {  	s28 =	simm.s32 @!p0 $0x0;
	vm5 =	veq.s32 v19, v5;
	v19 =	vnsel vm3, $0x41800000, v4;
	vm3 =	veq.f32 v38, v21  }
0xa1: {  	s31 =	spop (v2sf);
	s26 =	smul.f32 s30, s28;
	v16 =	vmax.f32 v16, v55;
	v21 =	vnsel vm4, $0x41800000, v6;
	v58 =	vnsel vm3, $0x41800000, v4  }
0xa2: {  	p2 =	sgt.f32 s22, $5.000000000e-01;
	p0 =	sge.f32 s31, $5.000000000e-01;
	v19 =	vmin.f32 v19, v56;
	vm3 =	veq.f32 v17, v16;
	v17 =	vmin.f32 v58, v21  }
0xa3: {  	p1 =	sgt.f32 s23, $5.000000000e-01;
	s25 =	sadd.f32 s26, s25;
	s26 =	simm.f32 $2.000000000e+00;
	v59 =	vperm.xlane v19, v1;
	v60 =	vnsel vm3, $0x41800000, v4;
	vm3 =	veq.f32 v18, v16  }
0xa4: {  	s22 =	simm.f32 $1.000000000e+00;
	(v2sf) =	vpush v43, $0x0;
	s26 =	simm.s32 @!p0 $0x0;
	p0 =	sgt.f32 s24, $5.000000000e-01;
	v16 =	vperm.xlane v17, v1;
	v18 =	vnsel vm3, $0x41800000, v6  }
0xa5: {  	(v2sf) =	vpush v49, $0x0;
	s23 =	simm.f32 $1.000000000e+00;
	s22 =	simm.s32 @!p1 $0x0;
	s30 =	ssub.f32 $1.000000000e+00, s18;
	v19 =	vmin.f32 v19, v59;
	v18 =	vmin.f32 v60, v18  }
0xa6: {  	s31 =	ssub.f32 $1.000000000e+00, s17;
	s25 =	smul.f32 s25, s26;
	s23 =	simm.s32 @!p0 $0x0;
	v20 =	vperm.xlane v19, v2;
	v21 =	vperm.xlane v18, v1;
	v16 =	vmin.f32 v17, v16  }
0xa7: {  	vm6 =	veq.s32 v12, v5;
	s26 =	simm.f32 $1.000000000e+00;
	s23 =	smul.f32 s30, s23;
	s30 =	spop (v2sf);
	(v2sf) =	vpush v15, $0x0;
	v17 =	vperm.xlane v16, v2  }
0xa8: {  	s28 =	smul.f32 s31, s22;
	s26 =	simm.s32 @!p2 $0x0;
	p2 =	sge.f32 s21, $5.000000000e-01;
	v13 =	vmov s25;
	v19 =	vmin.f32 v19, v20;
	v18 =	vmin.f32 v18, v21  }
0xa9: {  	p0 =	sge.f32 s19, $5.000000000e-01;
	s19 =	simm.f32 $2.000000000e+00;
	s31 =	spop (v2sf);
	v20 =	vperm.xlane v19, v3;
	v21 =	vperm.xlane v18, v2;
	v17 =	vmin.f32 v16, v17  }
0xaa: {  	s29 =	ssub.f32 $1.000000000e+00, s15;
	s19 =	simm.s32 @!p2 $0x0;
	p2 =	sgt.f32 s31, $5.000000000e-01;
	vm4 =	veq.s32 v14, v5;
	v57 =	vnsel vm5, $0x0, v13;
	v15 =	vperm.xlane v17, v3  }
0xab: {  	p1 =	sge.f32 s20, $5.000000000e-01;
	s18 =	sadd.f32 s23, s18;
	s23 =	simm.f32 $1.000000000e+00;
	v16 =	vmin.f32 v19, v20;
	v19 =	vperm.xlane v22, v7;
	v18 =	vmin.f32 v18, v21  }
0xac: {  	s17 =	sadd.f32 s28, s17;
	s21 =	simm.f32 $2.000000000e+00;
	s23 =	simm.s32 @!p2 $0x0;
	v20 =	vtrunc.f32 v16;
	v21 =	vperm.xlane v18, v3;
	v15 =	vmin.f32 v17, v15  }
0xad: {  	s29 =	smul.f32 s29, s26;
	s21 =	simm.s32 @!p1 $0x0;
	p1 =	sgt.f32 s30, $5.000000000e-01;
	v62 =	vmov s23;
	v17 =	vcvt.f32.s32 v20;
	v61 =	vmul.f32 $1.600000000e+01, v15  }
0xae: {  	s22 =	ssub.f32 $1.000000000e+00, s16;
	s24 =	simm.f32 $1.000000000e+00;
	vm3 =	veq.s32 v10, v5;
	v16 =	vand.u32 $0xF, v53;
	v18 =	vmin.f32 v18, v21  }
0xaf: {  	s20 =	smul.f32 s17, s21;
	s15 =	sadd.f32 s29, s15;
	s24 =	simm.s32 @!p1 $0x0;
	v15 =	vand.u32 $0xF, v19;
	v17 =	vshll.u32 v17, $0x17;
	v18 =	vadd.f32 v61, v18  }
0xb0: {  	s19 =	smul.f32 s18, s19;
	s18 =	simm.f32 $2.000000000e+00;
	s25 =	ssub.f32 $1.000000000e+00, s24;
	v19 =	vshrl.u32 v19, $0x4;
	v21 =	vsel vm0, s24, v62;
	v63 =	vadd.s32 $0x3F800000, v17  }
0xb1: {  	[tilespmem:s2+$0x1B4] =	vst.add.f32.msk $0xffff, v11;
	s17 =	simm.s32 $0x2;
	s18 =	simm.s32 @!p0 $0x0;
	s26 =	ssub.f32 $1.000000000e+00, s23;
	v19 =	vand.u32 $0xF, v19;
	v17 =	vsub.s32 $0x3F800000, v17;
	v14 =	vmul.f32 v63, v18  }
0xb2: {  	[tilespmem:s14+$0x1C4] =	vst.add.f32.msk $0xffff, v57;
	s21 =	smul.f32 s15, s18;
	s18 =	simm.s32 $0x400;
	s15 =	simm.s32 $0x0;
	vm5 =	vgt.f32 v21, $5.000000000e-01;
	vm9 =	veq.s32 v19, v5;
	v17 =	vmul.f32 v17, v18  }
.LBB2_2:
0xb3: {  	v10 =	vtrunc.f32 v14  }
0xb4: {  	v11 =	vtrunc.f32 v17;
	vm8 =	veq.s32 v9, v5;
	vm7 =	vmmov vm2  }
0xb5: {  	v18 =	vld [tilespmem:s18+$0x104];
	s28 =	spop (v2sf);
	vm10 =	vmmov vm1;
	vm1 =	vmmov vm9;
	vm2 =	veq.s32 v15, v5  }
0xb6: {  	v15 =	vmov s20;
	s20 =	simm.f32 $1.000000000e+00;
	v9 =	vld [tilespmem:s18+$0x184];
	p2 =	sgt.f32 s28, $5.000000000e-01;
	v10 =	vcvt.f32.s32 v10;
	v11 =	vcvt.f32.s32 v11;
	s28 =	spop (v2sf)  }
0xb7: {  	vm9 =	veq.s32 v16, v5;
	v12 =	vmov s19;
	s17 =	sadd.s32 $0x2, s17;
	v14 =	vld [tilespmem:s18+$0x114];
	p0 =	sgt.f32 s28, $5.000000000e-01;
	s28 =	spop (v2sf)  }
0xb8: {  	v17 =	vmov s21;
	v19 =	vnsel vm4, $0x0, v12;
	v16 =	vld [tilespmem:s18+$0x194];
	v10 =	vand.u32 $0xFF, v10;
	p1 =	sgt.f32 s28, $5.000000000e-01;
	s19 =	spop (v2sf);
	s28 =	simm.f32 $1.000000000e+00  }
0xb9: {  	v21 =	vnsel vm6, $0x0, v15;
	v22 =	vnsel vm10, $0x0, v17;
	s20 =	simm.s32 @!p2 $0x0;
	v20 =	vld [tilespmem:s18+$0x124];
	v10 =	vsel vm5, v10, v11;
	s21 =	spop (v2sf);
	s28 =	simm.s32 @!p0 $0x0  }
0xba: {  	v25 =	vnsel vm3, $0x0, v12;
	s20 =	smul.f32 s25, s20;
	s25 =	simm.f32 $1.000000000e+00;
	v23 =	vld [tilespmem:s18+$0x1A4];
	v11 =	vperm.xlane v10, v7;
	v24 =	vperm.xlane v10, v8;
	s29 =	spop (v2sf)  }
0xbb: {  	v27 =	vnsel vm9, $0x0, v13;
	v28 =	vnsel vm8, $0x0, v15;
	v29 =	vnsel vm7, $0x0, v17;
	p0 =	slt.u32 s17, $0x7E;
	s25 =	simm.s32 @!p1 $0x0;
	v26 =	vld [tilespmem:s18+$0x24]  }
0xbc: {  	p1 =	sge.f32 s19, $5.000000000e-01;
	s19 =	smul.f32 s26, s28;
	v30 =	vld [tilespmem:s18+$0xA4];
	v10 =	vand.u32 $0xF, v11;
	v11 =	vshrl.u32 v11, $0x4;
	v13 =	vshrl.u32 v24, $0x4  }
0xbd: {  	v32 =	vperm.xlane v18, v0;
	p2 =	sge.f32 s21, $5.000000000e-01;
	v15 =	vperm.xlane v9, v0;
	s21 =	smul.f32 s22, s25;
	v31 =	vld [tilespmem:s18+$0x14];
	v12 =	vand.u32 $0xF, v11  }
0xbe: {  	s20 =	sadd.f32 s20, s24;
	p3 =	sge.f32 s29, $5.000000000e-01;
	s22 =	simm.f32 $2.000000000e+00;
	v35 =	vperm.xlane v14, v0;
	v34 =	vperm.xlane v16, v0;
	v11 =	vand.u32 $0xF, v13;
	v33 =	vld [tilespmem:s18+$0x94]  }
0xbf: {  	s24 =	simm.f32 $2.000000000e+00;
	s22 =	simm.s32 @!p1 $0x0;
	s23 =	sadd.f32 s19, s23;
	v36 =	vsel vm0, v18, v15;
	v15 =	vperm.xlane v20, v0;
	v17 =	vld [tilespmem:s18+$0x84];
	v13 =	vperm.xlane v23, v0  }
0xc0: {  	v32 =	vsel vm0, v32, v9;
	s24 =	simm.s32 @!p2 $0x0;
	s16 =	sadd.f32 s21, s16;
	s21 =	simm.f32 $2.000000000e+00;
	v35 =	vsel vm0, v35, v16;
	v34 =	vsel vm0, v14, v34;
	v18 =	vld [tilespmem:s18+$0x4]  }
0xc1: {  	s19 =	smul.f32 s20, s22;
	v16 =	vmax.f32 v36, v32;
	s21 =	simm.s32 @!p3 $0x0;
	v23 =	vsel vm0, v15, v23;
	v14 =	vld [tilespmem:s18+$0x0];
	v20 =	vsel vm0, v20, v13  }
0xc2: {  	s20 =	smul.f32 s23, s24;
	v37 =	vmax.f32 v34, v35;
	v13 =	vperm.xlane v16, v1;
	v38 =	vmax.f32 v20, v23;
	v39 =	vld [tilespmem:s18+$0x180]  }
0xc3: {  	v9 =	vand.u32 $0xF, v24;
	s21 =	smul.f32 s16, s21;
	v40 =	vperm.xlane v37, v1;
	v15 =	vld [tilespmem:s18+$0x80];
	v41 =	vperm.xlane v38, v1  }
0xc4: {  	v42 =	vperm.xlane v26, v0;
	v24 =	vperm.xlane v30, v0;
	v43 =	vmax.f32 v16, v13;
	v16 =	vld [tilespmem:s18+$0x100]  }
0xc5: {  	v37 =	vmax.f32 v37, v40;
	v44 =	vperm.xlane v43, v2;
	v38 =	vmax.f32 v38, v41;
	[tilespmem:s15+$0x44] =	vst.add.f32.msk $0xffff, v19  }
0xc6: {  	v13 =	vsel vm0, v26, v24;
	v19 =	vperm.xlane v37, v2;
	v24 =	vperm.xlane v38, v2;
	[tilespmem:s15+$0xC4] =	vst.add.f32.msk $0xffff, v21  }
0xc7: {  	v21 =	vperm.xlane v33, v0;
	v26 =	vmax.f32 v43, v44;
	(v2sf) =	vpush v39, $0x2;
	[tilespmem:s15+$0x144] =	vst.add.f32.msk $0xffff, v22  }
0xc8: {  	v22 =	vperm.xlane v26, v3;
	v19 =	vmax.f32 v37, v19;
	v24 =	vmax.f32 v38, v24;
	[tilespmem:s15+$0x34] =	vst.add.f32.msk $0xffff, v25  }
0xc9: {  	v25 =	vperm.xlane v19, v3;
	v37 =	vperm.xlane v24, v3;
	(v2sf) =	vpush v16, $0x1;
	[tilespmem:s15+$0xB4] =	vst.add.f32.msk $0xffff, v28  }
0xca: {  	v28 =	vperm.xlane v31, v0;
	v22 =	vmax.f32 v26, v22;
	(v2sf) =	vpush v39, $0x1;
	[tilespmem:s15+$0x134] =	vst.add.f32.msk $0xffff, v29;
	s15 =	smov.u32 s14;
	s14 =	smov.u32 s18  }
0xcb: {  	vm3 =	veq.f32 v36, v22;
	v19 =	vmax.f32 v19, v25;
	v24 =	vmax.f32 v24, v37;
	[tilespmem:s15+$0x1B4] =	vst.add.f32.msk $0xffff, v27  }
0xcc: {  	vm4 =	veq.f32 v34, v19;
	vm5 =	veq.f32 v20, v24;
	vm6 =	veq.f32 v23, v24  }
0xcd: {  	vm7 =	veq.f32 v35, v19;
	v19 =	vnsel vm5, $0x41800000, v4;
	v20 =	vnsel vm6, $0x41800000, v6  }
0xce: {  	v23 =	vnsel vm4, $0x41800000, v4;
	v24 =	vnsel vm7, $0x41800000, v6;
	v19 =	vmin.f32 v19, v20  }
0xcf: {  	vm4 =	veq.f32 v32, v22;
	v20 =	vmin.f32 v23, v24;
	v22 =	vperm.xlane v19, v1  }
0xd0: {  	v23 =	vnsel vm3, $0x41800000, v4;
	v24 =	vnsel vm4, $0x41800000, v6;
	v25 =	vperm.xlane v20, v1  }
0xd1: {  	v26 =	vsel vm0, v42, v30;
	v23 =	vmin.f32 v23, v24;
	v19 =	vmin.f32 v19, v22  }
0xd2: {  	v22 =	vperm.xlane v23, v1;
	v20 =	vmin.f32 v20, v25;
	v24 =	vperm.xlane v19, v2  }
0xd3: {  	v25 =	vmax.f32 v13, v26;
	v27 =	vperm.xlane v20, v2;
	(v2sf) =	vpush v39, $0x0  }
0xd4: {  	v21 =	vsel vm0, v31, v21;
	v22 =	vmin.f32 v23, v22;
	v19 =	vmin.f32 v19, v24  }
0xd5: {  	v23 =	vperm.xlane v22, v2;
	v20 =	vmin.f32 v20, v27;
	v24 =	vperm.xlane v19, v3  }
0xd6: {  	v28 =	vsel vm0, v28, v33;
	v27 =	vperm.xlane v17, v0;
	v29 =	vperm.xlane v20, v3;
	s16 =	spop (v2sf)  }
0xd7: {  	v30 =	vperm.xlane v18, v0;
	v22 =	vmin.f32 v22, v23;
	v19 =	vmin.f32 v19, v24  }
0xd8: {  	v23 =	vperm.xlane v22, v3;
	v20 =	vmin.f32 v20, v29;
	v19 =	vtrunc.f32 v19;
	s22 =	spop (v2sf)  }
0xd9: {  	v24 =	vmax.f32 v21, v28;
	v20 =	vmul.f32 $1.600000000e+01, v20;
	v19 =	vcvt.f32.s32 v19;
	s23 =	spop (v2sf)  }
0xda: {  	v31 =	vperm.xlane v25, v1;
	v29 =	vperm.xlane v24, v1;
	v22 =	vmin.f32 v22, v23  }
0xdb: {  	v18 =	vsel vm0, v18, v27;
	v20 =	vadd.f32 v20, v22;
	v19 =	vshll.u32 v19, $0x17  }
0xdc: {  	v17 =	vsel vm0, v30, v17;
	v22 =	vmax.f32 v25, v31;
	v23 =	vadd.s32 $0x3F800000, v19  }
0xdd: {  	v25 =	vmax.f32 v18, v17;
	p1 =	sgt.f32 s23, $5.000000000e-01;
	v19 =	vsub.s32 $0x3F800000, v19;
	v23 =	vmul.f32 v23, v20  }
0xde: {  	p2 =	sgt.f32 s22, $5.000000000e-01;
	v24 =	vmax.f32 v24, v29;
	s23 =	simm.f32 $1.000000000e+00;
	v27 =	vperm.xlane v22, v2;
	v19 =	vmul.f32 v19, v20  }
0xdf: {  	s23 =	simm.s32 @!p1 $0x0;
	p1 =	sgt.f32 s16, $5.000000000e-01;
	s16 =	simm.f32 $1.000000000e+00;
	v20 =	vperm.xlane v25, v1;
	v23 =	vtrunc.f32 v23;
	(v2sf) =	vpush v14, $0x1  }
0xe0: {  	s25 =	simm.f32 $1.000000000e+00;
	s16 =	simm.s32 @!p2 $0x0;
	s24 =	ssub.f32 $1.000000000e+00, s23;
	v29 =	vmov s23;
	v19 =	vtrunc.f32 v19;
	v23 =	vcvt.f32.s32 v23  }
0xe1: {  	v30 =	vperm.xlane v24, v2;
	s22 =	ssub.f32 $1.000000000e+00, s16;
	s25 =	simm.s32 @!p1 $0x0;
	v29 =	vsel vm0, s16, v29;
	v19 =	vcvt.f32.s32 v19  }
0xe2: {  	v22 =	vmax.f32 v22, v27;
	s24 =	smul.f32 s24, s25;
	vm3 =	vgt.f32 v29, $5.000000000e-01;
	v23 =	vand.u32 $0xFF, v23;
	s25 =	spop (v2sf)  }
0xe3: {  	v20 =	vmax.f32 v25, v20;
	v25 =	vperm.xlane v22, v3;
	p1 =	sge.f32 s25, $5.000000000e-01;
	v19 =	vsel vm3, v23, v19  }
0xe4: {  	v24 =	vmax.f32 v24, v30;
	s23 =	sadd.f32 s24, s23;
	s24 =	simm.f32 $2.000000000e+00;
	v23 =	vperm.xlane v20, v2;
	v27 =	vperm.xlane v19, v8  }
0xe5: {  	v29 =	vperm.xlane v24, v3;
	v22 =	vmax.f32 v22, v25;
	s24 =	simm.s32 @!p1 $0x0;
	(v2sf) =	vpush v15, $0x1  }
0xe6: {  	vm3 =	veq.f32 v13, v22;
	v20 =	vmax.f32 v20, v23;
	s23 =	smul.f32 s23, s24;
	v13 =	vshrl.u32 v27, $0x4  }
0xe7: {  	vm4 =	veq.f32 v26, v22;
	v23 =	vmax.f32 v24, v29;
	v22 =	vand.u32 $0xF, v13  }
0xe8: {  	v24 =	vperm.xlane v20, v3;
	v13 =	vmov s23;
	vm5 =	veq.s32 v22, v5  }
0xe9: {  	v25 =	vnsel vm4, $0x41800000, v6;
	v22 =	vnsel vm3, $0x41800000, v4;
	v26 =	vnsel vm5, $0x0, v13  }
0xea: {  	vm4 =	veq.f32 v28, v23;
	vm3 =	veq.f32 v21, v23;
	v21 =	vmin.f32 v22, v25;
	[tilespmem:s18+$0x1C4] =	vst.add.f32.msk $0xffff, v26  }
0xeb: {  	v20 =	vmax.f32 v20, v24;
	v23 =	vnsel vm4, $0x41800000, v6;
	v22 =	vnsel vm3, $0x41800000, v4  }
0xec: {  	vm3 =	veq.f32 v18, v20;
	v18 =	vmin.f32 v22, v23;
	v22 =	vperm.xlane v21, v1  }
0xed: {  	v23 =	vnsel vm3, $0x41800000, v4;
	vm3 =	veq.f32 v17, v20;
	v17 =	vperm.xlane v18, v1  }
0xee: {  	v20 =	vnsel vm3, $0x41800000, v6;
	v21 =	vmin.f32 v21, v22;
	s23 =	spop (v2sf);
	(v2sf) =	vpush v14, $0x2  }
0xef: {  	v20 =	vmin.f32 v23, v20;
	v22 =	vperm.xlane v21, v2;
	p1 =	sgt.f32 s23, $5.000000000e-01;
	(v2sf) =	vpush v15, $0x2  }
0xf0: {  	s24 =	simm.f32 $1.000000000e+00;
	v23 =	vperm.xlane v20, v1;
	v17 =	vmin.f32 v18, v17;
	(v2sf) =	vpush v16, $0x2  }
0xf1: {  	v18 =	vperm.xlane v17, v2;
	v21 =	vmin.f32 v21, v22;
	s24 =	simm.s32 @!p1 $0x0;
	(v2sf) =	vpush v14, $0x0  }
0xf2: {  	v14 =	vmin.f32 v20, v23;
	v20 =	vperm.xlane v21, v3;
	s25 =	ssub.f32 $1.000000000e+00, s24;
	(v2sf) =	vpush v15, $0x0  }
0xf3: {  	v17 =	vmin.f32 v17, v18;
	v15 =	vperm.xlane v14, v2;
	(v2sf) =	vpush v16, $0x0  }
0xf4: {  	v19 =	vperm.xlane v19, v7;
	v18 =	vperm.xlane v17, v3;
	v16 =	vmin.f32 v21, v20;
	s23 =	spop (v2sf)  }
0xf5: {  	v14 =	vmin.f32 v14, v15;
	v15 =	vtrunc.f32 v16;
	v16 =	vand.u32 $0xF, v27;
	p1 =	sgt.f32 s23, $5.000000000e-01  }
0xf6: {  	v17 =	vmin.f32 v17, v18;
	v20 =	vperm.xlane v14, v3;
	v18 =	vcvt.f32.s32 v15;
	s23 =	simm.f32 $1.000000000e+00  }
0xf7: {  	v17 =	vmul.f32 $1.600000000e+01, v17;
	v15 =	vand.u32 $0xF, v19;
	v19 =	vshrl.u32 v19, $0x4;
	s23 =	simm.s32 @!p1 $0x0  }
.Ltmp0:
0xf8: {  	v14 =	vmin.f32 v14, v20;
	v18 =	vshll.u32 v18, $0x17;
	s26 =	ssub.f32 $1.000000000e+00, s23;
	v20 =	vmov s23;
	(pc) =	sbr.rel @p0 .LBB2_2-.Ltmp0, $4  }
0xf9: {  	v17 =	vadd.f32 v17, v14;
	v14 =	vadd.s32 $0x3F800000, v18;
	v18 =	vsub.s32 $0x3F800000, v18  }
0xfa: {  	vm4 =	veq.s32 v12, v5;
	v19 =	vand.u32 $0xF, v19;
	v20 =	vsel vm0, s24, v20  }
0xfb: {  	v14 =	vmul.f32 v14, v17;
	v17 =	vmul.f32 v18, v17;
	vm5 =	vgt.f32 v20, $5.000000000e-01  }
0xfc: {  	vm6 =	veq.s32 v11, v5;
	s18 =	sadd.s32 $0x200, s18;
	vm3 =	veq.s32 v10, v5;
	vm9 =	veq.s32 v19, v5  }
0xfd: {  	s17 =	spop (v2sf)  }
0xfe: {  	s18 =	spop (v2sf);
	p1 =	sgt.f32 s17, $5.000000000e-01  }
0xff: {  	s28 =	simm.f32 $1.000000000e+00;
	v10 =	vtrunc.f32 v14;
	s30 =	spop (v2sf);
	p2 =	sgt.f32 s18, $5.000000000e-01  }
0x100: {  	v11 =	vtrunc.f32 v17;
	vm7 =	veq.s32 v9, v5;
	vm2 =	vmmov vm2;
	s17 =	simm.f32 $1.000000000e+00;
	p0 =	sgt.f32 s30, $5.000000000e-01;
	s31 =	spop (v2sf)  }
0x101: {  	vm8 =	vmmov vm1;
	vm1 =	vmmov vm9;
	v9 =	vcvt.f32.s32 v10;
	s17 =	simm.s32 @!p1 $0x0;
	s29 =	spop (v2sf);
	s28 =	simm.s32 @!p2 $0x0  }
0x102: {  	v12 =	vmov s20;
	v10 =	vmov s19;
	v11 =	vcvt.f32.s32 v11;
	s17 =	smul.f32 s25, s17;
	s25 =	simm.f32 $1.000000000e+00;
	p2 =	sge.f32 s31, $5.000000000e-01  }
0x103: {  	v17 =	vmov s21;
	v14 =	vnsel vm4, $0x0, v10;
	v9 =	vand.u32 $0xFF, v9;
	s19 =	spop (v2sf);
	s25 =	simm.s32 @!p0 $0x0;
	s30 =	smul.f32 s26, s28  }
0x104: {  	vm1 =	vmmov vm1;
	v10 =	vnsel vm3, $0x0, v10;
	[tilespmem:s15+$0x44] =	vst.add.f32.msk $0xffff, v14;
	v9 =	vsel vm5, v9, v11;
	p1 =	sge.f32 s29, $5.000000000e-01;
	s31 =	smul.f32 s22, s25  }
0x105: {  	s21 =	simm.f32 $2.000000000e+00;
	vm4 =	veq.s32 v16, v5;
	v14 =	vnsel vm8, $0x0, v17;
	[tilespmem:s15+$0x34] =	vst.add.f32.msk $0xffff, v10;
	v16 =	vperm.xlane v9, v7;
	s17 =	sadd.f32 s17, s24;
	p0 =	sge.f32 s19, $5.000000000e-01  }
0x106: {  	v11 =	vnsel vm6, $0x0, v12;
	[tilespmem:s15+$0x144] =	vst.add.f32.msk $0xffff, v14;
	v12 =	vnsel vm7, $0x0, v12;
	v9 =	vperm.xlane v9, v8;
	s21 =	simm.s32 @!p2 $0x0;
	s19 =	simm.f32 $2.000000000e+00;
	s18 =	sadd.f32 s30, s23  }
0x107: {  	[tilespmem:s15+$0xC4] =	vst.add.f32.msk $0xffff, v11;
	v11 =	vnsel vm4, $0x0, v13;
	v13 =	vnsel vm2, $0x0, v17;
	s19 =	simm.s32 @!p1 $0x0;
	v14 =	vshrl.u32 v16, $0x4;
	s17 =	smul.f32 s17, s21  }
0x108: {  	s20 =	simm.f32 $2.000000000e+00;
	[tilespmem:s15+$0xB4] =	vst.add.f32.msk $0xffff, v12;
	v10 =	vand.u32 $0xF, v16;
	v16 =	vshrl.u32 v9, $0x4;
	s16 =	sadd.f32 s31, s16;
	v14 =	vand.u32 $0xF, v14;
	s18 =	smul.f32 s18, s19  }
0x109: {  	[tilespmem:s15+$0x134] =	vst.add.f32.msk $0xffff, v13;
	s20 =	simm.s32 @!p0 $0x0;
	v12 =	vand.u32 $0xF, v16;
	vm2 =	veq.s32 v14, v5;
	v13 =	vmov s17  }
0x10a: {  	[tilespmem:s14+$0x1B4] =	vst.add.f32.msk $0xffff, v11;
	vm3 =	veq.s32 v12, v5;
	s16 =	smul.f32 s16, s20;
	v11 =	vmov s18;
	v12 =	vnsel vm2, $0x0, v13  }
0x10b: {  	v9 =	vand.u32 $0xF, v9;
	vm2 =	veq.s32 v10, v5;
	v16 =	vnsel vm3, $0x0, v11;
	[tilespmem:s14+$0x44] =	vst.add.f32.msk $0xffff, v12  }
0x10c: {  	v14 =	vmov s16;
	vm3 =	veq.s32 v9, v5;
	v9 =	vnsel vm2, $0x0, v13;
	[tilespmem:s14+$0xC4] =	vst.add.f32.msk $0xffff, v16  }
0x10d: {  	v10 =	vnsel vm1, $0x0, v14;
	vm1 =	veq.s32 v15, v5;
	[tilespmem:s14+$0x34] =	vst.add.f32.msk $0xffff, v9  }
0x10e: {  	[tilespmem:s14+$0x144] =	vst.add.f32.msk $0xffff, v10;
	vm1 =	vmmov vm1;
	v10 =	vnsel vm3, $0x0, v11  }
0x10f: {  	v9 =	vnsel vm1, $0x0, v14;
	[tilespmem:s14+$0xB4] =	vst.add.f32.msk $0xffff, v10  }
0x110: {  	[tilespmem:s14+$0x134] =	vst.add.f32.msk $0xffff, v9  }
0x111: {  	[hbm4b:s5+s2] =	stream.linear.scatter [tilespmem:s2], [sflag:$0x3], $0x8000, $0x38;
	[tilespmem:$0x10000] =	vst v63  }
0x112: {  	_ =	swait.ge [sflag:s10], $0x8000  }
0x113: {  	[sflag:s10] =	ssyncset.done $0x0  }
0x114: {  	s14 =	simm.s32 $0x8000;
	[sflag:s10] =	ssyncadd.s32 $0xFFFF8000  }
0x115: {  	v9 =	vld [tilespmem:s14+$0x104]  }
0x116: {  	v10 =	vld [tilespmem:s14+$0x184]  }
0x117: {  	v11 =	vld [tilespmem:s14+$0x114]  }
0x118: {  	v12 =	vld [tilespmem:s14+$0x194]  }
0x119: {  	v13 =	vld [tilespmem:s14+$0x124]  }
0x11a: {  	v14 =	vld [tilespmem:s14+$0x1A4];
	_ =	sdelay $0x2  }
0x11b: {  	v15 =	vperm.xlane v10, v0;
	v16 =	vperm.xlane v9, v0  }
0x11c: {  	v19 =	vld [tilespmem:s14+$0xA4];
	v17 =	vperm.xlane v12, v0;
	v18 =	vperm.xlane v11, v0  }
0x11d: {  	v20 =	vperm.xlane v13, v0;
	v15 =	vsel vm0, v9, v15;
	v9 =	vperm.xlane v14, v0  }
0x11e: {  	v21 =	vld [tilespmem:s14+$0x180];
	v10 =	vsel vm0, v16, v10;
	v11 =	vsel vm0, v11, v17;
	v12 =	vsel vm0, v18, v12  }
0x11f: {  	v16 =	vld [tilespmem:s14+$0x24];
	v14 =	vsel vm0, v20, v14;
	v17 =	vmax.f32 v15, v10;
	v18 =	vmax.f32 v11, v12  }
0x120: {  	v13 =	vsel vm0, v13, v9;
	v9 =	vperm.xlane v17, v1;
	v22 =	vperm.xlane v18, v1  }
0x121: {  	v24 =	vperm.xlane v19, v0;
	v20 =	vmax.f32 v13, v14  }
0x122: {  	v23 =	vperm.xlane v20, v1;
	v17 =	vmax.f32 v17, v9;
	v9 =	vld [tilespmem:s14+$0x100];
	v18 =	vmax.f32 v18, v22  }
0x123: {  	(v2sf) =	vpush v21, $0x2;
	v25 =	vperm.xlane v17, v2;
	v22 =	vperm.xlane v18, v2  }
0x124: {  	v26 =	vperm.xlane v16, v0;
	v16 =	vsel vm0, v16, v24;
	v20 =	vmax.f32 v20, v23  }
0x125: {  	v23 =	vperm.xlane v20, v2;
	v17 =	vmax.f32 v17, v25;
	v18 =	vmax.f32 v18, v22  }
0x126: {  	v19 =	vsel vm0, v26, v19;
	v25 =	vperm.xlane v17, v3;
	v22 =	vperm.xlane v18, v3  }
0x127: {  	v24 =	vmax.f32 v16, v19;
	v20 =	vmax.f32 v20, v23;
	(v2sf) =	vpush v9, $0x1  }
0x128: {  	v41 =	vperm.xlane v24, v1;
	v23 =	vperm.xlane v20, v3;
	v17 =	vmax.f32 v17, v25  }
0x129: {  	(v2sf) =	vpush v21, $0x1;
	vm1 =	veq.f32 v15, v17;
	v15 =	vmax.f32 v18, v22  }
0x12a: {  	(v2sf) =	vpush v21, $0x0;
	v43 =	vmax.f32 v24, v41;
	v18 =	vmax.f32 v20, v23  }
0x12b: {  	vm2 =	veq.f32 v11, v15;
	vm3 =	veq.f32 v13, v18;
	vm4 =	veq.f32 v14, v18  }
0x12c: {  	vm5 =	veq.f32 v12, v15;
	v11 =	vnsel vm3, $0x41800000, v4;
	v12 =	vnsel vm4, $0x41800000, v6  }
0x12d: {  	v35 =	vld [tilespmem:s14+$0x94];
	v14 =	vnsel vm2, $0x41800000, v4;
	v15 =	vnsel vm5, $0x41800000, v6;
	v11 =	vmin.f32 v11, v12  }
0x12e: {  	vm2 =	veq.f32 v10, v17;
	v10 =	vmin.f32 v14, v15;
	v12 =	vperm.xlane v11, v1  }
0x12f: {  	v14 =	vnsel vm1, $0x41800000, v4;
	v15 =	vnsel vm2, $0x41800000, v6;
	v17 =	vperm.xlane v10, v1  }
0x130: {  	v24 =	vperm.xlane v43, v2;
	v13 =	vld [tilespmem:s14+$0x14];
	v14 =	vmin.f32 v14, v15;
	v11 =	vmin.f32 v11, v12  }
0x131: {  	v15 =	vperm.xlane v14, v1;
	v10 =	vmin.f32 v10, v17;
	v12 =	vld [tilespmem:s14+$0x84];
	v17 =	vperm.xlane v11, v2  }
0x132: {  	v18 =	vperm.xlane v35, v0;
	v20 =	vmax.f32 v43, v24;
	v37 =	vperm.xlane v10, v2  }
0x133: {  	v49 =	vperm.xlane v20, v3;
	v14 =	vmin.f32 v14, v15;
	v11 =	vmin.f32 v11, v17  }
0x134: {  	v15 =	vld [tilespmem:s14+$0x4];
	v10 =	vmin.f32 v10, v37;
	v17 =	vperm.xlane v14, v2;
	v38 =	vperm.xlane v11, v3  }
0x135: {  	v36 =	vperm.xlane v13, v0;
	v13 =	vsel vm0, v13, v18;
	v18 =	vperm.xlane v10, v3  }
0x136: {  	v39 =	vperm.xlane v12, v0;
	v14 =	vmin.f32 v14, v17;
	v11 =	vmin.f32 v11, v38  }
0x137: {  	v10 =	vmin.f32 v10, v18;
	v17 =	vperm.xlane v14, v3;
	v11 =	vtrunc.f32 v11  }
0x138: {  	s22 =	spop (v2sf);
	v18 =	vsel vm0, v36, v35;
	v10 =	vmul.f32 $1.600000000e+01, v10;
	v11 =	vcvt.f32.s32 v11  }
0x139: {  	v40 =	vperm.xlane v15, v0;
	v22 =	vmax.f32 v13, v18;
	s23 =	spop (v2sf);
	v14 =	vmin.f32 v14, v17  }
0x13a: {  	v15 =	vsel vm0, v15, v39;
	s24 =	spop (v2sf);
	v10 =	vadd.f32 v10, v14;
	v11 =	vshll.u32 v11, $0x17  }
0x13b: {  	v12 =	vsel vm0, v40, v12;
	p0 =	sgt.f32 s24, $5.000000000e-01;
	v14 =	vperm.xlane v22, v1;
	v42 =	vadd.s32 $0x3F800000, v11  }
0x13c: {  	s16 =	simm.f32 $1.000000000e+00;
	p1 =	sgt.f32 s23, $5.000000000e-01;
	v44 =	vmax.f32 v15, v12;
	v11 =	vsub.s32 $0x3F800000, v11;
	v21 =	vmul.f32 v42, v10  }
0x13d: {  	s17 =	simm.f32 $1.000000000e+00;
	v45 =	vperm.xlane v44, v1;
	s16 =	simm.s32 @!p0 $0x0;
	v14 =	vmax.f32 v22, v14;
	v10 =	vmul.f32 v11, v10  }
0x13e: {  	s17 =	simm.s32 @!p1 $0x0;
	v47 =	vmov s16;
	v48 =	vperm.xlane v14, v2;
	v11 =	vtrunc.f32 v21  }
0x13f: {  	v25 =	vsel vm0, s17, v47;
	v10 =	vtrunc.f32 v10;
	v11 =	vcvt.f32.s32 v11  }
0x140: {  	vm1 =	vgt.f32 v25, $5.000000000e-01;
	v21 =	vmax.f32 v44, v45;
	v10 =	vcvt.f32.s32 v10  }
0x141: {  	v14 =	vmax.f32 v14, v48;
	v50 =	vperm.xlane v21, v2;
	v11 =	vand.u32 $0xFF, v11  }
0x142: {  	v20 =	vmax.f32 v20, v49;
	v10 =	vsel vm1, v11, v10;
	v11 =	vperm.xlane v14, v3  }
0x143: {  	vm2 =	veq.f32 v19, v20;
	v21 =	vmax.f32 v21, v50  }
0x144: {  	vm1 =	veq.f32 v16, v20;
	v11 =	vmax.f32 v14, v11;
	v14 =	vperm.xlane v21, v3  }
0x145: {  	v19 =	vnsel vm2, $0x41800000, v6;
	v17 =	vld [tilespmem:s14+$0x0];
	v16 =	vnsel vm1, $0x41800000, v4;
	vm1 =	veq.f32 v13, v11  }
0x146: {  	vm2 =	veq.f32 v18, v11;
	v11 =	vmin.f32 v16, v19;
	v13 =	vmax.f32 v21, v14  }
0x147: {  	v46 =	vld [tilespmem:s14+$0x80];
	v14 =	vnsel vm1, $0x41800000, v4;
	v16 =	vnsel vm2, $0x41800000, v6;
	vm1 =	veq.f32 v15, v13  }
0x148: {  	v14 =	vmin.f32 v14, v16;
	v15 =	vperm.xlane v11, v1;
	vm2 =	veq.f32 v12, v13  }
0x149: {  	v12 =	vnsel vm1, $0x41800000, v4;
	v13 =	vperm.xlane v14, v1;
	v16 =	vnsel vm2, $0x41800000, v6  }
0x14a: {  	p0 =	sgt.f32 s22, $5.000000000e-01;
	(v2sf) =	vpush v17, $0x1;
	v18 =	vperm.xlane v10, v8;
	v12 =	vmin.f32 v12, v16  }
0x14b: {  	s18 =	simm.f32 $1.000000000e+00;
	s25 =	ssub.f32 $1.000000000e+00, s16;
	v11 =	vmin.f32 v11, v15;
	v16 =	vperm.xlane v12, v1;
	v13 =	vmin.f32 v14, v13  }
0x14c: {  	s18 =	simm.s32 @!p0 $0x0;
	(v2sf) =	vpush v46, $0x1;
	v15 =	vperm.xlane v11, v2;
	v14 =	vperm.xlane v13, v2  }
0x14d: {  	s26 =	spop (v2sf);
	s15 =	smul.f32 s25, s18;
	(v2sf) =	vpush v17, $0x2;
	v19 =	vshrl.u32 v18, $0x4;
	v12 =	vmin.f32 v12, v16  }
0x14e: {  	p0 =	sge.f32 s26, $5.000000000e-01;
	v11 =	vmin.f32 v11, v15;
	v16 =	vperm.xlane v12, v2;
	v13 =	vmin.f32 v13, v14  }
0x14f: {  	s15 =	sadd.f32 s15, s16;
	s16 =	simm.f32 $2.000000000e+00;
	v15 =	vperm.xlane v11, v3;
	v14 =	vand.u32 $0xF, v19;
	v19 =	vperm.xlane v13, v3  }
0x150: {  	s16 =	simm.s32 @!p0 $0x0;
	(v2sf) =	vpush v46, $0x2;
	v12 =	vmin.f32 v12, v16  }
0x151: {  	s15 =	smul.f32 s15, s16;
	v11 =	vmin.f32 v11, v15;
	v15 =	vperm.xlane v12, v3;
	v13 =	vmin.f32 v13, v19  }
0x152: {  	(v2sf) =	vpush v9, $0x2;
	v13 =	vmul.f32 $1.600000000e+01, v13  }
0x153: {  	v51 =	vmov s15;
	vm1 =	veq.s32 v14, v5;
	v12 =	vmin.f32 v12, v15  }
0x154: {  	v11 =	vtrunc.f32 v11;
	v12 =	vadd.f32 v13, v12;
	v13 =	vnsel vm1, $0x0, v51  }
0x155: {  	(v2sf) =	vpush v17, $0x0;
	s15 =	simm.s32 $0x8200;
	v11 =	vcvt.f32.s32 v11;
	[tilespmem:s14+$0x1C4] =	vst.add.f32.msk $0xffff, v13  }
0x156: {  	(v2sf) =	vpush v46, $0x0;
	v10 =	vperm.xlane v10, v7;
	v13 =	vld [tilespmem:s15+$0x104]  }
0x157: {  	(v2sf) =	vpush v9, $0x0;
	v11 =	vshll.u32 v11, $0x17;
	v15 =	vld [tilespmem:s15+$0x184]  }
0x158: {  	v16 =	vshrl.u32 v10, $0x4;
	v14 =	vadd.s32 $0x3F800000, v11;
	v11 =	vsub.s32 $0x3F800000, v11;
	v17 =	vld [tilespmem:s15+$0x114]  }
0x159: {  	v16 =	vand.u32 $0xF, v16;
	v9 =	vmul.f32 v11, v12;
	v11 =	vand.u32 $0xF, v18;
	v18 =	vld [tilespmem:s15+$0x194]  }
0x15a: {  	vm2 =	veq.s32 v16, v5;
	v16 =	vld [tilespmem:s15+$0x124]  }
0x15b: {  	v19 =	vld [tilespmem:s15+$0x1A4]  }
0x15c: {  	s28 =	spop (v2sf);
	v14 =	vmul.f32 v14, v12;
	v55 =	vld [tilespmem:s15+$0x24]  }
0x15d: {  	s29 =	spop (v2sf);
	v58 =	vld [tilespmem:s15+$0xA4]  }
0x15e: {  	p0 =	sgt.f32 s29, $5.000000000e-01;
	v61 =	vld [tilespmem:s15+$0x94];
	v12 =	vtrunc.f32 v14  }
0x15f: {  	s18 =	simm.f32 $1.000000000e+00;
	p1 =	sgt.f32 s28, $5.000000000e-01;
	v10 =	vand.u32 $0xF, v10;
	v27 =	vld [tilespmem:s15+$0x180];
	v9 =	vtrunc.f32 v9;
	v12 =	vcvt.f32.s32 v12  }
0x160: {  	s19 =	simm.f32 $1.000000000e+00;
	s18 =	simm.s32 @!p0 $0x0;
	v32 =	vld [tilespmem:s15+$0x14];
	vm3 =	veq.s32 v11, v5;
	v9 =	vcvt.f32.s32 v9;
	v53 =	vperm.xlane v15, v0  }
0x161: {  	s19 =	simm.s32 @!p1 $0x0;
	v14 =	vmov s18;
	v54 =	vperm.xlane v13, v0;
	v56 =	vperm.xlane v18, v0  }
0x162: {  	v14 =	vsel vm0, s19, v14;
	v57 =	vperm.xlane v17, v0;
	v59 =	vperm.xlane v19, v0  }
0x163: {  	vm1 =	vgt.f32 v14, $5.000000000e-01;
	v60 =	vperm.xlane v16, v0;
	v30 =	vperm.xlane v58, v0  }
0x164: {  	v12 =	vand.u32 $0xFF, v12;
	v31 =	vperm.xlane v55, v0;
	v63 =	vperm.xlane v61, v0  }
0x165: {  	(v2sf) =	vpush v27, $0x2;
	v34 =	vperm.xlane v32, v0;
	v9 =	vsel vm1, v12, v9  }
0x166: {  	vm1 =	vmmov vm2;
	vm2 =	veq.s32 v10, v5;
	v12 =	vnsel vm3, $0x0, v51  }
0x167: {  	v11 =	vperm.xlane v9, v7;
	v9 =	vperm.xlane v9, v8;
	v13 =	vsel vm0, v13, v53  }
0x168: {  	v22 =	vsel vm0, v54, v15;
	v17 =	vsel vm0, v17, v56;
	v18 =	vsel vm0, v57, v18  }
0x169: {  	v16 =	vsel vm0, v16, v59;
	v19 =	vsel vm0, v60, v19;
	v23 =	vsel vm0, v55, v30  }
0x16a: {  	v20 =	vsel vm0, v31, v58;
	v38 =	vsel vm0, v32, v63;
	v24 =	vsel vm0, v34, v61  }
0x16b: {  	v15 =	vmax.f32 v13, v22;
	v25 =	vmax.f32 v17, v18;
	v26 =	vmax.f32 v16, v19  }
0x16c: {  	v36 =	vmax.f32 v23, v20;
	v42 =	vmax.f32 v38, v24;
	v62 =	vperm.xlane v15, v1  }
0x16d: {  	v10 =	vand.u32 $0xF, v11;
	v28 =	vperm.xlane v25, v1;
	v29 =	vperm.xlane v26, v1  }
0x16e: {  	v11 =	vshrl.u32 v11, $0x4;
	v52 =	vshrl.u32 v9, $0x4;
	v21 =	vmax.f32 v15, v62;
	v15 =	vld [tilespmem:s15+$0x100]  }
0x16f: {  	v25 =	vmax.f32 v25, v28;
	v26 =	vmax.f32 v26, v29;
	v33 =	vperm.xlane v21, v2  }
0x170: {  	v9 =	vand.u32 $0xF, v9;
	v28 =	vperm.xlane v25, v2;
	v29 =	vperm.xlane v26, v2  }
0x171: {  	v44 =	vperm.xlane v42, v1;
	v45 =	vperm.xlane v36, v1;
	v21 =	vmax.f32 v21, v33  }
0x172: {  	v25 =	vmax.f32 v25, v28;
	v26 =	vmax.f32 v26, v29;
	v33 =	vperm.xlane v21, v3  }
0x173: {  	v28 =	vperm.xlane v25, v3;
	v29 =	vperm.xlane v26, v3;
	(v2sf) =	vpush v15, $0x1  }
0x174: {  	v14 =	vand.u32 $0xF, v11;
	v21 =	vmax.f32 v21, v33;
	(v2sf) =	vpush v27, $0x1  }
0x175: {  	vm3 =	veq.f32 v13, v21;
	v13 =	vmax.f32 v25, v28;
	v28 =	vmax.f32 v26, v29  }
0x176: {  	vm4 =	veq.f32 v17, v13;
	vm5 =	veq.f32 v16, v28;
	vm6 =	veq.f32 v19, v28  }
0x177: {  	vm7 =	veq.f32 v18, v13;
	v13 =	vnsel vm5, $0x41800000, v4;
	v16 =	vnsel vm6, $0x41800000, v6  }
0x178: {  	s25 =	spop (v2sf);
	v43 =	vld [tilespmem:s15+$0x0];
	v17 =	vnsel vm4, $0x41800000, v4;
	v18 =	vnsel vm7, $0x41800000, v6;
	v13 =	vmin.f32 v13, v16  }
0x179: {  	s24 =	spop (v2sf);
	v49 =	vld [tilespmem:s15+$0x80];
	vm4 =	veq.f32 v22, v21;
	v16 =	vmin.f32 v17, v18;
	v17 =	vperm.xlane v13, v1  }
0x17a: {  	s23 =	spop (v2sf);
	v18 =	vnsel vm3, $0x41800000, v4;
	v19 =	vnsel vm4, $0x41800000, v6;
	v29 =	vperm.xlane v16, v1  }
0x17b: {  	s22 =	spop (v2sf);
	v33 =	vld [tilespmem:s15+$0x84];
	(v2sf) =	vpush v27, $0x0;
	v18 =	vmin.f32 v18, v19;
	v13 =	vmin.f32 v13, v17  }
0x17c: {  	s21 =	spop (v2sf);
	v19 =	vperm.xlane v18, v1;
	v17 =	vld [tilespmem:s15+$0x4];
	v16 =	vmin.f32 v16, v29;
	v35 =	vperm.xlane v13, v2  }
0x17d: {  	s20 =	spop (v2sf);
	v11 =	vand.u32 $0xF, v52;
	(v2sf) =	vpush v43, $0x1;
	v37 =	vperm.xlane v16, v2  }
0x17e: {  	s30 =	spop (v2sf);
	(v2sf) =	vpush v49, $0x1;
	v18 =	vmin.f32 v18, v19;
	v13 =	vmin.f32 v13, v35  }
0x17f: {  	v19 =	vperm.xlane v18, v2;
	v16 =	vmin.f32 v16, v37;
	v21 =	vperm.xlane v13, v3  }
0x180: {  	(v2sf) =	vpush v43, $0x2;
	v39 =	vperm.xlane v33, v0;
	v40 =	vperm.xlane v16, v3  }
0x181: {  	v18 =	vmin.f32 v18, v19;
	v41 =	vperm.xlane v17, v0;
	v13 =	vmin.f32 v13, v21  }
0x182: {  	v19 =	vperm.xlane v18, v3;
	v16 =	vmin.f32 v16, v40;
	v13 =	vtrunc.f32 v13  }
0x183: {  	(v2sf) =	vpush v49, $0x2;
	v16 =	vmul.f32 $1.600000000e+01, v16;
	v13 =	vcvt.f32.s32 v13  }
0x184: {  	v17 =	vsel vm0, v17, v39;
	v21 =	vmax.f32 v42, v44;
	v18 =	vmin.f32 v18, v19  }
0x185: {  	s31 =	spop (v2sf);
	v19 =	vmax.f32 v36, v45;
	v16 =	vadd.f32 v16, v18;
	v13 =	vshll.u32 v13, $0x17  }
0x186: {  	v51 =	vperm.xlane v21, v2;
	s29 =	spop (v2sf);
	v48 =	vperm.xlane v19, v2;
	v46 =	vadd.s32 $0x3F800000, v13  }
0x187: {  	v18 =	vsel vm0, v41, v33;
	p0 =	sgt.f32 s29, $5.000000000e-01;
	v13 =	vsub.s32 $0x3F800000, v13;
	v22 =	vmul.f32 v46, v16  }
0x188: {  	s26 =	simm.f32 $1.000000000e+00;
	p1 =	sgt.f32 s31, $5.000000000e-01;
	v21 =	vmax.f32 v21, v51;
	v19 =	vmax.f32 v19, v48;
	v13 =	vmul.f32 v13, v16  }
0x189: {  	s16 =	simm.f32 $1.000000000e+00;
	v47 =	vmax.f32 v17, v18;
	s26 =	simm.s32 @!p0 $0x0;
	v52 =	vperm.xlane v19, v3;
	v22 =	vtrunc.f32 v22  }
0x18a: {  	s16 =	simm.s32 @!p1 $0x0;
	v50 =	vmov s26;
	v13 =	vtrunc.f32 v13;
	v22 =	vcvt.f32.s32 v22  }
0x18b: {  	v16 =	vperm.xlane v47, v1;
	v30 =	vsel vm0, s16, v50;
	v13 =	vcvt.f32.s32 v13  }
0x18c: {  	v54 =	vperm.xlane v21, v3;
	vm3 =	vgt.f32 v30, $5.000000000e-01;
	v22 =	vand.u32 $0xFF, v22  }
0x18d: {  	v19 =	vmax.f32 v19, v52;
	v16 =	vmax.f32 v47, v16;
	v22 =	vsel vm3, v22, v13  }
0x18e: {  	vm4 =	veq.f32 v20, v19;
	v13 =	vperm.xlane v16, v2;
	v53 =	vperm.xlane v22, v8  }
0x18f: {  	(v2sf) =	vpush v15, $0x2;
	v21 =	vmax.f32 v21, v54;
	v56 =	vnsel vm4, $0x41800000, v6  }
0x190: {  	p0 =	sgt.f32 s30, $5.000000000e-01;
	vm4 =	veq.f32 v24, v21;
	v16 =	vmax.f32 v16, v13;
	v13 =	vshrl.u32 v53, $0x4  }
0x191: {  	s29 =	simm.f32 $1.000000000e+00;
	s30 =	ssub.f32 $1.000000000e+00, s26;
	vm3 =	veq.f32 v23, v19;
	v55 =	vperm.xlane v16, v3;
	v19 =	vand.u32 $0xF, v13  }
0x192: {  	s29 =	simm.s32 @!p0 $0x0;
	vm5 =	veq.s32 v19, v5;
	v19 =	vnsel vm3, $0x41800000, v4;
	vm3 =	veq.f32 v38, v21  }
0x193: {  	s31 =	spop (v2sf);
	s28 =	smul.f32 s30, s29;
	v16 =	vmax.f32 v16, v55;
	v21 =	vnsel vm4, $0x41800000, v6;
	v58 =	vnsel vm3, $0x41800000, v4  }
0x194: {  	p2 =	sgt.f32 s23, $5.000000000e-01;
	s23 =	simm.f32 $1.000000000e+00;
	p0 =	sge.f32 s31, $5.000000000e-01;
	v19 =	vmin.f32 v19, v56;
	vm3 =	veq.f32 v17, v16;
	v17 =	vmin.f32 v58, v21  }
0x195: {  	p1 =	sgt.f32 s24, $5.000000000e-01;
	s26 =	sadd.f32 s28, s26;
	s28 =	simm.f32 $2.000000000e+00;
	v59 =	vperm.xlane v19, v1;
	v60 =	vnsel vm3, $0x41800000, v4;
	vm3 =	veq.f32 v18, v16  }
0x196: {  	(v2sf) =	vpush v43, $0x0;
	s24 =	simm.f32 $1.000000000e+00;
	s28 =	simm.s32 @!p0 $0x0;
	p0 =	sgt.f32 s25, $5.000000000e-01;
	v16 =	vperm.xlane v17, v1;
	v18 =	vnsel vm3, $0x41800000, v6  }
0x197: {  	(v2sf) =	vpush v49, $0x0;
	s23 =	simm.s32 @!p1 $0x0;
	p1 =	sge.f32 s22, $5.000000000e-01;
	s30 =	ssub.f32 $1.000000000e+00, s19;
	v19 =	vmin.f32 v19, v59;
	v18 =	vmin.f32 v60, v18  }
0x198: {  	s31 =	ssub.f32 $1.000000000e+00, s18;
	s26 =	smul.f32 s26, s28;
	s24 =	simm.s32 @!p0 $0x0;
	v20 =	vperm.xlane v19, v2;
	v21 =	vperm.xlane v18, v1;
	v16 =	vmin.f32 v17, v16  }
0x199: {  	vm6 =	veq.s32 v11, v5;
	s24 =	smul.f32 s30, s24;
	s30 =	spop (v2sf);
	(v2sf) =	vpush v15, $0x0;
	v17 =	vperm.xlane v16, v2  }
0x19a: {  	s29 =	ssub.f32 $1.000000000e+00, s17;
	s25 =	smul.f32 s31, s23;
	v13 =	vmov s26;
	v19 =	vmin.f32 v19, v20;
	v18 =	vmin.f32 v18, v21  }
0x19b: {  	s23 =	simm.f32 $1.000000000e+00;
	s28 =	simm.f32 $1.000000000e+00;
	s31 =	spop (v2sf);
	v20 =	vperm.xlane v19, v3;
	v21 =	vperm.xlane v18, v2;
	v17 =	vmin.f32 v16, v17  }
0x19c: {  	s28 =	simm.s32 @!p2 $0x0;
	p0 =	sge.f32 s21, $5.000000000e-01;
	p2 =	sgt.f32 s31, $5.000000000e-01;
	vm4 =	veq.s32 v14, v5;
	v57 =	vnsel vm5, $0x0, v13;
	v15 =	vperm.xlane v17, v3  }
0x19d: {  	s18 =	sadd.f32 s25, s18;
	s29 =	smul.f32 s29, s28;
	s26 =	simm.f32 $2.000000000e+00;
	v16 =	vmin.f32 v19, v20;
	v19 =	vperm.xlane v22, v7;
	v18 =	vmin.f32 v18, v21  }
0x19e: {  	s19 =	sadd.f32 s24, s19;
	s26 =	simm.s32 @!p1 $0x0;
	s23 =	simm.s32 @!p2 $0x0;
	v20 =	vtrunc.f32 v16;
	v21 =	vperm.xlane v18, v3;
	v15 =	vmin.f32 v17, v15  }
0x19f: {  	p1 =	sge.f32 s20, $5.000000000e-01;
	s20 =	simm.f32 $2.000000000e+00;
	p2 =	sgt.f32 s30, $5.000000000e-01;
	v62 =	vmov s23;
	v17 =	vcvt.f32.s32 v20;
	v61 =	vmul.f32 $1.600000000e+01, v15  }
0x1a0: {  	s28 =	sadd.f32 s29, s17;
	s24 =	simm.f32 $1.000000000e+00;
	s20 =	simm.s32 @!p0 $0x0;
	vm3 =	veq.s32 v10, v5;
	v16 =	vand.u32 $0xF, v53;
	v18 =	vmin.f32 v18, v21  }
0x1a1: {  	s19 =	smul.f32 s19, s26;
	s26 =	simm.f32 $2.000000000e+00;
	s24 =	simm.s32 @!p2 $0x0;
	v15 =	vand.u32 $0xF, v19;
	v17 =	vshll.u32 v17, $0x17;
	v18 =	vadd.f32 v61, v18  }
0x1a2: {  	s22 =	ssub.f32 $1.000000000e+00, s16;
	s26 =	simm.s32 @!p1 $0x0;
	s21 =	smul.f32 s18, s20;
	v19 =	vshrl.u32 v19, $0x4;
	v21 =	vsel vm0, s24, v62;
	v63 =	vadd.s32 $0x3F800000, v17  }
0x1a3: {  	[tilespmem:s14+$0x1B4] =	vst.add.f32.msk $0xffff, v12;
	s20 =	smul.f32 s28, s26;
	s26 =	ssub.f32 $1.000000000e+00, s23;
	v19 =	vand.u32 $0xF, v19;
	v17 =	vsub.s32 $0x3F800000, v17;
	v12 =	vmul.f32 v63, v18  }
0x1a4: {  	s17 =	simm.s32 $0x2;
	[tilespmem:s15+$0x1C4] =	vst.add.f32.msk $0xffff, v57;
	s18 =	simm.s32 $0x8400;
	s25 =	ssub.f32 $1.000000000e+00, s24;
	vm5 =	vgt.f32 v21, $5.000000000e-01;
	vm9 =	veq.s32 v19, v5;
	v14 =	vmul.f32 v17, v18  }
.LBB2_4:
0x1a5: {  	v10 =	vtrunc.f32 v12  }
0x1a6: {  	v11 =	vtrunc.f32 v14;
	vm8 =	veq.s32 v9, v5;
	vm7 =	vmmov vm2  }
0x1a7: {  	v18 =	vld [tilespmem:s18+$0x104];
	s28 =	spop (v2sf);
	vm10 =	vmmov vm1;
	vm1 =	vmmov vm9;
	vm2 =	veq.s32 v15, v5  }
0x1a8: {  	v17 =	vmov s20;
	s20 =	simm.f32 $1.000000000e+00;
	v9 =	vld [tilespmem:s18+$0x184];
	p2 =	sgt.f32 s28, $5.000000000e-01;
	v10 =	vcvt.f32.s32 v10;
	v11 =	vcvt.f32.s32 v11;
	s28 =	spop (v2sf)  }
0x1a9: {  	vm9 =	veq.s32 v16, v5;
	v12 =	vmov s19;
	v15 =	vmov s21;
	s17 =	sadd.s32 $0x2, s17;
	v14 =	vld [tilespmem:s18+$0x114];
	p0 =	sgt.f32 s28, $5.000000000e-01;
	s28 =	spop (v2sf)  }
0x1aa: {  	v19 =	vnsel vm4, $0x0, v12;
	v16 =	vld [tilespmem:s18+$0x194];
	v10 =	vand.u32 $0xFF, v10;
	p1 =	sgt.f32 s28, $5.000000000e-01;
	s19 =	spop (v2sf);
	s28 =	simm.f32 $1.000000000e+00  }
0x1ab: {  	v21 =	vnsel vm6, $0x0, v15;
	v22 =	vnsel vm10, $0x0, v17;
	s20 =	simm.s32 @!p2 $0x0;
	v20 =	vld [tilespmem:s18+$0x124];
	v10 =	vsel vm5, v10, v11;
	s21 =	spop (v2sf);
	s28 =	simm.s32 @!p0 $0x0  }
0x1ac: {  	v25 =	vnsel vm3, $0x0, v12;
	s20 =	smul.f32 s25, s20;
	s25 =	simm.f32 $1.000000000e+00;
	v23 =	vld [tilespmem:s18+$0x1A4];
	v11 =	vperm.xlane v10, v7;
	v24 =	vperm.xlane v10, v8;
	s29 =	spop (v2sf)  }
0x1ad: {  	v27 =	vnsel vm9, $0x0, v13;
	v28 =	vnsel vm8, $0x0, v15;
	v29 =	vnsel vm7, $0x0, v17;
	p0 =	slt.u32 s17, $0x7E;
	s25 =	simm.s32 @!p1 $0x0;
	p1 =	sge.f32 s19, $5.000000000e-01;
	v26 =	vld [tilespmem:s18+$0x24]  }
0x1ae: {  	s19 =	smul.f32 s26, s28;
	p2 =	sge.f32 s21, $5.000000000e-01;
	v30 =	vld [tilespmem:s18+$0xA4];
	v10 =	vand.u32 $0xF, v11;
	v11 =	vshrl.u32 v11, $0x4;
	v13 =	vshrl.u32 v24, $0x4  }
0x1af: {  	v32 =	vperm.xlane v18, v0;
	v15 =	vperm.xlane v9, v0;
	s21 =	smul.f32 s22, s25;
	s20 =	sadd.f32 s20, s24;
	v31 =	vld [tilespmem:s18+$0x14];
	v12 =	vand.u32 $0xF, v11  }
0x1b0: {  	p3 =	sge.f32 s29, $5.000000000e-01;
	s22 =	simm.f32 $2.000000000e+00;
	s24 =	simm.f32 $2.000000000e+00;
	v35 =	vperm.xlane v14, v0;
	v34 =	vperm.xlane v16, v0;
	v11 =	vand.u32 $0xF, v13;
	v33 =	vld [tilespmem:s18+$0x94]  }
0x1b1: {  	s22 =	simm.s32 @!p1 $0x0;
	s23 =	sadd.f32 s19, s23;
	s24 =	simm.s32 @!p2 $0x0;
	v36 =	vsel vm0, v18, v15;
	v15 =	vperm.xlane v20, v0;
	v17 =	vld [tilespmem:s18+$0x84];
	v13 =	vperm.xlane v23, v0  }
0x1b2: {  	v32 =	vsel vm0, v32, v9;
	s16 =	sadd.f32 s21, s16;
	s19 =	smul.f32 s20, s22;
	s20 =	simm.f32 $2.000000000e+00;
	v35 =	vsel vm0, v35, v16;
	v34 =	vsel vm0, v14, v34;
	v18 =	vld [tilespmem:s18+$0x4]  }
0x1b3: {  	v16 =	vmax.f32 v36, v32;
	s20 =	simm.s32 @!p3 $0x0;
	v23 =	vsel vm0, v15, v23;
	v14 =	vld [tilespmem:s18+$0x0];
	v20 =	vsel vm0, v20, v13  }
0x1b4: {  	s21 =	smul.f32 s23, s24;
	v37 =	vmax.f32 v34, v35;
	v13 =	vperm.xlane v16, v1;
	v38 =	vmax.f32 v20, v23;
	v39 =	vld [tilespmem:s18+$0x180]  }
0x1b5: {  	v9 =	vand.u32 $0xF, v24;
	s20 =	smul.f32 s16, s20;
	v40 =	vperm.xlane v37, v1;
	v15 =	vld [tilespmem:s18+$0x80];
	v41 =	vperm.xlane v38, v1  }
0x1b6: {  	v42 =	vperm.xlane v26, v0;
	v24 =	vperm.xlane v30, v0;
	v43 =	vmax.f32 v16, v13;
	v16 =	vld [tilespmem:s18+$0x100]  }
0x1b7: {  	v37 =	vmax.f32 v37, v40;
	v44 =	vperm.xlane v43, v2;
	v38 =	vmax.f32 v38, v41;
	[tilespmem:s14+$0x44] =	vst.add.f32.msk $0xffff, v19  }
0x1b8: {  	v13 =	vsel vm0, v26, v24;
	v19 =	vperm.xlane v37, v2;
	v24 =	vperm.xlane v38, v2;
	[tilespmem:s14+$0xC4] =	vst.add.f32.msk $0xffff, v21  }
0x1b9: {  	v21 =	vperm.xlane v33, v0;
	v26 =	vmax.f32 v43, v44;
	(v2sf) =	vpush v39, $0x2;
	[tilespmem:s14+$0x144] =	vst.add.f32.msk $0xffff, v22  }
0x1ba: {  	v22 =	vperm.xlane v26, v3;
	v19 =	vmax.f32 v37, v19;
	v24 =	vmax.f32 v38, v24;
	[tilespmem:s14+$0x34] =	vst.add.f32.msk $0xffff, v25  }
0x1bb: {  	v25 =	vperm.xlane v19, v3;
	v37 =	vperm.xlane v24, v3;
	(v2sf) =	vpush v16, $0x1;
	[tilespmem:s14+$0xB4] =	vst.add.f32.msk $0xffff, v28  }
0x1bc: {  	v28 =	vperm.xlane v31, v0;
	v22 =	vmax.f32 v26, v22;
	(v2sf) =	vpush v39, $0x1;
	[tilespmem:s14+$0x134] =	vst.add.f32.msk $0xffff, v29;
	s14 =	smov.u32 s15;
	s15 =	smov.u32 s18  }
0x1bd: {  	vm3 =	veq.f32 v36, v22;
	v19 =	vmax.f32 v19, v25;
	v24 =	vmax.f32 v24, v37;
	[tilespmem:s14+$0x1B4] =	vst.add.f32.msk $0xffff, v27  }
0x1be: {  	vm4 =	veq.f32 v34, v19;
	vm5 =	veq.f32 v20, v24;
	vm6 =	veq.f32 v23, v24  }
0x1bf: {  	vm7 =	veq.f32 v35, v19;
	v19 =	vnsel vm5, $0x41800000, v4;
	v20 =	vnsel vm6, $0x41800000, v6  }
0x1c0: {  	v23 =	vnsel vm4, $0x41800000, v4;
	v24 =	vnsel vm7, $0x41800000, v6;
	v19 =	vmin.f32 v19, v20  }
0x1c1: {  	vm4 =	veq.f32 v32, v22;
	v20 =	vmin.f32 v23, v24;
	v22 =	vperm.xlane v19, v1  }
0x1c2: {  	v23 =	vnsel vm3, $0x41800000, v4;
	v24 =	vnsel vm4, $0x41800000, v6;
	v25 =	vperm.xlane v20, v1  }
0x1c3: {  	v26 =	vsel vm0, v42, v30;
	v23 =	vmin.f32 v23, v24;
	v19 =	vmin.f32 v19, v22  }
0x1c4: {  	v22 =	vperm.xlane v23, v1;
	v20 =	vmin.f32 v20, v25;
	v24 =	vperm.xlane v19, v2  }
0x1c5: {  	v25 =	vmax.f32 v13, v26;
	v27 =	vperm.xlane v20, v2;
	(v2sf) =	vpush v39, $0x0  }
0x1c6: {  	v21 =	vsel vm0, v31, v21;
	v22 =	vmin.f32 v23, v22;
	v19 =	vmin.f32 v19, v24  }
0x1c7: {  	v23 =	vperm.xlane v22, v2;
	v20 =	vmin.f32 v20, v27;
	v24 =	vperm.xlane v19, v3  }
0x1c8: {  	v28 =	vsel vm0, v28, v33;
	v27 =	vperm.xlane v17, v0;
	v29 =	vperm.xlane v20, v3;
	s16 =	spop (v2sf)  }
0x1c9: {  	v30 =	vperm.xlane v18, v0;
	v22 =	vmin.f32 v22, v23;
	v19 =	vmin.f32 v19, v24  }
0x1ca: {  	v23 =	vperm.xlane v22, v3;
	v20 =	vmin.f32 v20, v29;
	v19 =	vtrunc.f32 v19;
	s22 =	spop (v2sf)  }
0x1cb: {  	v24 =	vmax.f32 v21, v28;
	v20 =	vmul.f32 $1.600000000e+01, v20;
	v19 =	vcvt.f32.s32 v19;
	s23 =	spop (v2sf)  }
0x1cc: {  	v31 =	vperm.xlane v25, v1;
	v29 =	vperm.xlane v24, v1;
	v22 =	vmin.f32 v22, v23  }
0x1cd: {  	v18 =	vsel vm0, v18, v27;
	v20 =	vadd.f32 v20, v22;
	v19 =	vshll.u32 v19, $0x17  }
0x1ce: {  	v17 =	vsel vm0, v30, v17;
	v22 =	vmax.f32 v25, v31;
	v23 =	vadd.s32 $0x3F800000, v19  }
0x1cf: {  	v25 =	vmax.f32 v18, v17;
	p1 =	sgt.f32 s23, $5.000000000e-01;
	v19 =	vsub.s32 $0x3F800000, v19;
	v23 =	vmul.f32 v23, v20  }
0x1d0: {  	p2 =	sgt.f32 s22, $5.000000000e-01;
	v24 =	vmax.f32 v24, v29;
	s23 =	simm.f32 $1.000000000e+00;
	v27 =	vperm.xlane v22, v2;
	v19 =	vmul.f32 v19, v20  }
0x1d1: {  	s23 =	simm.s32 @!p1 $0x0;
	p1 =	sgt.f32 s16, $5.000000000e-01;
	s16 =	simm.f32 $1.000000000e+00;
	v20 =	vperm.xlane v25, v1;
	v23 =	vtrunc.f32 v23;
	(v2sf) =	vpush v14, $0x1  }
0x1d2: {  	s25 =	simm.f32 $1.000000000e+00;
	s16 =	simm.s32 @!p2 $0x0;
	s24 =	ssub.f32 $1.000000000e+00, s23;
	v29 =	vmov s23;
	v19 =	vtrunc.f32 v19;
	v23 =	vcvt.f32.s32 v23  }
0x1d3: {  	v30 =	vperm.xlane v24, v2;
	s22 =	ssub.f32 $1.000000000e+00, s16;
	s25 =	simm.s32 @!p1 $0x0;
	v29 =	vsel vm0, s16, v29;
	v19 =	vcvt.f32.s32 v19  }
0x1d4: {  	v22 =	vmax.f32 v22, v27;
	s24 =	smul.f32 s24, s25;
	vm3 =	vgt.f32 v29, $5.000000000e-01;
	v23 =	vand.u32 $0xFF, v23;
	s25 =	spop (v2sf)  }
0x1d5: {  	v20 =	vmax.f32 v25, v20;
	v25 =	vperm.xlane v22, v3;
	p1 =	sge.f32 s25, $5.000000000e-01;
	v19 =	vsel vm3, v23, v19  }
0x1d6: {  	v24 =	vmax.f32 v24, v30;
	s23 =	sadd.f32 s24, s23;
	s24 =	simm.f32 $2.000000000e+00;
	v23 =	vperm.xlane v20, v2;
	v27 =	vperm.xlane v19, v8  }
0x1d7: {  	v29 =	vperm.xlane v24, v3;
	v22 =	vmax.f32 v22, v25;
	s24 =	simm.s32 @!p1 $0x0;
	(v2sf) =	vpush v15, $0x1  }
0x1d8: {  	vm3 =	veq.f32 v13, v22;
	v20 =	vmax.f32 v20, v23;
	s23 =	smul.f32 s23, s24;
	v13 =	vshrl.u32 v27, $0x4  }
0x1d9: {  	vm4 =	veq.f32 v26, v22;
	v23 =	vmax.f32 v24, v29;
	v22 =	vand.u32 $0xF, v13  }
0x1da: {  	v24 =	vperm.xlane v20, v3;
	v13 =	vmov s23;
	vm5 =	veq.s32 v22, v5  }
0x1db: {  	v25 =	vnsel vm4, $0x41800000, v6;
	v22 =	vnsel vm3, $0x41800000, v4;
	v26 =	vnsel vm5, $0x0, v13  }
0x1dc: {  	vm4 =	veq.f32 v28, v23;
	vm3 =	veq.f32 v21, v23;
	v21 =	vmin.f32 v22, v25;
	[tilespmem:s18+$0x1C4] =	vst.add.f32.msk $0xffff, v26  }
0x1dd: {  	v20 =	vmax.f32 v20, v24;
	v23 =	vnsel vm4, $0x41800000, v6;
	v22 =	vnsel vm3, $0x41800000, v4  }
0x1de: {  	vm3 =	veq.f32 v18, v20;
	v18 =	vmin.f32 v22, v23;
	v22 =	vperm.xlane v21, v1  }
0x1df: {  	v23 =	vnsel vm3, $0x41800000, v4;
	vm3 =	veq.f32 v17, v20;
	v17 =	vperm.xlane v18, v1  }
0x1e0: {  	v20 =	vnsel vm3, $0x41800000, v6;
	v21 =	vmin.f32 v21, v22;
	s23 =	spop (v2sf);
	(v2sf) =	vpush v14, $0x2  }
0x1e1: {  	v20 =	vmin.f32 v23, v20;
	v22 =	vperm.xlane v21, v2;
	p1 =	sgt.f32 s23, $5.000000000e-01;
	(v2sf) =	vpush v15, $0x2  }
0x1e2: {  	s24 =	simm.f32 $1.000000000e+00;
	v23 =	vperm.xlane v20, v1;
	v17 =	vmin.f32 v18, v17;
	(v2sf) =	vpush v16, $0x2  }
0x1e3: {  	v18 =	vperm.xlane v17, v2;
	v21 =	vmin.f32 v21, v22;
	s24 =	simm.s32 @!p1 $0x0;
	(v2sf) =	vpush v14, $0x0  }
0x1e4: {  	v14 =	vmin.f32 v20, v23;
	v20 =	vperm.xlane v21, v3;
	s25 =	ssub.f32 $1.000000000e+00, s24;
	(v2sf) =	vpush v15, $0x0  }
0x1e5: {  	v17 =	vmin.f32 v17, v18;
	v15 =	vperm.xlane v14, v2;
	(v2sf) =	vpush v16, $0x0  }
0x1e6: {  	v19 =	vperm.xlane v19, v7;
	v18 =	vperm.xlane v17, v3;
	v16 =	vmin.f32 v21, v20;
	s23 =	spop (v2sf)  }
0x1e7: {  	v14 =	vmin.f32 v14, v15;
	v15 =	vtrunc.f32 v16;
	v16 =	vand.u32 $0xF, v27;
	p1 =	sgt.f32 s23, $5.000000000e-01  }
0x1e8: {  	v17 =	vmin.f32 v17, v18;
	v20 =	vperm.xlane v14, v3;
	v18 =	vcvt.f32.s32 v15;
	s23 =	simm.f32 $1.000000000e+00  }
0x1e9: {  	v17 =	vmul.f32 $1.600000000e+01, v17;
	v15 =	vand.u32 $0xF, v19;
	v19 =	vshrl.u32 v19, $0x4;
	s23 =	simm.s32 @!p1 $0x0  }
.Ltmp1:
0x1ea: {  	v14 =	vmin.f32 v14, v20;
	v18 =	vshll.u32 v18, $0x17;
	s26 =	ssub.f32 $1.000000000e+00, s23;
	v20 =	vmov s23;
	(pc) =	sbr.rel @p0 .LBB2_4-.Ltmp1, $4  }
0x1eb: {  	v14 =	vadd.f32 v17, v14;
	v17 =	vadd.s32 $0x3F800000, v18;
	v18 =	vsub.s32 $0x3F800000, v18  }
0x1ec: {  	vm4 =	veq.s32 v12, v5;
	v19 =	vand.u32 $0xF, v19;
	v20 =	vsel vm0, s24, v20  }
0x1ed: {  	v12 =	vmul.f32 v17, v14;
	v14 =	vmul.f32 v18, v14;
	vm5 =	vgt.f32 v20, $5.000000000e-01  }
0x1ee: {  	vm6 =	veq.s32 v11, v5;
	s18 =	sadd.s32 $0x200, s18;
	vm3 =	veq.s32 v10, v5;
	vm9 =	veq.s32 v19, v5  }
0x1ef: {  	s17 =	spop (v2sf)  }
0x1f0: {  	s18 =	spop (v2sf);
	p0 =	sgt.f32 s17, $5.000000000e-01  }
0x1f1: {  	s17 =	simm.f32 $1.000000000e+00;
	s30 =	spop (v2sf);
	p2 =	sgt.f32 s18, $5.000000000e-01  }
0x1f2: {  	v10 =	vtrunc.f32 v12;
	v11 =	vtrunc.f32 v14;
	v52 =	vmov s19;
	s18 =	simm.f32 $1.000000000e+00;
	p1 =	sgt.f32 s30, $5.000000000e-01;
	s17 =	simm.s32 @!p0 $0x0  }
0x1f3: {  	vm7 =	veq.s32 v9, v5;
	vm2 =	vmmov vm2;
	v9 =	vcvt.f32.s32 v10;
	s31 =	spop (v2sf);
	s17 =	smul.f32 s25, s17;
	s25 =	simm.f32 $1.000000000e+00  }
0x1f4: {  	vm8 =	vmmov vm1;
	vm1 =	vmmov vm9;
	v10 =	vcvt.f32.s32 v11;
	s28 =	spop (v2sf);
	p0 =	sge.f32 s31, $5.000000000e-01;
	s25 =	simm.s32 @!p2 $0x0  }
0x1f5: {  	v17 =	vmov s20;
	v53 =	vnsel vm4, $0x0, v52;
	v9 =	vand.u32 $0xFF, v9;
	s29 =	spop (v2sf);
	s18 =	simm.s32 @!p1 $0x0;
	s25 =	smul.f32 s26, s25  }
0x1f6: {  	s19 =	simm.f32 $2.000000000e+00;
	vm15 =	veq.s32 v16, v5;
	v54 =	vnsel vm8, $0x0, v17;
	[tilespmem:s14+$0x44] =	vst.add.f32.msk $0xffff, v53;
	v9 =	vsel vm5, v9, v10;
	p2 =	sge.f32 s28, $5.000000000e-01;
	s18 =	smul.f32 s22, s18  }
0x1f7: {  	s20 =	simm.f32 $2.000000000e+00;
	v11 =	vmov s21;
	v57 =	vnsel vm2, $0x0, v17;
	[tilespmem:s14+$0x144] =	vst.add.f32.msk $0xffff, v54;
	v55 =	vperm.xlane v9, v7;
	s17 =	sadd.f32 s17, s24;
	p1 =	sge.f32 s29, $5.000000000e-01  }
0x1f8: {  	v56 =	vnsel vm15, $0x0, v13;
	[tilespmem:s14+$0x134] =	vst.add.f32.msk $0xffff, v57;
	v10 =	vnsel vm6, $0x0, v11;
	v9 =	vperm.xlane v9, v8;
	s19 =	simm.s32 @!p0 $0x0;
	s20 =	simm.s32 @!p2 $0x0;
	s30 =	sadd.f32 s25, s23  }
0x1f9: {  	vm1 =	vmmov vm1;
	v11 =	vnsel vm7, $0x0, v11;
	[tilespmem:s14+$0xC4] =	vst.add.f32.msk $0xffff, v10;
	v58 =	vshrl.u32 v55, $0x4;
	s16 =	sadd.f32 s18, s16;
	s17 =	smul.f32 s17, s19;
	s18 =	simm.f32 $2.000000000e+00  }
0x1fa: {  	v10 =	vnsel vm3, $0x0, v52;
	[tilespmem:s14+$0xB4] =	vst.add.f32.msk $0xffff, v11;
	v59 =	vshrl.u32 v9, $0x4;
	v14 =	vand.u32 $0xF, v58;
	s18 =	simm.s32 @!p1 $0x0;
	s31 =	smul.f32 s30, s20  }
0x1fb: {  	[tilespmem:s14+$0x34] =	vst.add.f32.msk $0xffff, v10;
	v11 =	vand.u32 $0xF, v59;
	vm2 =	veq.s32 v14, v5;
	s16 =	smul.f32 s16, s18;
	v60 =	vmov s17  }
0x1fc: {  	[tilespmem:s15+$0x1B4] =	vst.add.f32.msk $0xffff, v56;
	vm3 =	veq.s32 v11, v5;
	v61 =	vnsel vm2, $0x0, v60;
	v11 =	vmov s31  }
0x1fd: {  	v10 =	vand.u32 $0xF, v55;
	v62 =	vmov s16;
	[tilespmem:s15+$0x44] =	vst.add.f32.msk $0xffff, v61;
	v63 =	vnsel vm3, $0x0, v11  }
0x1fe: {  	v9 =	vand.u32 $0xF, v9;
	vm2 =	veq.s32 v10, v5;
	v10 =	vnsel vm1, $0x0, v62;
	[tilespmem:s15+$0xC4] =	vst.add.f32.msk $0xffff, v63  }
0x1ff: {  	vm1 =	veq.s32 v15, v5;
	vm3 =	veq.s32 v9, v5;
	v9 =	vnsel vm2, $0x0, v60;
	[tilespmem:s15+$0x144] =	vst.add.f32.msk $0xffff, v10  }
0x200: {  	vm1 =	vmmov vm1;
	v10 =	vnsel vm3, $0x0, v11;
	[tilespmem:s15+$0x34] =	vst.add.f32.msk $0xffff, v9  }
0x201: {  	v9 =	vnsel vm1, $0x0, v62;
	[tilespmem:s15+$0xB4] =	vst.add.f32.msk $0xffff, v10  }
0x202: {  	s13 =	sadd.s32 $0x1, s13;
	[tilespmem:s15+$0x134] =	vst.add.f32.msk $0xffff, v9  }
0x203: {  	[hbm4b:s6+s2] =	stream.linear.scatter [tilespmem:s8], [sflag:$0x4], $0x8000, $0x38;
	[tilespmem:$0x10000] =	vst v63  }
0x204: {  	p0 =	sne.s32 s13, s7;
	_ =	swait.ge [sflag:s11], $0x8000  }
.Ltmp2:
0x205: {  	[sflag:s11] =	ssyncset.done $0x0;
	(pc) =	sbr.rel @p0 .LBB2_1-.Ltmp2, $4  }
0x206: {  	[sflag:s11] =	ssyncadd.s32 $0xFFFF8000  }
0x207: {  	_ =	swait.ge [sflag:s12], $0x8000  }
0x208: {  	[sflag:s12] =	ssyncset.done $0x0  }
0x209: {  	[sflag:s12] =	ssyncadd.s32 $0xFFFF8000  }
0x20a: {  	_ =	sfence.sel $0x180000  }
0x20b: {  	[bflag:$0x0] =	sbarrier.arrive $0xFFFF  }
0x20c: {  	p0 =	sne.s32 s1, $0x0;
	_ =	strace $0x90000047  }
0x20d: {  	s0 =	sadd.s32 @!p0 $0x100000, s0;
	[bflag:$0x2] =	sbarrier.arrive $0xFFFF  }
0x20e: {  	[sflag:s0] =	ssyncadd.tile.s32 @!p0 $0x1;
	_ =	shalt  }
.Lfunc_end2:
_tile_overlayer_lowered:
.L_overlay_start_2:
0x20f: {  	(tag) =	ssettag $0x2  }
0x210: {  	s0 =	rddreg [dreg:$0x0];
	s2 =	stileid.u32  }
0x211: {  	s1 =	rddreg [dreg:$0x1];
	p0 =	sne.s32 s2, $0x0  }
0x212: {  	s3 =	rddreg [dreg:$0x2];
	[bflag:$0x3] =	sbarrier.arrive $0xFFFF;
	s2 =	simm.s32 @!p0 $0x1C05  }
0x213: {  	[timem:s3], [sflag:s2] =	dma.local @!p0 [hbm:s0], s1  }
0x214: {  	s0 =	simm.s32 @!p0 $0x5  }
0x215: {  	_ =	swait.ge @!p0 [sflag:s0], s1  }
0x216: {  	s1 =	ssub.s32 @!p0 $0x0, s1;
	[sflag:s0] =	ssyncset.done @!p0 $0x0  }
0x217: {  	[sflag:s0] =	ssyncadd.s32 @!p0 s1  }
0x218: {  	[bflag:$0x3] =	sbarrier.arrive $0xFFFF  }
0x219: {  	_ =	shalt  }

</sc_bundles>
